<compile_context>
chip_gen: v7x
topology: tpu7x:2x2x1
jax: 0.10.2.dev20260603
libtpu: 0.0.44.dev20260713+nightly
codegen_flags: <defaults>
</compile_context>

<pallas_src>
import jax
import jax.numpy as jnp
from jax import lax
from jax.experimental import pallas as pl
from jax.experimental.pallas import tpu as pltpu
from jax.experimental.pallas import tpu_sc as plsc

NUM_PROTEINS = 1000000
LATENT_DIM = 32
BATCH = 16384

NC, NS, L = 2, 16, 16
NW = NC * NS
B_PER_W = BATCH // NW
CHUNKS = B_PER_W // L
IDX_COLS = 128
IDX_ROWS = B_PER_W // IDX_COLS
RE_COLS = 16


def _sc_body(p1_hbm, p2_hbm, emb_hbm, re_hbm, beta_hbm, out_hbm,
             idx1_v, idx2_v, row1_v, row2_v, sub1_v, sub2_v,
             z1_v, z2_v, rr1_v, rr2_v, beta_v, out_v, sem):
    wid = lax.axis_index("s") * NC + lax.axis_index("c")
    base = wid * B_PER_W

    pltpu.sync_copy(p1_hbm.at[pl.ds(wid * IDX_ROWS, IDX_ROWS)], idx1_v)
    pltpu.sync_copy(p2_hbm.at[pl.ds(wid * IDX_ROWS, IDX_ROWS)], idx2_v)

    for k in range(IDX_ROWS):
        for o in range(0, IDX_COLS, L):
            s = pl.ds(o, L)
            v1 = idx1_v[k, s]
            v2 = idx2_v[k, s]
            row1_v[k, s] = lax.shift_right_logical(v1, 4)
            row2_v[k, s] = lax.shift_right_logical(v2, 4)
            d = pl.ds(k * IDX_COLS + o, L)
            sub1_v[d] = lax.bitwise_and(v1, jnp.int32(RE_COLS - 1))
            sub2_v[d] = lax.bitwise_and(v2, jnp.int32(RE_COLS - 1))

    cps = []
    for k in range(IDX_ROWS):
        sl = pl.ds(k * IDX_COLS, IDX_COLS)
        cps += [
            pltpu.async_copy(emb_hbm.at[idx1_v.at[k]], z1_v.at[sl], sem),
            pltpu.async_copy(emb_hbm.at[idx2_v.at[k]], z2_v.at[sl], sem),
            pltpu.async_copy(re_hbm.at[row1_v.at[k]], rr1_v.at[sl], sem),
            pltpu.async_copy(re_hbm.at[row2_v.at[k]], rr2_v.at[sl], sem),
        ]
    pltpu.sync_copy(beta_hbm, beta_v)
    for cp in cps:
        cp.wait()

    beta = beta_v[...]
    lane = lax.iota(jnp.int32, L)

    def chunk(c, _):
        rows = c * L + lane
        acc = jnp.zeros((L,), jnp.float32)
        for j in range(LATENT_DIM):
            col = jnp.full((L,), j, jnp.int32)
            a = plsc.load_gather(z1_v, [rows, col])
            b = plsc.load_gather(z2_v, [rows, col])
            d = a - b
            acc = acc + d * d
        sl = pl.ds(c * L, L)
        r1 = plsc.load_gather(rr1_v, [rows, sub1_v[sl]])
        r2 = plsc.load_gather(rr2_v, [rows, sub2_v[sl]])
        s = jnp.maximum(acc, jnp.float32(1e-35))
        i = lax.bitcast_convert_type(s, jnp.int32)
        i = jnp.int32(0x5F3759DF) - lax.shift_right_arithmetic(i, 1)
        y = lax.bitcast_convert_type(i, jnp.float32)
        for _ in range(3):
            y = y * (jnp.float32(1.5) - jnp.float32(0.5) * s * y * y)
        dist = s * y
        out_v[sl] = r1 + r2 - beta * dist
        return ()

    lax.fori_loop(0, CHUNKS, chunk, ())
    pltpu.sync_copy(out_v, out_hbm.at[pl.ds(base, B_PER_W)])


@jax.jit
def _run(p1, p2, emb, re_tab, beta_vec):
    mesh = plsc.VectorSubcoreMesh(core_axis_name="c", subcore_axis_name="s",
                                  num_cores=NC, num_subcores=NS)
    return pl.kernel(
        _sc_body,
        out_type=jax.ShapeDtypeStruct((BATCH,), jnp.float32),
        mesh=mesh,
        compiler_params=pltpu.CompilerParams(needs_layout_passes=False,
                                             use_tc_tiling_on_sc=False),
        scratch_types=[
            pltpu.VMEM((IDX_ROWS, IDX_COLS), jnp.int32),
            pltpu.VMEM((IDX_ROWS, IDX_COLS), jnp.int32),
            pltpu.VMEM((IDX_ROWS, IDX_COLS), jnp.int32),
            pltpu.VMEM((IDX_ROWS, IDX_COLS), jnp.int32),
            pltpu.VMEM((B_PER_W,), jnp.int32),
            pltpu.VMEM((B_PER_W,), jnp.int32),
            pltpu.VMEM((B_PER_W, LATENT_DIM), jnp.float32),
            pltpu.VMEM((B_PER_W, LATENT_DIM), jnp.float32),
            pltpu.VMEM((B_PER_W, RE_COLS), jnp.float32),
            pltpu.VMEM((B_PER_W, RE_COLS), jnp.float32),
            pltpu.VMEM((L,), jnp.float32),
            pltpu.VMEM((B_PER_W,), jnp.float32),
            pltpu.SemaphoreType.DMA,
        ],
    )(p1, p2, emb, re_tab, beta_vec)


def kernel(protein1_idx, protein2_idx, isoform_embeddings, random_effects, beta_iso):
    beta_vec = jnp.full((L,), beta_iso, jnp.float32)
    p1 = protein1_idx.astype(jnp.int32).reshape(BATCH // IDX_COLS, IDX_COLS)
    p2 = protein2_idx.astype(jnp.int32).reshape(BATCH // IDX_COLS, IDX_COLS)
    re2 = random_effects.reshape(NUM_PROTEINS // RE_COLS, RE_COLS)
    return _run(p1, p2, isoform_embeddings, re2, beta_vec)

# --- scband reference (transcript-rebuilt; emitter-appended) ---
"""Pipeline reference for scband-multimodal-ldm-70806830842236 (READ-ONLY COPY).

The authoritative reference and input builder live on the scoring server;
editing this copy changes nothing except your own understanding.
"""

import jax, jax.numpy as jnp
import numpy as np

NUM_PROTEINS = 1000000
LATENT_DIM = 32
BATCH = 16384


def setup_inputs(seed: int = 0) -> dict:
    key = jax.random.key(seed)
    k1, k2, k3, k4 = jax.random.split(key, 4)
    protein1_idx = jax.random.randint(k1, (BATCH,), 0, NUM_PROTEINS)
    protein2_idx = jax.random.randint(k2, (BATCH,), 0, NUM_PROTEINS)
    # learned parameters (esmc_features=None fallback path)
    isoform_embeddings = jax.random.normal(k3, (NUM_PROTEINS, LATENT_DIM), dtype=jnp.float32) * 0.1
    random_effects = jax.random.normal(k4, (NUM_PROTEINS, 1), dtype=jnp.float32) * 0.1
    beta_iso = jnp.array(1.0, dtype=jnp.float32)
    return {
        "protein1_idx": protein1_idx,
        "protein2_idx": protein2_idx,
        "isoform_embeddings": isoform_embeddings,
        "random_effects": random_effects,
        "beta_iso": beta_iso,
    }


def reference(protein1_idx, protein2_idx, isoform_embeddings, random_effects, beta_iso):
    # _isoform_latent (no ESM-C): plain embedding lookup
    z1 = jnp.take(isoform_embeddings, protein1_idx, axis=0)
    z2 = jnp.take(isoform_embeddings, protein2_idx, axis=0)
    # compute_distance: euclidean, torch.norm(z1 - z2, p=2, dim=1)
    dist = jnp.linalg.norm(z1 - z2, ord=2, axis=1)
    # random effects lookup + squeeze(-1)
    r1 = jnp.take(random_effects, protein1_idx, axis=0)[:, 0]
    r2 = jnp.take(random_effects, protein2_idx, axis=0)[:, 0]
    logits = r1 + r2 - beta_iso * dist
    return logits

if __name__ == "__main__":
    import jax
    _d = setup_inputs()
    print(jax.jit(kernel)(*tuple(_d.values())))

</pallas_src>

<mosaic_0001>
#map = affine_map<(d0, d1) -> (0, 0)>
#map1 = affine_map<(d0, d1) -> (0)>
module attributes {stable_mosaic.version = 14 : i64} {
  func.func @_sc_body(%arg0: i32, %arg1: i32, %arg2: memref<128x128xi32, #tpu.memory_space<hbm>>, %arg3: memref<128x128xi32, #tpu.memory_space<hbm>>, %arg4: memref<1000000x32xf32, #tpu.memory_space<hbm>>, %arg5: memref<62500x16xf32, #tpu.memory_space<hbm>>, %arg6: memref<16xf32, #tpu.memory_space<hbm>>, %arg7: memref<16384xf32, #tpu.memory_space<hbm>>, %arg8: memref<4x128xi32, #tpu.memory_space<vmem>>, %arg9: memref<4x128xi32, #tpu.memory_space<vmem>>, %arg10: memref<4x128xi32, #tpu.memory_space<vmem>>, %arg11: memref<4x128xi32, #tpu.memory_space<vmem>>, %arg12: memref<512xi32, #tpu.memory_space<vmem>>, %arg13: memref<512xi32, #tpu.memory_space<vmem>>, %arg14: memref<512x32xf32, #tpu.memory_space<vmem>>, %arg15: memref<512x32xf32, #tpu.memory_space<vmem>>, %arg16: memref<512x16xf32, #tpu.memory_space<vmem>>, %arg17: memref<512x16xf32, #tpu.memory_space<vmem>>, %arg18: memref<16xf32, #tpu.memory_space<vmem>>, %arg19: memref<512xf32, #tpu.memory_space<vmem>>, %arg20: memref<!tpu.dma_semaphore, #tpu.memory_space<semaphore_mem>>) attributes {dimension_semantics = [#tpu.dimension_semantics<core_parallel>, #tpu.dimension_semantics<subcore_parallel>], iteration_bounds = array<i64: 2, 16>, scalar_prefetch = 0 : i64, scratch_operands = 13 : i64, tpu.core_type = #tpu.core_type<sc_vector_subcore>, window_params = [{transform_indices = #map}, {transform_indices = #map}, {transform_indices = #map}, {transform_indices = #map}, {transform_indices = #map1}, {transform_indices = #map1}]} {
    %mul3A = arith.constant 2 : i32
    %mul3A_0 = arith.muli %arg1, %mul3A : i32
    %add3A = arith.addi %mul3A_0, %arg0 : i32
    %mul3A_1 = arith.constant 512 : i32
    %mul3A_2 = arith.muli %add3A, %mul3A_1 : i32
    %mul3A_3 = arith.constant 4 : i32
    %mul3A_4 = arith.muli %add3A, %mul3A_3 : i32
    "tpu.region"() ({
      %run_scoped3A = tpu.sem_alloc : memref<!tpu.dma_semaphore, #tpu.memory_space<semaphore_mem>>
      %dma_start3A_1351 = arith.constant 0 : i32
      %dma_start3A_1352 = tpu.memref_slice %arg2[%mul3A_4, %dma_start3A_1351] : memref<128x128xi32, #tpu.memory_space<hbm>> -> memref<4x128xi32, #tpu.memory_space<hbm>>
      %dma_start3A_1353 = arith.constant 0 : i32
      %dma_start3A_1354 = tpu.memref_slice %arg2[%mul3A_4, %dma_start3A_1353] : memref<128x128xi32, #tpu.memory_space<hbm>> -> memref<4x128xi32, #tpu.memory_space<hbm>>
      tpu.enqueue_dma source(%dma_start3A_1354 : memref<4x128xi32, #tpu.memory_space<hbm>>) target(%arg8 : memref<4x128xi32, #tpu.memory_space<vmem>>) target_semaphore(%run_scoped3A : memref<!tpu.dma_semaphore, #tpu.memory_space<semaphore_mem>>)
      %dma_wait3A_1355 = arith.constant 0 : i32
      %dma_wait3A_1356 = tpu.memref_slice %arg2[%mul3A_4, %dma_wait3A_1355] : memref<128x128xi32, #tpu.memory_space<hbm>> -> memref<4x128xi32, #tpu.memory_space<hbm>>
      %dma_wait3A_1357 = arith.constant 0 : i32
      %dma_wait3A_1358 = tpu.memref_slice %arg2[%mul3A_4, %dma_wait3A_1357] : memref<128x128xi32, #tpu.memory_space<hbm>> -> memref<4x128xi32, #tpu.memory_space<hbm>>
      tpu.wait_dma2 semaphore(%run_scoped3A : memref<!tpu.dma_semaphore, #tpu.memory_space<semaphore_mem>>) src(%dma_wait3A_1358 : memref<4x128xi32, #tpu.memory_space<hbm>>) dst(%arg8 : memref<4x128xi32, #tpu.memory_space<vmem>>)
      tpu.yield
    }) : () -> ()
    %mul3A_5 = arith.constant 4 : i32
    %mul3A_6 = arith.muli %add3A, %mul3A_5 : i32
    "tpu.region"() ({
      %run_scoped3A = tpu.sem_alloc : memref<!tpu.dma_semaphore, #tpu.memory_space<semaphore_mem>>
      %dma_start3A_1351 = arith.constant 0 : i32
      %dma_start3A_1352 = tpu.memref_slice %arg3[%mul3A_6, %dma_start3A_1351] : memref<128x128xi32, #tpu.memory_space<hbm>> -> memref<4x128xi32, #tpu.memory_space<hbm>>
      %dma_start3A_1353 = arith.constant 0 : i32
      %dma_start3A_1354 = tpu.memref_slice %arg3[%mul3A_6, %dma_start3A_1353] : memref<128x128xi32, #tpu.memory_space<hbm>> -> memref<4x128xi32, #tpu.memory_space<hbm>>
      tpu.enqueue_dma source(%dma_start3A_1354 : memref<4x128xi32, #tpu.memory_space<hbm>>) target(%arg9 : memref<4x128xi32, #tpu.memory_space<vmem>>) target_semaphore(%run_scoped3A : memref<!tpu.dma_semaphore, #tpu.memory_space<semaphore_mem>>)
      %dma_wait3A_1355 = arith.constant 0 : i32
      %dma_wait3A_1356 = tpu.memref_slice %arg3[%mul3A_6, %dma_wait3A_1355] : memref<128x128xi32, #tpu.memory_space<hbm>> -> memref<4x128xi32, #tpu.memory_space<hbm>>
      %dma_wait3A_1357 = arith.constant 0 : i32
      %dma_wait3A_1358 = tpu.memref_slice %arg3[%mul3A_6, %dma_wait3A_1357] : memref<128x128xi32, #tpu.memory_space<hbm>> -> memref<4x128xi32, #tpu.memory_space<hbm>>
      tpu.wait_dma2 semaphore(%run_scoped3A : memref<!tpu.dma_semaphore, #tpu.memory_space<semaphore_mem>>) src(%dma_wait3A_1358 : memref<4x128xi32, #tpu.memory_space<hbm>>) dst(%arg9 : memref<4x128xi32, #tpu.memory_space<vmem>>)
      tpu.yield
    }) : () -> ()
    %get3A = arith.constant 0 : i32
    %get3A_7 = arith.index_cast %get3A : i32 to index
    %get3A_8 = arith.constant 0 : index
    %get3A_9 = tpu.vector_load %arg8[%get3A_7, %get3A_8] {strides = array<i32>} : memref<4x128xi32, #tpu.memory_space<vmem>>, vector<16xi32>,
    %get3A_10 = arith.constant 0 : i32
    %get3A_11 = arith.index_cast %get3A_10 : i32 to index
    %get3A_12 = arith.constant 0 : index
    %get3A_13 = tpu.vector_load %arg9[%get3A_11, %get3A_12] {strides = array<i32>} : memref<4x128xi32, #tpu.memory_space<vmem>>, vector<16xi32>,
    %shift_right_logical3A = arith.constant 4 : i32
    %shift_right_logical3A_14 = vector.broadcast %shift_right_logical3A : i32 to vector<16xi32>
    %shift_right_logical3A_15 = arith.shrui %get3A_9, %shift_right_logical3A_14 : vector<16xi32>
    %swap3A = arith.constant 0 : i32
    %swap3A_16 = arith.index_cast %swap3A : i32 to index
    %swap3A_17 = arith.constant 0 : index
    %swap3A_18 = tpu.vector_load %arg10[%swap3A_16, %swap3A_17] {strides = array<i32>} : memref<4x128xi32, #tpu.memory_space<vmem>>, vector<16xi32>,
    tpu.vector_store %arg10[%swap3A_16, %swap3A_17], %shift_right_logical3A_15 {strides = array<i32>} : memref<4x128xi32, #tpu.memory_space<vmem>>, vector<16xi32>,
    %shift_right_logical3A_19 = arith.constant 4 : i32
    %shift_right_logical3A_20 = vector.broadcast %shift_right_logical3A_19 : i32 to vector<16xi32>
    %shift_right_logical3A_21 = arith.shrui %get3A_13, %shift_right_logical3A_20 : vector<16xi32>
    %swap3A_22 = arith.constant 0 : i32
    %swap3A_23 = arith.index_cast %swap3A_22 : i32 to index
    %swap3A_24 = arith.constant 0 : index
    %swap3A_25 = tpu.vector_load %arg11[%swap3A_23, %swap3A_24] {strides = array<i32>} : memref<4x128xi32, #tpu.memory_space<vmem>>, vector<16xi32>,
    tpu.vector_store %arg11[%swap3A_23, %swap3A_24], %shift_right_logical3A_21 {strides = array<i32>} : memref<4x128xi32, #tpu.memory_space<vmem>>, vector<16xi32>,
    %and3A = arith.constant 15 : i32
    %and3A_26 = vector.broadcast %and3A : i32 to vector<16xi32>
    %and3A_27 = arith.andi %get3A_9, %and3A_26 : vector<16xi32>
    %swap3A_28 = arith.constant 0 : index
    %swap3A_29 = tpu.vector_load %arg12[%swap3A_28] {strides = array<i32>} : memref<512xi32, #tpu.memory_space<vmem>>, vector<16xi32>,
    tpu.vector_store %arg12[%swap3A_28], %and3A_27 {strides = array<i32>} : memref<512xi32, #tpu.memory_space<vmem>>, vector<16xi32>,
    %and3A_30 = arith.constant 15 : i32
    %and3A_31 = vector.broadcast %and3A_30 : i32 to vector<16xi32>
    %and3A_32 = arith.andi %get3A_13, %and3A_31 : vector<16xi32>
    %swap3A_33 = arith.constant 0 : index
    %swap3A_34 = tpu.vector_load %arg13[%swap3A_33] {strides = array<i32>} : memref<512xi32, #tpu.memory_space<vmem>>, vector<16xi32>,
    tpu.vector_store %arg13[%swap3A_33], %and3A_32 {strides = array<i32>} : memref<512xi32, #tpu.memory_space<vmem>>, vector<16xi32>,
    %get3A_35 = arith.constant 0 : i32
    %get3A_36 = arith.index_cast %get3A_35 : i32 to index
    %get3A_37 = arith.constant 16 : index
    %get3A_38 = tpu.vector_load %arg8[%get3A_36, %get3A_37] {strides = array<i32>} : memref<4x128xi32, #tpu.memory_space<vmem>>, vector<16xi32>,
    %get3A_39 = arith.constant 0 : i32
    %get3A_40 = arith.index_cast %get3A_39 : i32 to index
    %get3A_41 = arith.constant 16 : index
    %get3A_42 = tpu.vector_load %arg9[%get3A_40, %get3A_41] {strides = array<i32>} : memref<4x128xi32, #tpu.memory_space<vmem>>, vector<16xi32>,
    %shift_right_logical3A_43 = arith.constant 4 : i32
    %shift_right_logical3A_44 = vector.broadcast %shift_right_logical3A_43 : i32 to vector<16xi32>
    %shift_right_logical3A_45 = arith.shrui %get3A_38, %shift_right_logical3A_44 : vector<16xi32>
    %swap3A_46 = arith.constant 0 : i32
    %swap3A_47 = arith.index_cast %swap3A_46 : i32 to index
    %swap3A_48 = arith.constant 16 : index
    %swap3A_49 = tpu.vector_load %arg10[%swap3A_47, %swap3A_48] {strides = array<i32>} : memref<4x128xi32, #tpu.memory_space<vmem>>, vector<16xi32>,
    tpu.vector_store %arg10[%swap3A_47, %swap3A_48], %shift_right_logical3A_45 {strides = array<i32>} : memref<4x128xi32, #tpu.memory_space<vmem>>, vector<16xi32>,
    %shift_right_logical3A_50 = arith.constant 4 : i32
    %shift_right_logical3A_51 = vector.broadcast %shift_right_logical3A_50 : i32 to vector<16xi32>
    %shift_right_logical3A_52 = arith.shrui %get3A_42, %shift_right_logical3A_51 : vector<16xi32>
    %swap3A_53 = arith.constant 0 : i32
    %swap3A_54 = arith.index_cast %swap3A_53 : i32 to index
    %swap3A_55 = arith.constant 16 : index
    %swap3A_56 = tpu.vector_load %arg11[%swap3A_54, %swap3A_55] {strides = array<i32>} : memref<4x128xi32, #tpu.memory_space<vmem>>, vector<16xi32>,
    tpu.vector_store %arg11[%swap3A_54, %swap3A_55], %shift_right_logical3A_52 {strides = array<i32>} : memref<4x128xi32, #tpu.memory_space<vmem>>, vector<16xi32>,
    %and3A_57 = arith.constant 15 : i32
    %and3A_58 = vector.broadcast %and3A_57 : i32 to vector<16xi32>
    %and3A_59 = arith.andi %get3A_38, %and3A_58 : vector<16xi32>
    %swap3A_60 = arith.constant 16 : index
    %swap3A_61 = tpu.vector_load %arg12[%swap3A_60] {strides = array<i32>} : memref<512xi32, #tpu.memory_space<vmem>>, vector<16xi32>,
    tpu.vector_store %arg12[%swap3A_60], %and3A_59 {strides = array<i32>} : memref<512xi32, #tpu.memory_space<vmem>>, vector<16xi32>,
    %and3A_62 = arith.constant 15 : i32
    %and3A_63 = vector.broadcast %and3A_62 : i32 to vector<16xi32>
    %and3A_64 = arith.andi %get3A_42, %and3A_63 : vector<16xi32>
    %swap3A_65 = arith.constant 16 : index
    %swap3A_66 = tpu.vector_load %arg13[%swap3A_65] {strides = array<i32>} : memref<512xi32, #tpu.memory_space<vmem>>, vector<16xi32>,
    tpu.vector_store %arg13[%swap3A_65], %and3A_64 {strides = array<i32>} : memref<512xi32, #tpu.memory_space<vmem>>, vector<16xi32>,
    %get3A_67 = arith.constant 0 : i32
    %get3A_68 = arith.index_cast %get3A_67 : i32 to index
    %get3A_69 = arith.constant 32 : index
    %get3A_70 = tpu.vector_load %arg8[%get3A_68, %get3A_69] {strides = array<i32>} : memref<4x128xi32, #tpu.memory_space<vmem>>, vector<16xi32>,
    %get3A_71 = arith.constant 0 : i32
    %get3A_72 = arith.index_cast %get3A_71 : i32 to index
    %get3A_73 = arith.constant 32 : index
    %get3A_74 = tpu.vector_load %arg9[%get3A_72, %get3A_73] {strides = array<i32>} : memref<4x128xi32, #tpu.memory_space<vmem>>, vector<16xi32>,
    %shift_right_logical3A_75 = arith.constant 4 : i32
    %shift_right_logical3A_76 = vector.broadcast %shift_right_logical3A_75 : i32 to vector<16xi32>
    %shift_right_logical3A_77 = arith.shrui %get3A_70, %shift_right_logical3A_76 : vector<16xi32>
    %swap3A_78 = arith.constant 0 : i32
    %swap3A_79 = arith.index_cast %swap3A_78 : i32 to index
    %swap3A_80 = arith.constant 32 : index
    %swap3A_81 = tpu.vector_load %arg10[%swap3A_79, %swap3A_80] {strides = array<i32>} : memref<4x128xi32, #tpu.memory_space<vmem>>, vector<16xi32>,
    tpu.vector_store %arg10[%swap3A_79, %swap3A_80], %shift_right_logical3A_77 {strides = array<i32>} : memref<4x128xi32, #tpu.memory_space<vmem>>, vector<16xi32>,
    %shift_right_logical3A_82 = arith.constant 4 : i32
    %shift_right_logical3A_83 = vector.broadcast %shift_right_logical3A_82 : i32 to vector<16xi32>
    %shift_right_logical3A_84 = arith.shrui %get3A_74, %shift_right_logical3A_83 : vector<16xi32>
    %swap3A_85 = arith.constant 0 : i32
    %swap3A_86 = arith.index_cast %swap3A_85 : i32 to index
    %swap3A_87 = arith.constant 32 : index
    %swap3A_88 = tpu.vector_load %arg11[%swap3A_86, %swap3A_87] {strides = array<i32>} : memref<4x128xi32, #tpu.memory_space<vmem>>, vector<16xi32>,
    tpu.vector_store %arg11[%swap3A_86, %swap3A_87], %shift_right_logical3A_84 {strides = array<i32>} : memref<4x128xi32, #tpu.memory_space<vmem>>, vector<16xi32>,
    %and3A_89 = arith.constant 15 : i32
    %and3A_90 = vector.broadcast %and3A_89 : i32 to vector<16xi32>
    %and3A_91 = arith.andi %get3A_70, %and3A_90 : vector<16xi32>
    %swap3A_92 = arith.constant 32 : index
    %swap3A_93 = tpu.vector_load %arg12[%swap3A_92] {strides = array<i32>} : memref<512xi32, #tpu.memory_space<vmem>>, vector<16xi32>,
    tpu.vector_store %arg12[%swap3A_92], %and3A_91 {strides = array<i32>} : memref<512xi32, #tpu.memory_space<vmem>>, vector<16xi32>,
    %and3A_94 = arith.constant 15 : i32
    %and3A_95 = vector.broadcast %and3A_94 : i32 to vector<16xi32>
    %and3A_96 = arith.andi %get3A_74, %and3A_95 : vector<16xi32>
    %swap3A_97 = arith.constant 32 : index
    %swap3A_98 = tpu.vector_load %arg13[%swap3A_97] {strides = array<i32>} : memref<512xi32, #tpu.memory_space<vmem>>, vector<16xi32>,
    tpu.vector_store %arg13[%swap3A_97], %and3A_96 {strides = array<i32>} : memref<512xi32, #tpu.memory_space<vmem>>, vector<16xi32>,
    %get3A_99 = arith.constant 0 : i32
    %get3A_100 = arith.index_cast %get3A_99 : i32 to index
    %get3A_101 = arith.constant 48 : index
    %get3A_102 = tpu.vector_load %arg8[%get3A_100, %get3A_101] {strides = array<i32>} : memref<4x128xi32, #tpu.memory_space<vmem>>, vector<16xi32>,
    %get3A_103 = arith.constant 0 : i32
    %get3A_104 = arith.index_cast %get3A_103 : i32 to index
    %get3A_105 = arith.constant 48 : index
    %get3A_106 = tpu.vector_load %arg9[%get3A_104, %get3A_105] {strides = array<i32>} : memref<4x128xi32, #tpu.memory_space<vmem>>, vector<16xi32>,
    %shift_right_logical3A_107 = arith.constant 4 : i32
    %shift_right_logical3A_108 = vector.broadcast %shift_right_logical3A_107 : i32 to vector<16xi32>
    %shift_right_logical3A_109 = arith.shrui %get3A_102, %shift_right_logical3A_108 : vector<16xi32>
    %swap3A_110 = arith.constant 0 : i32
    %swap3A_111 = arith.index_cast %swap3A_110 : i32 to index
    %swap3A_112 = arith.constant 48 : index
    %swap3A_113 = tpu.vector_load %arg10[%swap3A_111, %swap3A_112] {strides = array<i32>} : memref<4x128xi32, #tpu.memory_space<vmem>>, vector<16xi32>,
    tpu.vector_store %arg10[%swap3A_111, %swap3A_112], %shift_right_logical3A_109 {strides = array<i32>} : memref<4x128xi32, #tpu.memory_space<vmem>>, vector<16xi32>,
    %shift_right_logical3A_114 = arith.constant 4 : i32
    %shift_right_logical3A_115 = vector.broadcast %shift_right_logical3A_114 : i32 to vector<16xi32>
    %shift_right_logical3A_116 = arith.shrui %get3A_106, %shift_right_logical3A_115 : vector<16xi32>
    %swap3A_117 = arith.constant 0 : i32
    %swap3A_118 = arith.index_cast %swap3A_117 : i32 to index
    %swap3A_119 = arith.constant 48 : index
    %swap3A_120 = tpu.vector_load %arg11[%swap3A_118, %swap3A_119] {strides = array<i32>} : memref<4x128xi32, #tpu.memory_space<vmem>>, vector<16xi32>,
    tpu.vector_store %arg11[%swap3A_118, %swap3A_119], %shift_right_logical3A_116 {strides = array<i32>} : memref<4x128xi32, #tpu.memory_space<vmem>>, vector<16xi32>,
    %and3A_121 = arith.constant 15 : i32
    %and3A_122 = vector.broadcast %and3A_121 : i32 to vector<16xi32>
    %and3A_123 = arith.andi %get3A_102, %and3A_122 : vector<16xi32>
    %swap3A_124 = arith.constant 48 : index
    %swap3A_125 = tpu.vector_load %arg12[%swap3A_124] {strides = array<i32>} : memref<512xi32, #tpu.memory_space<vmem>>, vector<16xi32>,
    tpu.vector_store %arg12[%swap3A_124], %and3A_123 {strides = array<i32>} : memref<512xi32, #tpu.memory_space<vmem>>, vector<16xi32>,
    %and3A_126 = arith.constant 15 : i32
    %and3A_127 = vector.broadcast %and3A_126 : i32 to vector<16xi32>
    %and3A_128 = arith.andi %get3A_106, %and3A_127 : vector<16xi32>
    %swap3A_129 = arith.constant 48 : index
    %swap3A_130 = tpu.vector_load %arg13[%swap3A_129] {strides = array<i32>} : memref<512xi32, #tpu.memory_space<vmem>>, vector<16xi32>,
    tpu.vector_store %arg13[%swap3A_129], %and3A_128 {strides = array<i32>} : memref<512xi32, #tpu.memory_space<vmem>>, vector<16xi32>,
    %get3A_131 = arith.constant 0 : i32
    %get3A_132 = arith.index_cast %get3A_131 : i32 to index
    %get3A_133 = arith.constant 64 : index
    %get3A_134 = tpu.vector_load %arg8[%get3A_132, %get3A_133] {strides = array<i32>} : memref<4x128xi32, #tpu.memory_space<vmem>>, vector<16xi32>,
    %get3A_135 = arith.constant 0 : i32
    %get3A_136 = arith.index_cast %get3A_135 : i32 to index
    %get3A_137 = arith.constant 64 : index
    %get3A_138 = tpu.vector_load %arg9[%get3A_136, %get3A_137] {strides = array<i32>} : memref<4x128xi32, #tpu.memory_space<vmem>>, vector<16xi32>,
    %shift_right_logical3A_139 = arith.constant 4 : i32
    %shift_right_logical3A_140 = vector.broadcast %shift_right_logical3A_139 : i32 to vector<16xi32>
    %shift_right_logical3A_141 = arith.shrui %get3A_134, %shift_right_logical3A_140 : vector<16xi32>
    %swap3A_142 = arith.constant 0 : i32
    %swap3A_143 = arith.index_cast %swap3A_142 : i32 to index
    %swap3A_144 = arith.constant 64 : index
    %swap3A_145 = tpu.vector_load %arg10[%swap3A_143, %swap3A_144] {strides = array<i32>} : memref<4x128xi32, #tpu.memory_space<vmem>>, vector<16xi32>,
    tpu.vector_store %arg10[%swap3A_143, %swap3A_144], %shift_right_logical3A_141 {strides = array<i32>} : memref<4x128xi32, #tpu.memory_space<vmem>>, vector<16xi32>,
    %shift_right_logical3A_146 = arith.constant 4 : i32
    %shift_right_logical3A_147 = vector.broadcast %shift_right_logical3A_146 : i32 to vector<16xi32>
    %shift_right_logical3A_148 = arith.shrui %get3A_138, %shift_right_logical3A_147 : vector<16xi32>
    %swap3A_149 = arith.constant 0 : i32
    %swap3A_150 = arith.index_cast %swap3A_149 : i32 to index
    %swap3A_151 = arith.constant 64 : index
    %swap3A_152 = tpu.vector_load %arg11[%swap3A_150, %swap3A_151] {strides = array<i32>} : memref<4x128xi32, #tpu.memory_space<vmem>>, vector<16xi32>,
    tpu.vector_store %arg11[%swap3A_150, %swap3A_151], %shift_right_logical3A_148 {strides = array<i32>} : memref<4x128xi32, #tpu.memory_space<vmem>>, vector<16xi32>,
    %and3A_153 = arith.constant 15 : i32
    %and3A_154 = vector.broadcast %and3A_153 : i32 to vector<16xi32>
    %and3A_155 = arith.andi %get3A_134, %and3A_154 : vector<16xi32>
    %swap3A_156 = arith.constant 64 : index
    %swap3A_157 = tpu.vector_load %arg12[%swap3A_156] {strides = array<i32>} : memref<512xi32, #tpu.memory_space<vmem>>, vector<16xi32>,
    tpu.vector_store %arg12[%swap3A_156], %and3A_155 {strides = array<i32>} : memref<512xi32, #tpu.memory_space<vmem>>, vector<16xi32>,
    %and3A_158 = arith.constant 15 : i32
    %and3A_159 = vector.broadcast %and3A_158 : i32 to vector<16xi32>
    %and3A_160 = arith.andi %get3A_138, %and3A_159 : vector<16xi32>
    %swap3A_161 = arith.constant 64 : index
    %swap3A_162 = tpu.vector_load %arg13[%swap3A_161] {strides = array<i32>} : memref<512xi32, #tpu.memory_space<vmem>>, vector<16xi32>,
    tpu.vector_store %arg13[%swap3A_161], %and3A_160 {strides = array<i32>} : memref<512xi32, #tpu.memory_space<vmem>>, vector<16xi32>,
    %get3A_163 = arith.constant 0 : i32
    %get3A_164 = arith.index_cast %get3A_163 : i32 to index
    %get3A_165 = arith.constant 80 : index
    %get3A_166 = tpu.vector_load %arg8[%get3A_164, %get3A_165] {strides = array<i32>} : memref<4x128xi32, #tpu.memory_space<vmem>>, vector<16xi32>,
    %get3A_167 = arith.constant 0 : i32
    %get3A_168 = arith.index_cast %get3A_167 : i32 to index
    %get3A_169 = arith.constant 80 : index
    %get3A_170 = tpu.vector_load %arg9[%get3A_168, %get3A_169] {strides = array<i32>} : memref<4x128xi32, #tpu.memory_space<vmem>>, vector<16xi32>,
    %shift_right_logical3A_171 = arith.constant 4 : i32
    %shift_right_logical3A_172 = vector.broadcast %shift_right_logical3A_171 : i32 to vector<16xi32>
    %shift_right_logical3A_173 = arith.shrui %get3A_166, %shift_right_logical3A_172 : vector<16xi32>
    %swap3A_174 = arith.constant 0 : i32
    %swap3A_175 = arith.index_cast %swap3A_174 : i32 to index
    %swap3A_176 = arith.constant 80 : index
    %swap3A_177 = tpu.vector_load %arg10[%swap3A_175, %swap3A_176] {strides = array<i32>} : memref<4x128xi32, #tpu.memory_space<vmem>>, vector<16xi32>,
    tpu.vector_store %arg10[%swap3A_175, %swap3A_176], %shift_right_logical3A_173 {strides = array<i32>} : memref<4x128xi32, #tpu.memory_space<vmem>>, vector<16xi32>,
    %shift_right_logical3A_178 = arith.constant 4 : i32
    %shift_right_logical3A_179 = vector.broadcast %shift_right_logical3A_178 : i32 to vector<16xi32>
    %shift_right_logical3A_180 = arith.shrui %get3A_170, %shift_right_logical3A_179 : vector<16xi32>
    %swap3A_181 = arith.constant 0 : i32
    %swap3A_182 = arith.index_cast %swap3A_181 : i32 to index
    %swap3A_183 = arith.constant 80 : index
    %swap3A_184 = tpu.vector_load %arg11[%swap3A_182, %swap3A_183] {strides = array<i32>} : memref<4x128xi32, #tpu.memory_space<vmem>>, vector<16xi32>,
    tpu.vector_store %arg11[%swap3A_182, %swap3A_183], %shift_right_logical3A_180 {strides = array<i32>} : memref<4x128xi32, #tpu.memory_space<vmem>>, vector<16xi32>,
    %and3A_185 = arith.constant 15 : i32
    %and3A_186 = vector.broadcast %and3A_185 : i32 to vector<16xi32>
    %and3A_187 = arith.andi %get3A_166, %and3A_186 : vector<16xi32>
    %swap3A_188 = arith.constant 80 : index
    %swap3A_189 = tpu.vector_load %arg12[%swap3A_188] {strides = array<i32>} : memref<512xi32, #tpu.memory_space<vmem>>, vector<16xi32>,
    tpu.vector_store %arg12[%swap3A_188], %and3A_187 {strides = array<i32>} : memref<512xi32, #tpu.memory_space<vmem>>, vector<16xi32>,
    %and3A_190 = arith.constant 15 : i32
    %and3A_191 = vector.broadcast %and3A_190 : i32 to vector<16xi32>
    %and3A_192 = arith.andi %get3A_170, %and3A_191 : vector<16xi32>
    %swap3A_193 = arith.constant 80 : index
    %swap3A_194 = tpu.vector_load %arg13[%swap3A_193] {strides = array<i32>} : memref<512xi32, #tpu.memory_space<vmem>>, vector<16xi32>,
    tpu.vector_store %arg13[%swap3A_193], %and3A_192 {strides = array<i32>} : memref<512xi32, #tpu.memory_space<vmem>>, vector<16xi32>,
    %get3A_195 = arith.constant 0 : i32
    %get3A_196 = arith.index_cast %get3A_195 : i32 to index
    %get3A_197 = arith.constant 96 : index
    %get3A_198 = tpu.vector_load %arg8[%get3A_196, %get3A_197] {strides = array<i32>} : memref<4x128xi32, #tpu.memory_space<vmem>>, vector<16xi32>,
    %get3A_199 = arith.constant 0 : i32
    %get3A_200 = arith.index_cast %get3A_199 : i32 to index
    %get3A_201 = arith.constant 96 : index
    %get3A_202 = tpu.vector_load %arg9[%get3A_200, %get3A_201] {strides = array<i32>} : memref<4x128xi32, #tpu.memory_space<vmem>>, vector<16xi32>,
    %shift_right_logical3A_203 = arith.constant 4 : i32
    %shift_right_logical3A_204 = vector.broadcast %shift_right_logical3A_203 : i32 to vector<16xi32>
    %shift_right_logical3A_205 = arith.shrui %get3A_198, %shift_right_logical3A_204 : vector<16xi32>
    %swap3A_206 = arith.constant 0 : i32
    %swap3A_207 = arith.index_cast %swap3A_206 : i32 to index
    %swap3A_208 = arith.constant 96 : index
    %swap3A_209 = tpu.vector_load %arg10[%swap3A_207, %swap3A_208] {strides = array<i32>} : memref<4x128xi32, #tpu.memory_space<vmem>>, vector<16xi32>,
    tpu.vector_store %arg10[%swap3A_207, %swap3A_208], %shift_right_logical3A_205 {strides = array<i32>} : memref<4x128xi32, #tpu.memory_space<vmem>>, vector<16xi32>,
    %shift_right_logical3A_210 = arith.constant 4 : i32
    %shift_right_logical3A_211 = vector.broadcast %shift_right_logical3A_210 : i32 to vector<16xi32>
    %shift_right_logical3A_212 = arith.shrui %get3A_202, %shift_right_logical3A_211 : vector<16xi32>
    %swap3A_213 = arith.constant 0 : i32
    %swap3A_214 = arith.index_cast %swap3A_213 : i32 to index
    %swap3A_215 = arith.constant 96 : index
    %swap3A_216 = tpu.vector_load %arg11[%swap3A_214, %swap3A_215] {strides = array<i32>} : memref<4x128xi32, #tpu.memory_space<vmem>>, vector<16xi32>,
    tpu.vector_store %arg11[%swap3A_214, %swap3A_215], %shift_right_logical3A_212 {strides = array<i32>} : memref<4x128xi32, #tpu.memory_space<vmem>>, vector<16xi32>,
    %and3A_217 = arith.constant 15 : i32
    %and3A_218 = vector.broadcast %and3A_217 : i32 to vector<16xi32>
    %and3A_219 = arith.andi %get3A_198, %and3A_218 : vector<16xi32>
    %swap3A_220 = arith.constant 96 : index
    %swap3A_221 = tpu.vector_load %arg12[%swap3A_220] {strides = array<i32>} : memref<512xi32, #tpu.memory_space<vmem>>, vector<16xi32>,
    tpu.vector_store %arg12[%swap3A_220], %and3A_219 {strides = array<i32>} : memref<512xi32, #tpu.memory_space<vmem>>, vector<16xi32>,
    %and3A_222 = arith.constant 15 : i32
    %and3A_223 = vector.broadcast %and3A_222 : i32 to vector<16xi32>
    %and3A_224 = arith.andi %get3A_202, %and3A_223 : vector<16xi32>
    %swap3A_225 = arith.constant 96 : index
    %swap3A_226 = tpu.vector_load %arg13[%swap3A_225] {strides = array<i32>} : memref<512xi32, #tpu.memory_space<vmem>>, vector<16xi32>,
    tpu.vector_store %arg13[%swap3A_225], %and3A_224 {strides = array<i32>} : memref<512xi32, #tpu.memory_space<vmem>>, vector<16xi32>,
    %get3A_227 = arith.constant 0 : i32
    %get3A_228 = arith.index_cast %get3A_227 : i32 to index
    %get3A_229 = arith.constant 112 : index
    %get3A_230 = tpu.vector_load %arg8[%get3A_228, %get3A_229] {strides = array<i32>} : memref<4x128xi32, #tpu.memory_space<vmem>>, vector<16xi32>,
    %get3A_231 = arith.constant 0 : i32
    %get3A_232 = arith.index_cast %get3A_231 : i32 to index
    %get3A_233 = arith.constant 112 : index
    %get3A_234 = tpu.vector_load %arg9[%get3A_232, %get3A_233] {strides = array<i32>} : memref<4x128xi32, #tpu.memory_space<vmem>>, vector<16xi32>,
    %shift_right_logical3A_235 = arith.constant 4 : i32
    %shift_right_logical3A_236 = vector.broadcast %shift_right_logical3A_235 : i32 to vector<16xi32>
    %shift_right_logical3A_237 = arith.shrui %get3A_230, %shift_right_logical3A_236 : vector<16xi32>
    %swap3A_238 = arith.constant 0 : i32
    %swap3A_239 = arith.index_cast %swap3A_238 : i32 to index
    %swap3A_240 = arith.constant 112 : index
    %swap3A_241 = tpu.vector_load %arg10[%swap3A_239, %swap3A_240] {strides = array<i32>} : memref<4x128xi32, #tpu.memory_space<vmem>>, vector<16xi32>,
    tpu.vector_store %arg10[%swap3A_239, %swap3A_240], %shift_right_logical3A_237 {strides = array<i32>} : memref<4x128xi32, #tpu.memory_space<vmem>>, vector<16xi32>,
    %shift_right_logical3A_242 = arith.constant 4 : i32
    %shift_right_logical3A_243 = vector.broadcast %shift_right_logical3A_242 : i32 to vector<16xi32>
    %shift_right_logical3A_244 = arith.shrui %get3A_234, %shift_right_logical3A_243 : vector<16xi32>
    %swap3A_245 = arith.constant 0 : i32
    %swap3A_246 = arith.index_cast %swap3A_245 : i32 to index
    %swap3A_247 = arith.constant 112 : index
    %swap3A_248 = tpu.vector_load %arg11[%swap3A_246, %swap3A_247] {strides = array<i32>} : memref<4x128xi32, #tpu.memory_space<vmem>>, vector<16xi32>,
    tpu.vector_store %arg11[%swap3A_246, %swap3A_247], %shift_right_logical3A_244 {strides = array<i32>} : memref<4x128xi32, #tpu.memory_space<vmem>>, vector<16xi32>,
    %and3A_249 = arith.constant 15 : i32
    %and3A_250 = vector.broadcast %and3A_249 : i32 to vector<16xi32>
    %and3A_251 = arith.andi %get3A_230, %and3A_250 : vector<16xi32>
    %swap3A_252 = arith.constant 112 : index
    %swap3A_253 = tpu.vector_load %arg12[%swap3A_252] {strides = array<i32>} : memref<512xi32, #tpu.memory_space<vmem>>, vector<16xi32>,
    tpu.vector_store %arg12[%swap3A_252], %and3A_251 {strides = array<i32>} : memref<512xi32, #tpu.memory_space<vmem>>, vector<16xi32>,
    %and3A_254 = arith.constant 15 : i32
    %and3A_255 = vector.broadcast %and3A_254 : i32 to vector<16xi32>
    %and3A_256 = arith.andi %get3A_234, %and3A_255 : vector<16xi32>
    %swap3A_257 = arith.constant 112 : index
    %swap3A_258 = tpu.vector_load %arg13[%swap3A_257] {strides = array<i32>} : memref<512xi32, #tpu.memory_space<vmem>>, vector<16xi32>,
    tpu.vector_store %arg13[%swap3A_257], %and3A_256 {strides = array<i32>} : memref<512xi32, #tpu.memory_space<vmem>>, vector<16xi32>,
    %get3A_259 = arith.constant 1 : i32
    %get3A_260 = arith.index_cast %get3A_259 : i32 to index
    %get3A_261 = arith.constant 0 : index
    %get3A_262 = tpu.vector_load %arg8[%get3A_260, %get3A_261] {strides = array<i32>} : memref<4x128xi32, #tpu.memory_space<vmem>>, vector<16xi32>,
    %get3A_263 = arith.constant 1 : i32
    %get3A_264 = arith.index_cast %get3A_263 : i32 to index
    %get3A_265 = arith.constant 0 : index
    %get3A_266 = tpu.vector_load %arg9[%get3A_264, %get3A_265] {strides = array<i32>} : memref<4x128xi32, #tpu.memory_space<vmem>>, vector<16xi32>,
    %shift_right_logical3A_267 = arith.constant 4 : i32
    %shift_right_logical3A_268 = vector.broadcast %shift_right_logical3A_267 : i32 to vector<16xi32>
    %shift_right_logical3A_269 = arith.shrui %get3A_262, %shift_right_logical3A_268 : vector<16xi32>
    %swap3A_270 = arith.constant 1 : i32
    %swap3A_271 = arith.index_cast %swap3A_270 : i32 to index
    %swap3A_272 = arith.constant 0 : index
    %swap3A_273 = tpu.vector_load %arg10[%swap3A_271, %swap3A_272] {strides = array<i32>} : memref<4x128xi32, #tpu.memory_space<vmem>>, vector<16xi32>,
    tpu.vector_store %arg10[%swap3A_271, %swap3A_272], %shift_right_logical3A_269 {strides = array<i32>} : memref<4x128xi32, #tpu.memory_space<vmem>>, vector<16xi32>,
    %shift_right_logical3A_274 = arith.constant 4 : i32
    %shift_right_logical3A_275 = vector.broadcast %shift_right_logical3A_274 : i32 to vector<16xi32>
    %shift_right_logical3A_276 = arith.shrui %get3A_266, %shift_right_logical3A_275 : vector<16xi32>
    %swap3A_277 = arith.constant 1 : i32
    %swap3A_278 = arith.index_cast %swap3A_277 : i32 to index
    %swap3A_279 = arith.constant 0 : index
    %swap3A_280 = tpu.vector_load %arg11[%swap3A_278, %swap3A_279] {strides = array<i32>} : memref<4x128xi32, #tpu.memory_space<vmem>>, vector<16xi32>,
    tpu.vector_store %arg11[%swap3A_278, %swap3A_279], %shift_right_logical3A_276 {strides = array<i32>} : memref<4x128xi32, #tpu.memory_space<vmem>>, vector<16xi32>,
    %and3A_281 = arith.constant 15 : i32
    %and3A_282 = vector.broadcast %and3A_281 : i32 to vector<16xi32>
    %and3A_283 = arith.andi %get3A_262, %and3A_282 : vector<16xi32>
    %swap3A_284 = arith.constant 128 : index
    %swap3A_285 = tpu.vector_load %arg12[%swap3A_284] {strides = array<i32>} : memref<512xi32, #tpu.memory_space<vmem>>, vector<16xi32>,
    tpu.vector_store %arg12[%swap3A_284], %and3A_283 {strides = array<i32>} : memref<512xi32, #tpu.memory_space<vmem>>, vector<16xi32>,
    %and3A_286 = arith.constant 15 : i32
    %and3A_287 = vector.broadcast %and3A_286 : i32 to vector<16xi32>
    %and3A_288 = arith.andi %get3A_266, %and3A_287 : vector<16xi32>
    %swap3A_289 = arith.constant 128 : index
    %swap3A_290 = tpu.vector_load %arg13[%swap3A_289] {strides = array<i32>} : memref<512xi32, #tpu.memory_space<vmem>>, vector<16xi32>,
    tpu.vector_store %arg13[%swap3A_289], %and3A_288 {strides = array<i32>} : memref<512xi32, #tpu.memory_space<vmem>>, vector<16xi32>,
    %get3A_291 = arith.constant 1 : i32
    %get3A_292 = arith.index_cast %get3A_291 : i32 to index
    %get3A_293 = arith.constant 16 : index
    %get3A_294 = tpu.vector_load %arg8[%get3A_292, %get3A_293] {strides = array<i32>} : memref<4x128xi32, #tpu.memory_space<vmem>>, vector<16xi32>,
    %get3A_295 = arith.constant 1 : i32
    %get3A_296 = arith.index_cast %get3A_295 : i32 to index
    %get3A_297 = arith.constant 16 : index
    %get3A_298 = tpu.vector_load %arg9[%get3A_296, %get3A_297] {strides = array<i32>} : memref<4x128xi32, #tpu.memory_space<vmem>>, vector<16xi32>,
    %shift_right_logical3A_299 = arith.constant 4 : i32
    %shift_right_logical3A_300 = vector.broadcast %shift_right_logical3A_299 : i32 to vector<16xi32>
    %shift_right_logical3A_301 = arith.shrui %get3A_294, %shift_right_logical3A_300 : vector<16xi32>
    %swap3A_302 = arith.constant 1 : i32
    %swap3A_303 = arith.index_cast %swap3A_302 : i32 to index
    %swap3A_304 = arith.constant 16 : index
    %swap3A_305 = tpu.vector_load %arg10[%swap3A_303, %swap3A_304] {strides = array<i32>} : memref<4x128xi32, #tpu.memory_space<vmem>>, vector<16xi32>,
    tpu.vector_store %arg10[%swap3A_303, %swap3A_304], %shift_right_logical3A_301 {strides = array<i32>} : memref<4x128xi32, #tpu.memory_space<vmem>>, vector<16xi32>,
    %shift_right_logical3A_306 = arith.constant 4 : i32
    %shift_right_logical3A_307 = vector.broadcast %shift_right_logical3A_306 : i32 to vector<16xi32>
    %shift_right_logical3A_308 = arith.shrui %get3A_298, %shift_right_logical3A_307 : vector<16xi32>
    %swap3A_309 = arith.constant 1 : i32
    %swap3A_310 = arith.index_cast %swap3A_309 : i32 to index
    %swap3A_311 = arith.constant 16 : index
    %swap3A_312 = tpu.vector_load %arg11[%swap3A_310, %swap3A_311] {strides = array<i32>} : memref<4x128xi32, #tpu.memory_space<vmem>>, vector<16xi32>,
    tpu.vector_store %arg11[%swap3A_310, %swap3A_311], %shift_right_logical3A_308 {strides = array<i32>} : memref<4x128xi32, #tpu.memory_space<vmem>>, vector<16xi32>,
    %and3A_313 = arith.constant 15 : i32
    %and3A_314 = vector.broadcast %and3A_313 : i32 to vector<16xi32>
    %and3A_315 = arith.andi %get3A_294, %and3A_314 : vector<16xi32>
    %swap3A_316 = arith.constant 144 : index
    %swap3A_317 = tpu.vector_load %arg12[%swap3A_316] {strides = array<i32>} : memref<512xi32, #tpu.memory_space<vmem>>, vector<16xi32>,
    tpu.vector_store %arg12[%swap3A_316], %and3A_315 {strides = array<i32>} : memref<512xi32, #tpu.memory_space<vmem>>, vector<16xi32>,
    %and3A_318 = arith.constant 15 : i32
    %and3A_319 = vector.broadcast %and3A_318 : i32 to vector<16xi32>
    %and3A_320 = arith.andi %get3A_298, %and3A_319 : vector<16xi32>
    %swap3A_321 = arith.constant 144 : index
    %swap3A_322 = tpu.vector_load %arg13[%swap3A_321] {strides = array<i32>} : memref<512xi32, #tpu.memory_space<vmem>>, vector<16xi32>,
    tpu.vector_store %arg13[%swap3A_321], %and3A_320 {strides = array<i32>} : memref<512xi32, #tpu.memory_space<vmem>>, vector<16xi32>,
    %get3A_323 = arith.constant 1 : i32
    %get3A_324 = arith.index_cast %get3A_323 : i32 to index
    %get3A_325 = arith.constant 32 : index
    %get3A_326 = tpu.vector_load %arg8[%get3A_324, %get3A_325] {strides = array<i32>} : memref<4x128xi32, #tpu.memory_space<vmem>>, vector<16xi32>,
    %get3A_327 = arith.constant 1 : i32
    %get3A_328 = arith.index_cast %get3A_327 : i32 to index
    %get3A_329 = arith.constant 32 : index
    %get3A_330 = tpu.vector_load %arg9[%get3A_328, %get3A_329] {strides = array<i32>} : memref<4x128xi32, #tpu.memory_space<vmem>>, vector<16xi32>,
    %shift_right_logical3A_331 = arith.constant 4 : i32
    %shift_right_logical3A_332 = vector.broadcast %shift_right_logical3A_331 : i32 to vector<16xi32>
    %shift_right_logical3A_333 = arith.shrui %get3A_326, %shift_right_logical3A_332 : vector<16xi32>
    %swap3A_334 = arith.constant 1 : i32
    %swap3A_335 = arith.index_cast %swap3A_334 : i32 to index
    %swap3A_336 = arith.constant 32 : index
    %swap3A_337 = tpu.vector_load %arg10[%swap3A_335, %swap3A_336] {strides = array<i32>} : memref<4x128xi32, #tpu.memory_space<vmem>>, vector<16xi32>,
    tpu.vector_store %arg10[%swap3A_335, %swap3A_336], %shift_right_logical3A_333 {strides = array<i32>} : memref<4x128xi32, #tpu.memory_space<vmem>>, vector<16xi32>,
    %shift_right_logical3A_338 = arith.constant 4 : i32
    %shift_right_logical3A_339 = vector.broadcast %shift_right_logical3A_338 : i32 to vector<16xi32>
    %shift_right_logical3A_340 = arith.shrui %get3A_330, %shift_right_logical3A_339 : vector<16xi32>
    %swap3A_341 = arith.constant 1 : i32
    %swap3A_342 = arith.index_cast %swap3A_341 : i32 to index
    %swap3A_343 = arith.constant 32 : index
    %swap3A_344 = tpu.vector_load %arg11[%swap3A_342, %swap3A_343] {strides = array<i32>} : memref<4x128xi32, #tpu.memory_space<vmem>>, vector<16xi32>,
    tpu.vector_store %arg11[%swap3A_342, %swap3A_343], %shift_right_logical3A_340 {strides = array<i32>} : memref<4x128xi32, #tpu.memory_space<vmem>>, vector<16xi32>,
    %and3A_345 = arith.constant 15 : i32
    %and3A_346 = vector.broadcast %and3A_345 : i32 to vector<16xi32>
    %and3A_347 = arith.andi %get3A_326, %and3A_346 : vector<16xi32>
    %swap3A_348 = arith.constant 160 : index
    %swap3A_349 = tpu.vector_load %arg12[%swap3A_348] {strides = array<i32>} : memref<512xi32, #tpu.memory_space<vmem>>, vector<16xi32>,
    tpu.vector_store %arg12[%swap3A_348], %and3A_347 {strides = array<i32>} : memref<512xi32, #tpu.memory_space<vmem>>, vector<16xi32>,
    %and3A_350 = arith.constant 15 : i32
    %and3A_351 = vector.broadcast %and3A_350 : i32 to vector<16xi32>
    %and3A_352 = arith.andi %get3A_330, %and3A_351 : vector<16xi32>
    %swap3A_353 = arith.constant 160 : index
    %swap3A_354 = tpu.vector_load %arg13[%swap3A_353] {strides = array<i32>} : memref<512xi32, #tpu.memory_space<vmem>>, vector<16xi32>,
    tpu.vector_store %arg13[%swap3A_353], %and3A_352 {strides = array<i32>} : memref<512xi32, #tpu.memory_space<vmem>>, vector<16xi32>,
    %get3A_355 = arith.constant 1 : i32
    %get3A_356 = arith.index_cast %get3A_355 : i32 to index
    %get3A_357 = arith.constant 48 : index
    %get3A_358 = tpu.vector_load %arg8[%get3A_356, %get3A_357] {strides = array<i32>} : memref<4x128xi32, #tpu.memory_space<vmem>>, vector<16xi32>,
    %get3A_359 = arith.constant 1 : i32
    %get3A_360 = arith.index_cast %get3A_359 : i32 to index
    %get3A_361 = arith.constant 48 : index
    %get3A_362 = tpu.vector_load %arg9[%get3A_360, %get3A_361] {strides = array<i32>} : memref<4x128xi32, #tpu.memory_space<vmem>>, vector<16xi32>,
    %shift_right_logical3A_363 = arith.constant 4 : i32
    %shift_right_logical3A_364 = vector.broadcast %shift_right_logical3A_363 : i32 to vector<16xi32>
    %shift_right_logical3A_365 = arith.shrui %get3A_358, %shift_right_logical3A_364 : vector<16xi32>
    %swap3A_366 = arith.constant 1 : i32
    %swap3A_367 = arith.index_cast %swap3A_366 : i32 to index
    %swap3A_368 = arith.constant 48 : index
    %swap3A_369 = tpu.vector_load %arg10[%swap3A_367, %swap3A_368] {strides = array<i32>} : memref<4x128xi32, #tpu.memory_space<vmem>>, vector<16xi32>,
    tpu.vector_store %arg10[%swap3A_367, %swap3A_368], %shift_right_logical3A_365 {strides = array<i32>} : memref<4x128xi32, #tpu.memory_space<vmem>>, vector<16xi32>,
    %shift_right_logical3A_370 = arith.constant 4 : i32
    %shift_right_logical3A_371 = vector.broadcast %shift_right_logical3A_370 : i32 to vector<16xi32>
    %shift_right_logical3A_372 = arith.shrui %get3A_362, %shift_right_logical3A_371 : vector<16xi32>
    %swap3A_373 = arith.constant 1 : i32
    %swap3A_374 = arith.index_cast %swap3A_373 : i32 to index
    %swap3A_375 = arith.constant 48 : index
    %swap3A_376 = tpu.vector_load %arg11[%swap3A_374, %swap3A_375] {strides = array<i32>} : memref<4x128xi32, #tpu.memory_space<vmem>>, vector<16xi32>,
    tpu.vector_store %arg11[%swap3A_374, %swap3A_375], %shift_right_logical3A_372 {strides = array<i32>} : memref<4x128xi32, #tpu.memory_space<vmem>>, vector<16xi32>,
    %and3A_377 = arith.constant 15 : i32
    %and3A_378 = vector.broadcast %and3A_377 : i32 to vector<16xi32>
    %and3A_379 = arith.andi %get3A_358, %and3A_378 : vector<16xi32>
    %swap3A_380 = arith.constant 176 : index
    %swap3A_381 = tpu.vector_load %arg12[%swap3A_380] {strides = array<i32>} : memref<512xi32, #tpu.memory_space<vmem>>, vector<16xi32>,
    tpu.vector_store %arg12[%swap3A_380], %and3A_379 {strides = array<i32>} : memref<512xi32, #tpu.memory_space<vmem>>, vector<16xi32>,
    %and3A_382 = arith.constant 15 : i32
    %and3A_383 = vector.broadcast %and3A_382 : i32 to vector<16xi32>
    %and3A_384 = arith.andi %get3A_362, %and3A_383 : vector<16xi32>
    %swap3A_385 = arith.constant 176 : index
    %swap3A_386 = tpu.vector_load %arg13[%swap3A_385] {strides = array<i32>} : memref<512xi32, #tpu.memory_space<vmem>>, vector<16xi32>,
    tpu.vector_store %arg13[%swap3A_385], %and3A_384 {strides = array<i32>} : memref<512xi32, #tpu.memory_space<vmem>>, vector<16xi32>,
    %get3A_387 = arith.constant 1 : i32
    %get3A_388 = arith.index_cast %get3A_387 : i32 to index
    %get3A_389 = arith.constant 64 : index
    %get3A_390 = tpu.vector_load %arg8[%get3A_388, %get3A_389] {strides = array<i32>} : memref<4x128xi32, #tpu.memory_space<vmem>>, vector<16xi32>,
    %get3A_391 = arith.constant 1 : i32
    %get3A_392 = arith.index_cast %get3A_391 : i32 to index
    %get3A_393 = arith.constant 64 : index
    %get3A_394 = tpu.vector_load %arg9[%get3A_392, %get3A_393] {strides = array<i32>} : memref<4x128xi32, #tpu.memory_space<vmem>>, vector<16xi32>,
    %shift_right_logical3A_395 = arith.constant 4 : i32
    %shift_right_logical3A_396 = vector.broadcast %shift_right_logical3A_395 : i32 to vector<16xi32>
    %shift_right_logical3A_397 = arith.shrui %get3A_390, %shift_right_logical3A_396 : vector<16xi32>
    %swap3A_398 = arith.constant 1 : i32
    %swap3A_399 = arith.index_cast %swap3A_398 : i32 to index
    %swap3A_400 = arith.constant 64 : index
    %swap3A_401 = tpu.vector_load %arg10[%swap3A_399, %swap3A_400] {strides = array<i32>} : memref<4x128xi32, #tpu.memory_space<vmem>>, vector<16xi32>,
    tpu.vector_store %arg10[%swap3A_399, %swap3A_400], %shift_right_logical3A_397 {strides = array<i32>} : memref<4x128xi32, #tpu.memory_space<vmem>>, vector<16xi32>,
    %shift_right_logical3A_402 = arith.constant 4 : i32
    %shift_right_logical3A_403 = vector.broadcast %shift_right_logical3A_402 : i32 to vector<16xi32>
    %shift_right_logical3A_404 = arith.shrui %get3A_394, %shift_right_logical3A_403 : vector<16xi32>
    %swap3A_405 = arith.constant 1 : i32
    %swap3A_406 = arith.index_cast %swap3A_405 : i32 to index
    %swap3A_407 = arith.constant 64 : index
    %swap3A_408 = tpu.vector_load %arg11[%swap3A_406, %swap3A_407] {strides = array<i32>} : memref<4x128xi32, #tpu.memory_space<vmem>>, vector<16xi32>,
    tpu.vector_store %arg11[%swap3A_406, %swap3A_407], %shift_right_logical3A_404 {strides = array<i32>} : memref<4x128xi32, #tpu.memory_space<vmem>>, vector<16xi32>,
    %and3A_409 = arith.constant 15 : i32
    %and3A_410 = vector.broadcast %and3A_409 : i32 to vector<16xi32>
    %and3A_411 = arith.andi %get3A_390, %and3A_410 : vector<16xi32>
    %swap3A_412 = arith.constant 192 : index
    %swap3A_413 = tpu.vector_load %arg12[%swap3A_412] {strides = array<i32>} : memref<512xi32, #tpu.memory_space<vmem>>, vector<16xi32>,
    tpu.vector_store %arg12[%swap3A_412], %and3A_411 {strides = array<i32>} : memref<512xi32, #tpu.memory_space<vmem>>, vector<16xi32>,
    %and3A_414 = arith.constant 15 : i32
    %and3A_415 = vector.broadcast %and3A_414 : i32 to vector<16xi32>
    %and3A_416 = arith.andi %get3A_394, %and3A_415 : vector<16xi32>
    %swap3A_417 = arith.constant 192 : index
    %swap3A_418 = tpu.vector_load %arg13[%swap3A_417] {strides = array<i32>} : memref<512xi32, #tpu.memory_space<vmem>>, vector<16xi32>,
    tpu.vector_store %arg13[%swap3A_417], %and3A_416 {strides = array<i32>} : memref<512xi32, #tpu.memory_space<vmem>>, vector<16xi32>,
    %get3A_419 = arith.constant 1 : i32
    %get3A_420 = arith.index_cast %get3A_419 : i32 to index
    %get3A_421 = arith.constant 80 : index
    %get3A_422 = tpu.vector_load %arg8[%get3A_420, %get3A_421] {strides = array<i32>} : memref<4x128xi32, #tpu.memory_space<vmem>>, vector<16xi32>,
    %get3A_423 = arith.constant 1 : i32
    %get3A_424 = arith.index_cast %get3A_423 : i32 to index
    %get3A_425 = arith.constant 80 : index
    %get3A_426 = tpu.vector_load %arg9[%get3A_424, %get3A_425] {strides = array<i32>} : memref<4x128xi32, #tpu.memory_space<vmem>>, vector<16xi32>,
    %shift_right_logical3A_427 = arith.constant 4 : i32
    %shift_right_logical3A_428 = vector.broadcast %shift_right_logical3A_427 : i32 to vector<16xi32>
    %shift_right_logical3A_429 = arith.shrui %get3A_422, %shift_right_logical3A_428 : vector<16xi32>
    %swap3A_430 = arith.constant 1 : i32
    %swap3A_431 = arith.index_cast %swap3A_430 : i32 to index
    %swap3A_432 = arith.constant 80 : index
    %swap3A_433 = tpu.vector_load %arg10[%swap3A_431, %swap3A_432] {strides = array<i32>} : memref<4x128xi32, #tpu.memory_space<vmem>>, vector<16xi32>,
    tpu.vector_store %arg10[%swap3A_431, %swap3A_432], %shift_right_logical3A_429 {strides = array<i32>} : memref<4x128xi32, #tpu.memory_space<vmem>>, vector<16xi32>,
    %shift_right_logical3A_434 = arith.constant 4 : i32
    %shift_right_logical3A_435 = vector.broadcast %shift_right_logical3A_434 : i32 to vector<16xi32>
    %shift_right_logical3A_436 = arith.shrui %get3A_426, %shift_right_logical3A_435 : vector<16xi32>
    %swap3A_437 = arith.constant 1 : i32
    %swap3A_438 = arith.index_cast %swap3A_437 : i32 to index
    %swap3A_439 = arith.constant 80 : index
    %swap3A_440 = tpu.vector_load %arg11[%swap3A_438, %swap3A_439] {strides = array<i32>} : memref<4x128xi32, #tpu.memory_space<vmem>>, vector<16xi32>,
    tpu.vector_store %arg11[%swap3A_438, %swap3A_439], %shift_right_logical3A_436 {strides = array<i32>} : memref<4x128xi32, #tpu.memory_space<vmem>>, vector<16xi32>,
    %and3A_441 = arith.constant 15 : i32
    %and3A_442 = vector.broadcast %and3A_441 : i32 to vector<16xi32>
    %and3A_443 = arith.andi %get3A_422, %and3A_442 : vector<16xi32>
    %swap3A_444 = arith.constant 208 : index
    %swap3A_445 = tpu.vector_load %arg12[%swap3A_444] {strides = array<i32>} : memref<512xi32, #tpu.memory_space<vmem>>, vector<16xi32>,
    tpu.vector_store %arg12[%swap3A_444], %and3A_443 {strides = array<i32>} : memref<512xi32, #tpu.memory_space<vmem>>, vector<16xi32>,
    %and3A_446 = arith.constant 15 : i32
    %and3A_447 = vector.broadcast %and3A_446 : i32 to vector<16xi32>
    %and3A_448 = arith.andi %get3A_426, %and3A_447 : vector<16xi32>
    %swap3A_449 = arith.constant 208 : index
    %swap3A_450 = tpu.vector_load %arg13[%swap3A_449] {strides = array<i32>} : memref<512xi32, #tpu.memory_space<vmem>>, vector<16xi32>,
    tpu.vector_store %arg13[%swap3A_449], %and3A_448 {strides = array<i32>} : memref<512xi32, #tpu.memory_space<vmem>>, vector<16xi32>,
    %get3A_451 = arith.constant 1 : i32
    %get3A_452 = arith.index_cast %get3A_451 : i32 to index
    %get3A_453 = arith.constant 96 : index
    %get3A_454 = tpu.vector_load %arg8[%get3A_452, %get3A_453] {strides = array<i32>} : memref<4x128xi32, #tpu.memory_space<vmem>>, vector<16xi32>,
    %get3A_455 = arith.constant 1 : i32
    %get3A_456 = arith.index_cast %get3A_455 : i32 to index
    %get3A_457 = arith.constant 96 : index
    %get3A_458 = tpu.vector_load %arg9[%get3A_456, %get3A_457] {strides = array<i32>} : memref<4x128xi32, #tpu.memory_space<vmem>>, vector<16xi32>,
    %shift_right_logical3A_459 = arith.constant 4 : i32
    %shift_right_logical3A_460 = vector.broadcast %shift_right_logical3A_459 : i32 to vector<16xi32>
    %shift_right_logical3A_461 = arith.shrui %get3A_454, %shift_right_logical3A_460 : vector<16xi32>
    %swap3A_462 = arith.constant 1 : i32
    %swap3A_463 = arith.index_cast %swap3A_462 : i32 to index
    %swap3A_464 = arith.constant 96 : index
    %swap3A_465 = tpu.vector_load %arg10[%swap3A_463, %swap3A_464] {strides = array<i32>} : memref<4x128xi32, #tpu.memory_space<vmem>>, vector<16xi32>,
    tpu.vector_store %arg10[%swap3A_463, %swap3A_464], %shift_right_logical3A_461 {strides = array<i32>} : memref<4x128xi32, #tpu.memory_space<vmem>>, vector<16xi32>,
    %shift_right_logical3A_466 = arith.constant 4 : i32
    %shift_right_logical3A_467 = vector.broadcast %shift_right_logical3A_466 : i32 to vector<16xi32>
    %shift_right_logical3A_468 = arith.shrui %get3A_458, %shift_right_logical3A_467 : vector<16xi32>
    %swap3A_469 = arith.constant 1 : i32
    %swap3A_470 = arith.index_cast %swap3A_469 : i32 to index
    %swap3A_471 = arith.constant 96 : index
    %swap3A_472 = tpu.vector_load %arg11[%swap3A_470, %swap3A_471] {strides = array<i32>} : memref<4x128xi32, #tpu.memory_space<vmem>>, vector<16xi32>,
    tpu.vector_store %arg11[%swap3A_470, %swap3A_471], %shift_right_logical3A_468 {strides = array<i32>} : memref<4x128xi32, #tpu.memory_space<vmem>>, vector<16xi32>,
    %and3A_473 = arith.constant 15 : i32
    %and3A_474 = vector.broadcast %and3A_473 : i32 to vector<16xi32>
    %and3A_475 = arith.andi %get3A_454, %and3A_474 : vector<16xi32>
    %swap3A_476 = arith.constant 224 : index
    %swap3A_477 = tpu.vector_load %arg12[%swap3A_476] {strides = array<i32>} : memref<512xi32, #tpu.memory_space<vmem>>, vector<16xi32>,
    tpu.vector_store %arg12[%swap3A_476], %and3A_475 {strides = array<i32>} : memref<512xi32, #tpu.memory_space<vmem>>, vector<16xi32>,
    %and3A_478 = arith.constant 15 : i32
    %and3A_479 = vector.broadcast %and3A_478 : i32 to vector<16xi32>
    %and3A_480 = arith.andi %get3A_458, %and3A_479 : vector<16xi32>
    %swap3A_481 = arith.constant 224 : index
    %swap3A_482 = tpu.vector_load %arg13[%swap3A_481] {strides = array<i32>} : memref<512xi32, #tpu.memory_space<vmem>>, vector<16xi32>,
    tpu.vector_store %arg13[%swap3A_481], %and3A_480 {strides = array<i32>} : memref<512xi32, #tpu.memory_space<vmem>>, vector<16xi32>,
    %get3A_483 = arith.constant 1 : i32
    %get3A_484 = arith.index_cast %get3A_483 : i32 to index
    %get3A_485 = arith.constant 112 : index
    %get3A_486 = tpu.vector_load %arg8[%get3A_484, %get3A_485] {strides = array<i32>} : memref<4x128xi32, #tpu.memory_space<vmem>>, vector<16xi32>,
    %get3A_487 = arith.constant 1 : i32
    %get3A_488 = arith.index_cast %get3A_487 : i32 to index
    %get3A_489 = arith.constant 112 : index
    %get3A_490 = tpu.vector_load %arg9[%get3A_488, %get3A_489] {strides = array<i32>} : memref<4x128xi32, #tpu.memory_space<vmem>>, vector<16xi32>,
    %shift_right_logical3A_491 = arith.constant 4 : i32
    %shift_right_logical3A_492 = vector.broadcast %shift_right_logical3A_491 : i32 to vector<16xi32>
    %shift_right_logical3A_493 = arith.shrui %get3A_486, %shift_right_logical3A_492 : vector<16xi32>
    %swap3A_494 = arith.constant 1 : i32
    %swap3A_495 = arith.index_cast %swap3A_494 : i32 to index
    %swap3A_496 = arith.constant 112 : index
    %swap3A_497 = tpu.vector_load %arg10[%swap3A_495, %swap3A_496] {strides = array<i32>} : memref<4x128xi32, #tpu.memory_space<vmem>>, vector<16xi32>,
    tpu.vector_store %arg10[%swap3A_495, %swap3A_496], %shift_right_logical3A_493 {strides = array<i32>} : memref<4x128xi32, #tpu.memory_space<vmem>>, vector<16xi32>,
    %shift_right_logical3A_498 = arith.constant 4 : i32
    %shift_right_logical3A_499 = vector.broadcast %shift_right_logical3A_498 : i32 to vector<16xi32>
    %shift_right_logical3A_500 = arith.shrui %get3A_490, %shift_right_logical3A_499 : vector<16xi32>
    %swap3A_501 = arith.constant 1 : i32
    %swap3A_502 = arith.index_cast %swap3A_501 : i32 to index
    %swap3A_503 = arith.constant 112 : index
    %swap3A_504 = tpu.vector_load %arg11[%swap3A_502, %swap3A_503] {strides = array<i32>} : memref<4x128xi32, #tpu.memory_space<vmem>>, vector<16xi32>,
    tpu.vector_store %arg11[%swap3A_502, %swap3A_503], %shift_right_logical3A_500 {strides = array<i32>} : memref<4x128xi32, #tpu.memory_space<vmem>>, vector<16xi32>,
    %and3A_505 = arith.constant 15 : i32
    %and3A_506 = vector.broadcast %and3A_505 : i32 to vector<16xi32>
    %and3A_507 = arith.andi %get3A_486, %and3A_506 : vector<16xi32>
    %swap3A_508 = arith.constant 240 : index
    %swap3A_509 = tpu.vector_load %arg12[%swap3A_508] {strides = array<i32>} : memref<512xi32, #tpu.memory_space<vmem>>, vector<16xi32>,
    tpu.vector_store %arg12[%swap3A_508], %and3A_507 {strides = array<i32>} : memref<512xi32, #tpu.memory_space<vmem>>, vector<16xi32>,
    %and3A_510 = arith.constant 15 : i32
    %and3A_511 = vector.broadcast %and3A_510 : i32 to vector<16xi32>
    %and3A_512 = arith.andi %get3A_490, %and3A_511 : vector<16xi32>
    %swap3A_513 = arith.constant 240 : index
    %swap3A_514 = tpu.vector_load %arg13[%swap3A_513] {strides = array<i32>} : memref<512xi32, #tpu.memory_space<vmem>>, vector<16xi32>,
    tpu.vector_store %arg13[%swap3A_513], %and3A_512 {strides = array<i32>} : memref<512xi32, #tpu.memory_space<vmem>>, vector<16xi32>,
    %get3A_515 = arith.constant 2 : i32
    %get3A_516 = arith.index_cast %get3A_515 : i32 to index
    %get3A_517 = arith.constant 0 : index
    %get3A_518 = tpu.vector_load %arg8[%get3A_516, %get3A_517] {strides = array<i32>} : memref<4x128xi32, #tpu.memory_space<vmem>>, vector<16xi32>,
    %get3A_519 = arith.constant 2 : i32
    %get3A_520 = arith.index_cast %get3A_519 : i32 to index
    %get3A_521 = arith.constant 0 : index
    %get3A_522 = tpu.vector_load %arg9[%get3A_520, %get3A_521] {strides = array<i32>} : memref<4x128xi32, #tpu.memory_space<vmem>>, vector<16xi32>,
    %shift_right_logical3A_523 = arith.constant 4 : i32
    %shift_right_logical3A_524 = vector.broadcast %shift_right_logical3A_523 : i32 to vector<16xi32>
    %shift_right_logical3A_525 = arith.shrui %get3A_518, %shift_right_logical3A_524 : vector<16xi32>
    %swap3A_526 = arith.constant 2 : i32
    %swap3A_527 = arith.index_cast %swap3A_526 : i32 to index
    %swap3A_528 = arith.constant 0 : index
    %swap3A_529 = tpu.vector_load %arg10[%swap3A_527, %swap3A_528] {strides = array<i32>} : memref<4x128xi32, #tpu.memory_space<vmem>>, vector<16xi32>,
    tpu.vector_store %arg10[%swap3A_527, %swap3A_528], %shift_right_logical3A_525 {strides = array<i32>} : memref<4x128xi32, #tpu.memory_space<vmem>>, vector<16xi32>,
    %shift_right_logical3A_530 = arith.constant 4 : i32
    %shift_right_logical3A_531 = vector.broadcast %shift_right_logical3A_530 : i32 to vector<16xi32>
    %shift_right_logical3A_532 = arith.shrui %get3A_522, %shift_right_logical3A_531 : vector<16xi32>
    %swap3A_533 = arith.constant 2 : i32
    %swap3A_534 = arith.index_cast %swap3A_533 : i32 to index
    %swap3A_535 = arith.constant 0 : index
    %swap3A_536 = tpu.vector_load %arg11[%swap3A_534, %swap3A_535] {strides = array<i32>} : memref<4x128xi32, #tpu.memory_space<vmem>>, vector<16xi32>,
    tpu.vector_store %arg11[%swap3A_534, %swap3A_535], %shift_right_logical3A_532 {strides = array<i32>} : memref<4x128xi32, #tpu.memory_space<vmem>>, vector<16xi32>,
    %and3A_537 = arith.constant 15 : i32
    %and3A_538 = vector.broadcast %and3A_537 : i32 to vector<16xi32>
    %and3A_539 = arith.andi %get3A_518, %and3A_538 : vector<16xi32>
    %swap3A_540 = arith.constant 256 : index
    %swap3A_541 = tpu.vector_load %arg12[%swap3A_540] {strides = array<i32>} : memref<512xi32, #tpu.memory_space<vmem>>, vector<16xi32>,
    tpu.vector_store %arg12[%swap3A_540], %and3A_539 {strides = array<i32>} : memref<512xi32, #tpu.memory_space<vmem>>, vector<16xi32>,
    %and3A_542 = arith.constant 15 : i32
    %and3A_543 = vector.broadcast %and3A_542 : i32 to vector<16xi32>
    %and3A_544 = arith.andi %get3A_522, %and3A_543 : vector<16xi32>
    %swap3A_545 = arith.constant 256 : index
    %swap3A_546 = tpu.vector_load %arg13[%swap3A_545] {strides = array<i32>} : memref<512xi32, #tpu.memory_space<vmem>>, vector<16xi32>,
    tpu.vector_store %arg13[%swap3A_545], %and3A_544 {strides = array<i32>} : memref<512xi32, #tpu.memory_space<vmem>>, vector<16xi32>,
    %get3A_547 = arith.constant 2 : i32
    %get3A_548 = arith.index_cast %get3A_547 : i32 to index
    %get3A_549 = arith.constant 16 : index
    %get3A_550 = tpu.vector_load %arg8[%get3A_548, %get3A_549] {strides = array<i32>} : memref<4x128xi32, #tpu.memory_space<vmem>>, vector<16xi32>,
    %get3A_551 = arith.constant 2 : i32
    %get3A_552 = arith.index_cast %get3A_551 : i32 to index
    %get3A_553 = arith.constant 16 : index
    %get3A_554 = tpu.vector_load %arg9[%get3A_552, %get3A_553] {strides = array<i32>} : memref<4x128xi32, #tpu.memory_space<vmem>>, vector<16xi32>,
    %shift_right_logical3A_555 = arith.constant 4 : i32
    %shift_right_logical3A_556 = vector.broadcast %shift_right_logical3A_555 : i32 to vector<16xi32>
    %shift_right_logical3A_557 = arith.shrui %get3A_550, %shift_right_logical3A_556 : vector<16xi32>
    %swap3A_558 = arith.constant 2 : i32
    %swap3A_559 = arith.index_cast %swap3A_558 : i32 to index
    %swap3A_560 = arith.constant 16 : index
    %swap3A_561 = tpu.vector_load %arg10[%swap3A_559, %swap3A_560] {strides = array<i32>} : memref<4x128xi32, #tpu.memory_space<vmem>>, vector<16xi32>,
    tpu.vector_store %arg10[%swap3A_559, %swap3A_560], %shift_right_logical3A_557 {strides = array<i32>} : memref<4x128xi32, #tpu.memory_space<vmem>>, vector<16xi32>,
    %shift_right_logical3A_562 = arith.constant 4 : i32
    %shift_right_logical3A_563 = vector.broadcast %shift_right_logical3A_562 : i32 to vector<16xi32>
    %shift_right_logical3A_564 = arith.shrui %get3A_554, %shift_right_logical3A_563 : vector<16xi32>
    %swap3A_565 = arith.constant 2 : i32
    %swap3A_566 = arith.index_cast %swap3A_565 : i32 to index
    %swap3A_567 = arith.constant 16 : index
    %swap3A_568 = tpu.vector_load %arg11[%swap3A_566, %swap3A_567] {strides = array<i32>} : memref<4x128xi32, #tpu.memory_space<vmem>>, vector<16xi32>,
    tpu.vector_store %arg11[%swap3A_566, %swap3A_567], %shift_right_logical3A_564 {strides = array<i32>} : memref<4x128xi32, #tpu.memory_space<vmem>>, vector<16xi32>,
    %and3A_569 = arith.constant 15 : i32
    %and3A_570 = vector.broadcast %and3A_569 : i32 to vector<16xi32>
    %and3A_571 = arith.andi %get3A_550, %and3A_570 : vector<16xi32>
    %swap3A_572 = arith.constant 272 : index
    %swap3A_573 = tpu.vector_load %arg12[%swap3A_572] {strides = array<i32>} : memref<512xi32, #tpu.memory_space<vmem>>, vector<16xi32>,
    tpu.vector_store %arg12[%swap3A_572], %and3A_571 {strides = array<i32>} : memref<512xi32, #tpu.memory_space<vmem>>, vector<16xi32>,
    %and3A_574 = arith.constant 15 : i32
    %and3A_575 = vector.broadcast %and3A_574 : i32 to vector<16xi32>
    %and3A_576 = arith.andi %get3A_554, %and3A_575 : vector<16xi32>
    %swap3A_577 = arith.constant 272 : index
    %swap3A_578 = tpu.vector_load %arg13[%swap3A_577] {strides = array<i32>} : memref<512xi32, #tpu.memory_space<vmem>>, vector<16xi32>,
    tpu.vector_store %arg13[%swap3A_577], %and3A_576 {strides = array<i32>} : memref<512xi32, #tpu.memory_space<vmem>>, vector<16xi32>,
    %get3A_579 = arith.constant 2 : i32
    %get3A_580 = arith.index_cast %get3A_579 : i32 to index
    %get3A_581 = arith.constant 32 : index
    %get3A_582 = tpu.vector_load %arg8[%get3A_580, %get3A_581] {strides = array<i32>} : memref<4x128xi32, #tpu.memory_space<vmem>>, vector<16xi32>,
    %get3A_583 = arith.constant 2 : i32
    %get3A_584 = arith.index_cast %get3A_583 : i32 to index
    %get3A_585 = arith.constant 32 : index
    %get3A_586 = tpu.vector_load %arg9[%get3A_584, %get3A_585] {strides = array<i32>} : memref<4x128xi32, #tpu.memory_space<vmem>>, vector<16xi32>,
    %shift_right_logical3A_587 = arith.constant 4 : i32
    %shift_right_logical3A_588 = vector.broadcast %shift_right_logical3A_587 : i32 to vector<16xi32>
    %shift_right_logical3A_589 = arith.shrui %get3A_582, %shift_right_logical3A_588 : vector<16xi32>
    %swap3A_590 = arith.constant 2 : i32
    %swap3A_591 = arith.index_cast %swap3A_590 : i32 to index
    %swap3A_592 = arith.constant 32 : index
    %swap3A_593 = tpu.vector_load %arg10[%swap3A_591, %swap3A_592] {strides = array<i32>} : memref<4x128xi32, #tpu.memory_space<vmem>>, vector<16xi32>,
    tpu.vector_store %arg10[%swap3A_591, %swap3A_592], %shift_right_logical3A_589 {strides = array<i32>} : memref<4x128xi32, #tpu.memory_space<vmem>>, vector<16xi32>,
    %shift_right_logical3A_594 = arith.constant 4 : i32
    %shift_right_logical3A_595 = vector.broadcast %shift_right_logical3A_594 : i32 to vector<16xi32>
    %shift_right_logical3A_596 = arith.shrui %get3A_586, %shift_right_logical3A_595 : vector<16xi32>
    %swap3A_597 = arith.constant 2 : i32
    %swap3A_598 = arith.index_cast %swap3A_597 : i32 to index
    %swap3A_599 = arith.constant 32 : index
    %swap3A_600 = tpu.vector_load %arg11[%swap3A_598, %swap3A_599] {strides = array<i32>} : memref<4x128xi32, #tpu.memory_space<vmem>>, vector<16xi32>,
    tpu.vector_store %arg11[%swap3A_598, %swap3A_599], %shift_right_logical3A_596 {strides = array<i32>} : memref<4x128xi32, #tpu.memory_space<vmem>>, vector<16xi32>,
    %and3A_601 = arith.constant 15 : i32
    %and3A_602 = vector.broadcast %and3A_601 : i32 to vector<16xi32>
    %and3A_603 = arith.andi %get3A_582, %and3A_602 : vector<16xi32>
    %swap3A_604 = arith.constant 288 : index
    %swap3A_605 = tpu.vector_load %arg12[%swap3A_604] {strides = array<i32>} : memref<512xi32, #tpu.memory_space<vmem>>, vector<16xi32>,
    tpu.vector_store %arg12[%swap3A_604], %and3A_603 {strides = array<i32>} : memref<512xi32, #tpu.memory_space<vmem>>, vector<16xi32>,
    %and3A_606 = arith.constant 15 : i32
    %and3A_607 = vector.broadcast %and3A_606 : i32 to vector<16xi32>
    %and3A_608 = arith.andi %get3A_586, %and3A_607 : vector<16xi32>
    %swap3A_609 = arith.constant 288 : index
    %swap3A_610 = tpu.vector_load %arg13[%swap3A_609] {strides = array<i32>} : memref<512xi32, #tpu.memory_space<vmem>>, vector<16xi32>,
    tpu.vector_store %arg13[%swap3A_609], %and3A_608 {strides = array<i32>} : memref<512xi32, #tpu.memory_space<vmem>>, vector<16xi32>,
    %get3A_611 = arith.constant 2 : i32
    %get3A_612 = arith.index_cast %get3A_611 : i32 to index
    %get3A_613 = arith.constant 48 : index
    %get3A_614 = tpu.vector_load %arg8[%get3A_612, %get3A_613] {strides = array<i32>} : memref<4x128xi32, #tpu.memory_space<vmem>>, vector<16xi32>,
    %get3A_615 = arith.constant 2 : i32
    %get3A_616 = arith.index_cast %get3A_615 : i32 to index
    %get3A_617 = arith.constant 48 : index
    %get3A_618 = tpu.vector_load %arg9[%get3A_616, %get3A_617] {strides = array<i32>} : memref<4x128xi32, #tpu.memory_space<vmem>>, vector<16xi32>,
    %shift_right_logical3A_619 = arith.constant 4 : i32
    %shift_right_logical3A_620 = vector.broadcast %shift_right_logical3A_619 : i32 to vector<16xi32>
    %shift_right_logical3A_621 = arith.shrui %get3A_614, %shift_right_logical3A_620 : vector<16xi32>
    %swap3A_622 = arith.constant 2 : i32
    %swap3A_623 = arith.index_cast %swap3A_622 : i32 to index
    %swap3A_624 = arith.constant 48 : index
    %swap3A_625 = tpu.vector_load %arg10[%swap3A_623, %swap3A_624] {strides = array<i32>} : memref<4x128xi32, #tpu.memory_space<vmem>>, vector<16xi32>,
    tpu.vector_store %arg10[%swap3A_623, %swap3A_624], %shift_right_logical3A_621 {strides = array<i32>} : memref<4x128xi32, #tpu.memory_space<vmem>>, vector<16xi32>,
    %shift_right_logical3A_626 = arith.constant 4 : i32
    %shift_right_logical3A_627 = vector.broadcast %shift_right_logical3A_626 : i32 to vector<16xi32>
    %shift_right_logical3A_628 = arith.shrui %get3A_618, %shift_right_logical3A_627 : vector<16xi32>
    %swap3A_629 = arith.constant 2 : i32
    %swap3A_630 = arith.index_cast %swap3A_629 : i32 to index
    %swap3A_631 = arith.constant 48 : index
    %swap3A_632 = tpu.vector_load %arg11[%swap3A_630, %swap3A_631] {strides = array<i32>} : memref<4x128xi32, #tpu.memory_space<vmem>>, vector<16xi32>,
    tpu.vector_store %arg11[%swap3A_630, %swap3A_631], %shift_right_logical3A_628 {strides = array<i32>} : memref<4x128xi32, #tpu.memory_space<vmem>>, vector<16xi32>,
    %and3A_633 = arith.constant 15 : i32
    %and3A_634 = vector.broadcast %and3A_633 : i32 to vector<16xi32>
    %and3A_635 = arith.andi %get3A_614, %and3A_634 : vector<16xi32>
    %swap3A_636 = arith.constant 304 : index
    %swap3A_637 = tpu.vector_load %arg12[%swap3A_636] {strides = array<i32>} : memref<512xi32, #tpu.memory_space<vmem>>, vector<16xi32>,
    tpu.vector_store %arg12[%swap3A_636], %and3A_635 {strides = array<i32>} : memref<512xi32, #tpu.memory_space<vmem>>, vector<16xi32>,
    %and3A_638 = arith.constant 15 : i32
    %and3A_639 = vector.broadcast %and3A_638 : i32 to vector<16xi32>
    %and3A_640 = arith.andi %get3A_618, %and3A_639 : vector<16xi32>
    %swap3A_641 = arith.constant 304 : index
    %swap3A_642 = tpu.vector_load %arg13[%swap3A_641] {strides = array<i32>} : memref<512xi32, #tpu.memory_space<vmem>>, vector<16xi32>,
    tpu.vector_store %arg13[%swap3A_641], %and3A_640 {strides = array<i32>} : memref<512xi32, #tpu.memory_space<vmem>>, vector<16xi32>,
    %get3A_643 = arith.constant 2 : i32
    %get3A_644 = arith.index_cast %get3A_643 : i32 to index
    %get3A_645 = arith.constant 64 : index
    %get3A_646 = tpu.vector_load %arg8[%get3A_644, %get3A_645] {strides = array<i32>} : memref<4x128xi32, #tpu.memory_space<vmem>>, vector<16xi32>,
    %get3A_647 = arith.constant 2 : i32
    %get3A_648 = arith.index_cast %get3A_647 : i32 to index
    %get3A_649 = arith.constant 64 : index
    %get3A_650 = tpu.vector_load %arg9[%get3A_648, %get3A_649] {strides = array<i32>} : memref<4x128xi32, #tpu.memory_space<vmem>>, vector<16xi32>,
    %shift_right_logical3A_651 = arith.constant 4 : i32
    %shift_right_logical3A_652 = vector.broadcast %shift_right_logical3A_651 : i32 to vector<16xi32>
    %shift_right_logical3A_653 = arith.shrui %get3A_646, %shift_right_logical3A_652 : vector<16xi32>
    %swap3A_654 = arith.constant 2 : i32
    %swap3A_655 = arith.index_cast %swap3A_654 : i32 to index
    %swap3A_656 = arith.constant 64 : index
    %swap3A_657 = tpu.vector_load %arg10[%swap3A_655, %swap3A_656] {strides = array<i32>} : memref<4x128xi32, #tpu.memory_space<vmem>>, vector<16xi32>,
    tpu.vector_store %arg10[%swap3A_655, %swap3A_656], %shift_right_logical3A_653 {strides = array<i32>} : memref<4x128xi32, #tpu.memory_space<vmem>>, vector<16xi32>,
    %shift_right_logical3A_658 = arith.constant 4 : i32
    %shift_right_logical3A_659 = vector.broadcast %shift_right_logical3A_658 : i32 to vector<16xi32>
    %shift_right_logical3A_660 = arith.shrui %get3A_650, %shift_right_logical3A_659 : vector<16xi32>
    %swap3A_661 = arith.constant 2 : i32
    %swap3A_662 = arith.index_cast %swap3A_661 : i32 to index
    %swap3A_663 = arith.constant 64 : index
    %swap3A_664 = tpu.vector_load %arg11[%swap3A_662, %swap3A_663] {strides = array<i32>} : memref<4x128xi32, #tpu.memory_space<vmem>>, vector<16xi32>,
    tpu.vector_store %arg11[%swap3A_662, %swap3A_663], %shift_right_logical3A_660 {strides = array<i32>} : memref<4x128xi32, #tpu.memory_space<vmem>>, vector<16xi32>,
    %and3A_665 = arith.constant 15 : i32
    %and3A_666 = vector.broadcast %and3A_665 : i32 to vector<16xi32>
    %and3A_667 = arith.andi %get3A_646, %and3A_666 : vector<16xi32>
    %swap3A_668 = arith.constant 320 : index
    %swap3A_669 = tpu.vector_load %arg12[%swap3A_668] {strides = array<i32>} : memref<512xi32, #tpu.memory_space<vmem>>, vector<16xi32>,
    tpu.vector_store %arg12[%swap3A_668], %and3A_667 {strides = array<i32>} : memref<512xi32, #tpu.memory_space<vmem>>, vector<16xi32>,
    %and3A_670 = arith.constant 15 : i32
    %and3A_671 = vector.broadcast %and3A_670 : i32 to vector<16xi32>
    %and3A_672 = arith.andi %get3A_650, %and3A_671 : vector<16xi32>
    %swap3A_673 = arith.constant 320 : index
    %swap3A_674 = tpu.vector_load %arg13[%swap3A_673] {strides = array<i32>} : memref<512xi32, #tpu.memory_space<vmem>>, vector<16xi32>,
    tpu.vector_store %arg13[%swap3A_673], %and3A_672 {strides = array<i32>} : memref<512xi32, #tpu.memory_space<vmem>>, vector<16xi32>,
    %get3A_675 = arith.constant 2 : i32
    %get3A_676 = arith.index_cast %get3A_675 : i32 to index
    %get3A_677 = arith.constant 80 : index
    %get3A_678 = tpu.vector_load %arg8[%get3A_676, %get3A_677] {strides = array<i32>} : memref<4x128xi32, #tpu.memory_space<vmem>>, vector<16xi32>,
    %get3A_679 = arith.constant 2 : i32
    %get3A_680 = arith.index_cast %get3A_679 : i32 to index
    %get3A_681 = arith.constant 80 : index
    %get3A_682 = tpu.vector_load %arg9[%get3A_680, %get3A_681] {strides = array<i32>} : memref<4x128xi32, #tpu.memory_space<vmem>>, vector<16xi32>,
    %shift_right_logical3A_683 = arith.constant 4 : i32
    %shift_right_logical3A_684 = vector.broadcast %shift_right_logical3A_683 : i32 to vector<16xi32>
    %shift_right_logical3A_685 = arith.shrui %get3A_678, %shift_right_logical3A_684 : vector<16xi32>
    %swap3A_686 = arith.constant 2 : i32
    %swap3A_687 = arith.index_cast %swap3A_686 : i32 to index
    %swap3A_688 = arith.constant 80 : index
    %swap3A_689 = tpu.vector_load %arg10[%swap3A_687, %swap3A_688] {strides = array<i32>} : memref<4x128xi32, #tpu.memory_space<vmem>>, vector<16xi32>,
    tpu.vector_store %arg10[%swap3A_687, %swap3A_688], %shift_right_logical3A_685 {strides = array<i32>} : memref<4x128xi32, #tpu.memory_space<vmem>>, vector<16xi32>,
    %shift_right_logical3A_690 = arith.constant 4 : i32
    %shift_right_logical3A_691 = vector.broadcast %shift_right_logical3A_690 : i32 to vector<16xi32>
    %shift_right_logical3A_692 = arith.shrui %get3A_682, %shift_right_logical3A_691 : vector<16xi32>
    %swap3A_693 = arith.constant 2 : i32
    %swap3A_694 = arith.index_cast %swap3A_693 : i32 to index
    %swap3A_695 = arith.constant 80 : index
    %swap3A_696 = tpu.vector_load %arg11[%swap3A_694, %swap3A_695] {strides = array<i32>} : memref<4x128xi32, #tpu.memory_space<vmem>>, vector<16xi32>,
    tpu.vector_store %arg11[%swap3A_694, %swap3A_695], %shift_right_logical3A_692 {strides = array<i32>} : memref<4x128xi32, #tpu.memory_space<vmem>>, vector<16xi32>,
    %and3A_697 = arith.constant 15 : i32
    %and3A_698 = vector.broadcast %and3A_697 : i32 to vector<16xi32>
    %and3A_699 = arith.andi %get3A_678, %and3A_698 : vector<16xi32>
    %swap3A_700 = arith.constant 336 : index
    %swap3A_701 = tpu.vector_load %arg12[%swap3A_700] {strides = array<i32>} : memref<512xi32, #tpu.memory_space<vmem>>, vector<16xi32>,
    tpu.vector_store %arg12[%swap3A_700], %and3A_699 {strides = array<i32>} : memref<512xi32, #tpu.memory_space<vmem>>, vector<16xi32>,
    %and3A_702 = arith.constant 15 : i32
    %and3A_703 = vector.broadcast %and3A_702 : i32 to vector<16xi32>
    %and3A_704 = arith.andi %get3A_682, %and3A_703 : vector<16xi32>
    %swap3A_705 = arith.constant 336 : index
    %swap3A_706 = tpu.vector_load %arg13[%swap3A_705] {strides = array<i32>} : memref<512xi32, #tpu.memory_space<vmem>>, vector<16xi32>,
    tpu.vector_store %arg13[%swap3A_705], %and3A_704 {strides = array<i32>} : memref<512xi32, #tpu.memory_space<vmem>>, vector<16xi32>,
    %get3A_707 = arith.constant 2 : i32
    %get3A_708 = arith.index_cast %get3A_707 : i32 to index
    %get3A_709 = arith.constant 96 : index
    %get3A_710 = tpu.vector_load %arg8[%get3A_708, %get3A_709] {strides = array<i32>} : memref<4x128xi32, #tpu.memory_space<vmem>>, vector<16xi32>,
    %get3A_711 = arith.constant 2 : i32
    %get3A_712 = arith.index_cast %get3A_711 : i32 to index
    %get3A_713 = arith.constant 96 : index
    %get3A_714 = tpu.vector_load %arg9[%get3A_712, %get3A_713] {strides = array<i32>} : memref<4x128xi32, #tpu.memory_space<vmem>>, vector<16xi32>,
    %shift_right_logical3A_715 = arith.constant 4 : i32
    %shift_right_logical3A_716 = vector.broadcast %shift_right_logical3A_715 : i32 to vector<16xi32>
    %shift_right_logical3A_717 = arith.shrui %get3A_710, %shift_right_logical3A_716 : vector<16xi32>
    %swap3A_718 = arith.constant 2 : i32
    %swap3A_719 = arith.index_cast %swap3A_718 : i32 to index
    %swap3A_720 = arith.constant 96 : index
    %swap3A_721 = tpu.vector_load %arg10[%swap3A_719, %swap3A_720] {strides = array<i32>} : memref<4x128xi32, #tpu.memory_space<vmem>>, vector<16xi32>,
    tpu.vector_store %arg10[%swap3A_719, %swap3A_720], %shift_right_logical3A_717 {strides = array<i32>} : memref<4x128xi32, #tpu.memory_space<vmem>>, vector<16xi32>,
    %shift_right_logical3A_722 = arith.constant 4 : i32
    %shift_right_logical3A_723 = vector.broadcast %shift_right_logical3A_722 : i32 to vector<16xi32>
    %shift_right_logical3A_724 = arith.shrui %get3A_714, %shift_right_logical3A_723 : vector<16xi32>
    %swap3A_725 = arith.constant 2 : i32
    %swap3A_726 = arith.index_cast %swap3A_725 : i32 to index
    %swap3A_727 = arith.constant 96 : index
    %swap3A_728 = tpu.vector_load %arg11[%swap3A_726, %swap3A_727] {strides = array<i32>} : memref<4x128xi32, #tpu.memory_space<vmem>>, vector<16xi32>,
    tpu.vector_store %arg11[%swap3A_726, %swap3A_727], %shift_right_logical3A_724 {strides = array<i32>} : memref<4x128xi32, #tpu.memory_space<vmem>>, vector<16xi32>,
    %and3A_729 = arith.constant 15 : i32
    %and3A_730 = vector.broadcast %and3A_729 : i32 to vector<16xi32>
    %and3A_731 = arith.andi %get3A_710, %and3A_730 : vector<16xi32>
    %swap3A_732 = arith.constant 352 : index
    %swap3A_733 = tpu.vector_load %arg12[%swap3A_732] {strides = array<i32>} : memref<512xi32, #tpu.memory_space<vmem>>, vector<16xi32>,
    tpu.vector_store %arg12[%swap3A_732], %and3A_731 {strides = array<i32>} : memref<512xi32, #tpu.memory_space<vmem>>, vector<16xi32>,
    %and3A_734 = arith.constant 15 : i32
    %and3A_735 = vector.broadcast %and3A_734 : i32 to vector<16xi32>
    %and3A_736 = arith.andi %get3A_714, %and3A_735 : vector<16xi32>
    %swap3A_737 = arith.constant 352 : index
    %swap3A_738 = tpu.vector_load %arg13[%swap3A_737] {strides = array<i32>} : memref<512xi32, #tpu.memory_space<vmem>>, vector<16xi32>,
    tpu.vector_store %arg13[%swap3A_737], %and3A_736 {strides = array<i32>} : memref<512xi32, #tpu.memory_space<vmem>>, vector<16xi32>,
    %get3A_739 = arith.constant 2 : i32
    %get3A_740 = arith.index_cast %get3A_739 : i32 to index
    %get3A_741 = arith.constant 112 : index
    %get3A_742 = tpu.vector_load %arg8[%get3A_740, %get3A_741] {strides = array<i32>} : memref<4x128xi32, #tpu.memory_space<vmem>>, vector<16xi32>,
    %get3A_743 = arith.constant 2 : i32
    %get3A_744 = arith.index_cast %get3A_743 : i32 to index
    %get3A_745 = arith.constant 112 : index
    %get3A_746 = tpu.vector_load %arg9[%get3A_744, %get3A_745] {strides = array<i32>} : memref<4x128xi32, #tpu.memory_space<vmem>>, vector<16xi32>,
    %shift_right_logical3A_747 = arith.constant 4 : i32
    %shift_right_logical3A_748 = vector.broadcast %shift_right_logical3A_747 : i32 to vector<16xi32>
    %shift_right_logical3A_749 = arith.shrui %get3A_742, %shift_right_logical3A_748 : vector<16xi32>
    %swap3A_750 = arith.constant 2 : i32
    %swap3A_751 = arith.index_cast %swap3A_750 : i32 to index
    %swap3A_752 = arith.constant 112 : index
    %swap3A_753 = tpu.vector_load %arg10[%swap3A_751, %swap3A_752] {strides = array<i32>} : memref<4x128xi32, #tpu.memory_space<vmem>>, vector<16xi32>,
    tpu.vector_store %arg10[%swap3A_751, %swap3A_752], %shift_right_logical3A_749 {strides = array<i32>} : memref<4x128xi32, #tpu.memory_space<vmem>>, vector<16xi32>,
    %shift_right_logical3A_754 = arith.constant 4 : i32
    %shift_right_logical3A_755 = vector.broadcast %shift_right_logical3A_754 : i32 to vector<16xi32>
    %shift_right_logical3A_756 = arith.shrui %get3A_746, %shift_right_logical3A_755 : vector<16xi32>
    %swap3A_757 = arith.constant 2 : i32
    %swap3A_758 = arith.index_cast %swap3A_757 : i32 to index
    %swap3A_759 = arith.constant 112 : index
    %swap3A_760 = tpu.vector_load %arg11[%swap3A_758, %swap3A_759] {strides = array<i32>} : memref<4x128xi32, #tpu.memory_space<vmem>>, vector<16xi32>,
    tpu.vector_store %arg11[%swap3A_758, %swap3A_759], %shift_right_logical3A_756 {strides = array<i32>} : memref<4x128xi32, #tpu.memory_space<vmem>>, vector<16xi32>,
    %and3A_761 = arith.constant 15 : i32
    %and3A_762 = vector.broadcast %and3A_761 : i32 to vector<16xi32>
    %and3A_763 = arith.andi %get3A_742, %and3A_762 : vector<16xi32>
    %swap3A_764 = arith.constant 368 : index
    %swap3A_765 = tpu.vector_load %arg12[%swap3A_764] {strides = array<i32>} : memref<512xi32, #tpu.memory_space<vmem>>, vector<16xi32>,
    tpu.vector_store %arg12[%swap3A_764], %and3A_763 {strides = array<i32>} : memref<512xi32, #tpu.memory_space<vmem>>, vector<16xi32>,
    %and3A_766 = arith.constant 15 : i32
    %and3A_767 = vector.broadcast %and3A_766 : i32 to vector<16xi32>
    %and3A_768 = arith.andi %get3A_746, %and3A_767 : vector<16xi32>
    %swap3A_769 = arith.constant 368 : index
    %swap3A_770 = tpu.vector_load %arg13[%swap3A_769] {strides = array<i32>} : memref<512xi32, #tpu.memory_space<vmem>>, vector<16xi32>,
    tpu.vector_store %arg13[%swap3A_769], %and3A_768 {strides = array<i32>} : memref<512xi32, #tpu.memory_space<vmem>>, vector<16xi32>,
    %get3A_771 = arith.constant 3 : i32
    %get3A_772 = arith.index_cast %get3A_771 : i32 to index
    %get3A_773 = arith.constant 0 : index
    %get3A_774 = tpu.vector_load %arg8[%get3A_772, %get3A_773] {strides = array<i32>} : memref<4x128xi32, #tpu.memory_space<vmem>>, vector<16xi32>,
    %get3A_775 = arith.constant 3 : i32
    %get3A_776 = arith.index_cast %get3A_775 : i32 to index
    %get3A_777 = arith.constant 0 : index
    %get3A_778 = tpu.vector_load %arg9[%get3A_776, %get3A_777] {strides = array<i32>} : memref<4x128xi32, #tpu.memory_space<vmem>>, vector<16xi32>,
    %shift_right_logical3A_779 = arith.constant 4 : i32
    %shift_right_logical3A_780 = vector.broadcast %shift_right_logical3A_779 : i32 to vector<16xi32>
    %shift_right_logical3A_781 = arith.shrui %get3A_774, %shift_right_logical3A_780 : vector<16xi32>
    %swap3A_782 = arith.constant 3 : i32
    %swap3A_783 = arith.index_cast %swap3A_782 : i32 to index
    %swap3A_784 = arith.constant 0 : index
    %swap3A_785 = tpu.vector_load %arg10[%swap3A_783, %swap3A_784] {strides = array<i32>} : memref<4x128xi32, #tpu.memory_space<vmem>>, vector<16xi32>,
    tpu.vector_store %arg10[%swap3A_783, %swap3A_784], %shift_right_logical3A_781 {strides = array<i32>} : memref<4x128xi32, #tpu.memory_space<vmem>>, vector<16xi32>,
    %shift_right_logical3A_786 = arith.constant 4 : i32
    %shift_right_logical3A_787 = vector.broadcast %shift_right_logical3A_786 : i32 to vector<16xi32>
    %shift_right_logical3A_788 = arith.shrui %get3A_778, %shift_right_logical3A_787 : vector<16xi32>
    %swap3A_789 = arith.constant 3 : i32
    %swap3A_790 = arith.index_cast %swap3A_789 : i32 to index
    %swap3A_791 = arith.constant 0 : index
    %swap3A_792 = tpu.vector_load %arg11[%swap3A_790, %swap3A_791] {strides = array<i32>} : memref<4x128xi32, #tpu.memory_space<vmem>>, vector<16xi32>,
    tpu.vector_store %arg11[%swap3A_790, %swap3A_791], %shift_right_logical3A_788 {strides = array<i32>} : memref<4x128xi32, #tpu.memory_space<vmem>>, vector<16xi32>,
    %and3A_793 = arith.constant 15 : i32
    %and3A_794 = vector.broadcast %and3A_793 : i32 to vector<16xi32>
    %and3A_795 = arith.andi %get3A_774, %and3A_794 : vector<16xi32>
    %swap3A_796 = arith.constant 384 : index
    %swap3A_797 = tpu.vector_load %arg12[%swap3A_796] {strides = array<i32>} : memref<512xi32, #tpu.memory_space<vmem>>, vector<16xi32>,
    tpu.vector_store %arg12[%swap3A_796], %and3A_795 {strides = array<i32>} : memref<512xi32, #tpu.memory_space<vmem>>, vector<16xi32>,
    %and3A_798 = arith.constant 15 : i32
    %and3A_799 = vector.broadcast %and3A_798 : i32 to vector<16xi32>
    %and3A_800 = arith.andi %get3A_778, %and3A_799 : vector<16xi32>
    %swap3A_801 = arith.constant 384 : index
    %swap3A_802 = tpu.vector_load %arg13[%swap3A_801] {strides = array<i32>} : memref<512xi32, #tpu.memory_space<vmem>>, vector<16xi32>,
    tpu.vector_store %arg13[%swap3A_801], %and3A_800 {strides = array<i32>} : memref<512xi32, #tpu.memory_space<vmem>>, vector<16xi32>,
    %get3A_803 = arith.constant 3 : i32
    %get3A_804 = arith.index_cast %get3A_803 : i32 to index
    %get3A_805 = arith.constant 16 : index
    %get3A_806 = tpu.vector_load %arg8[%get3A_804, %get3A_805] {strides = array<i32>} : memref<4x128xi32, #tpu.memory_space<vmem>>, vector<16xi32>,
    %get3A_807 = arith.constant 3 : i32
    %get3A_808 = arith.index_cast %get3A_807 : i32 to index
    %get3A_809 = arith.constant 16 : index
    %get3A_810 = tpu.vector_load %arg9[%get3A_808, %get3A_809] {strides = array<i32>} : memref<4x128xi32, #tpu.memory_space<vmem>>, vector<16xi32>,
    %shift_right_logical3A_811 = arith.constant 4 : i32
    %shift_right_logical3A_812 = vector.broadcast %shift_right_logical3A_811 : i32 to vector<16xi32>
    %shift_right_logical3A_813 = arith.shrui %get3A_806, %shift_right_logical3A_812 : vector<16xi32>
    %swap3A_814 = arith.constant 3 : i32
    %swap3A_815 = arith.index_cast %swap3A_814 : i32 to index
    %swap3A_816 = arith.constant 16 : index
    %swap3A_817 = tpu.vector_load %arg10[%swap3A_815, %swap3A_816] {strides = array<i32>} : memref<4x128xi32, #tpu.memory_space<vmem>>, vector<16xi32>,
    tpu.vector_store %arg10[%swap3A_815, %swap3A_816], %shift_right_logical3A_813 {strides = array<i32>} : memref<4x128xi32, #tpu.memory_space<vmem>>, vector<16xi32>,
    %shift_right_logical3A_818 = arith.constant 4 : i32
    %shift_right_logical3A_819 = vector.broadcast %shift_right_logical3A_818 : i32 to vector<16xi32>
    %shift_right_logical3A_820 = arith.shrui %get3A_810, %shift_right_logical3A_819 : vector<16xi32>
    %swap3A_821 = arith.constant 3 : i32
    %swap3A_822 = arith.index_cast %swap3A_821 : i32 to index
    %swap3A_823 = arith.constant 16 : index
    %swap3A_824 = tpu.vector_load %arg11[%swap3A_822, %swap3A_823] {strides = array<i32>} : memref<4x128xi32, #tpu.memory_space<vmem>>, vector<16xi32>,
    tpu.vector_store %arg11[%swap3A_822, %swap3A_823], %shift_right_logical3A_820 {strides = array<i32>} : memref<4x128xi32, #tpu.memory_space<vmem>>, vector<16xi32>,
    %and3A_825 = arith.constant 15 : i32
    %and3A_826 = vector.broadcast %and3A_825 : i32 to vector<16xi32>
    %and3A_827 = arith.andi %get3A_806, %and3A_826 : vector<16xi32>
    %swap3A_828 = arith.constant 400 : index
    %swap3A_829 = tpu.vector_load %arg12[%swap3A_828] {strides = array<i32>} : memref<512xi32, #tpu.memory_space<vmem>>, vector<16xi32>,
    tpu.vector_store %arg12[%swap3A_828], %and3A_827 {strides = array<i32>} : memref<512xi32, #tpu.memory_space<vmem>>, vector<16xi32>,
    %and3A_830 = arith.constant 15 : i32
    %and3A_831 = vector.broadcast %and3A_830 : i32 to vector<16xi32>
    %and3A_832 = arith.andi %get3A_810, %and3A_831 : vector<16xi32>
    %swap3A_833 = arith.constant 400 : index
    %swap3A_834 = tpu.vector_load %arg13[%swap3A_833] {strides = array<i32>} : memref<512xi32, #tpu.memory_space<vmem>>, vector<16xi32>,
    tpu.vector_store %arg13[%swap3A_833], %and3A_832 {strides = array<i32>} : memref<512xi32, #tpu.memory_space<vmem>>, vector<16xi32>,
    %get3A_835 = arith.constant 3 : i32
    %get3A_836 = arith.index_cast %get3A_835 : i32 to index
    %get3A_837 = arith.constant 32 : index
    %get3A_838 = tpu.vector_load %arg8[%get3A_836, %get3A_837] {strides = array<i32>} : memref<4x128xi32, #tpu.memory_space<vmem>>, vector<16xi32>,
    %get3A_839 = arith.constant 3 : i32
    %get3A_840 = arith.index_cast %get3A_839 : i32 to index
    %get3A_841 = arith.constant 32 : index
    %get3A_842 = tpu.vector_load %arg9[%get3A_840, %get3A_841] {strides = array<i32>} : memref<4x128xi32, #tpu.memory_space<vmem>>, vector<16xi32>,
    %shift_right_logical3A_843 = arith.constant 4 : i32
    %shift_right_logical3A_844 = vector.broadcast %shift_right_logical3A_843 : i32 to vector<16xi32>
    %shift_right_logical3A_845 = arith.shrui %get3A_838, %shift_right_logical3A_844 : vector<16xi32>
    %swap3A_846 = arith.constant 3 : i32
    %swap3A_847 = arith.index_cast %swap3A_846 : i32 to index
    %swap3A_848 = arith.constant 32 : index
    %swap3A_849 = tpu.vector_load %arg10[%swap3A_847, %swap3A_848] {strides = array<i32>} : memref<4x128xi32, #tpu.memory_space<vmem>>, vector<16xi32>,
    tpu.vector_store %arg10[%swap3A_847, %swap3A_848], %shift_right_logical3A_845 {strides = array<i32>} : memref<4x128xi32, #tpu.memory_space<vmem>>, vector<16xi32>,
    %shift_right_logical3A_850 = arith.constant 4 : i32
    %shift_right_logical3A_851 = vector.broadcast %shift_right_logical3A_850 : i32 to vector<16xi32>
    %shift_right_logical3A_852 = arith.shrui %get3A_842, %shift_right_logical3A_851 : vector<16xi32>
    %swap3A_853 = arith.constant 3 : i32
    %swap3A_854 = arith.index_cast %swap3A_853 : i32 to index
    %swap3A_855 = arith.constant 32 : index
    %swap3A_856 = tpu.vector_load %arg11[%swap3A_854, %swap3A_855] {strides = array<i32>} : memref<4x128xi32, #tpu.memory_space<vmem>>, vector<16xi32>,
    tpu.vector_store %arg11[%swap3A_854, %swap3A_855], %shift_right_logical3A_852 {strides = array<i32>} : memref<4x128xi32, #tpu.memory_space<vmem>>, vector<16xi32>,
    %and3A_857 = arith.constant 15 : i32
    %and3A_858 = vector.broadcast %and3A_857 : i32 to vector<16xi32>
    %and3A_859 = arith.andi %get3A_838, %and3A_858 : vector<16xi32>
    %swap3A_860 = arith.constant 416 : index
    %swap3A_861 = tpu.vector_load %arg12[%swap3A_860] {strides = array<i32>} : memref<512xi32, #tpu.memory_space<vmem>>, vector<16xi32>,
    tpu.vector_store %arg12[%swap3A_860], %and3A_859 {strides = array<i32>} : memref<512xi32, #tpu.memory_space<vmem>>, vector<16xi32>,
    %and3A_862 = arith.constant 15 : i32
    %and3A_863 = vector.broadcast %and3A_862 : i32 to vector<16xi32>
    %and3A_864 = arith.andi %get3A_842, %and3A_863 : vector<16xi32>
    %swap3A_865 = arith.constant 416 : index
    %swap3A_866 = tpu.vector_load %arg13[%swap3A_865] {strides = array<i32>} : memref<512xi32, #tpu.memory_space<vmem>>, vector<16xi32>,
    tpu.vector_store %arg13[%swap3A_865], %and3A_864 {strides = array<i32>} : memref<512xi32, #tpu.memory_space<vmem>>, vector<16xi32>,
    %get3A_867 = arith.constant 3 : i32
    %get3A_868 = arith.index_cast %get3A_867 : i32 to index
    %get3A_869 = arith.constant 48 : index
    %get3A_870 = tpu.vector_load %arg8[%get3A_868, %get3A_869] {strides = array<i32>} : memref<4x128xi32, #tpu.memory_space<vmem>>, vector<16xi32>,
    %get3A_871 = arith.constant 3 : i32
    %get3A_872 = arith.index_cast %get3A_871 : i32 to index
    %get3A_873 = arith.constant 48 : index
    %get3A_874 = tpu.vector_load %arg9[%get3A_872, %get3A_873] {strides = array<i32>} : memref<4x128xi32, #tpu.memory_space<vmem>>, vector<16xi32>,
    %shift_right_logical3A_875 = arith.constant 4 : i32
    %shift_right_logical3A_876 = vector.broadcast %shift_right_logical3A_875 : i32 to vector<16xi32>
    %shift_right_logical3A_877 = arith.shrui %get3A_870, %shift_right_logical3A_876 : vector<16xi32>
    %swap3A_878 = arith.constant 3 : i32
    %swap3A_879 = arith.index_cast %swap3A_878 : i32 to index
    %swap3A_880 = arith.constant 48 : index
    %swap3A_881 = tpu.vector_load %arg10[%swap3A_879, %swap3A_880] {strides = array<i32>} : memref<4x128xi32, #tpu.memory_space<vmem>>, vector<16xi32>,
    tpu.vector_store %arg10[%swap3A_879, %swap3A_880], %shift_right_logical3A_877 {strides = array<i32>} : memref<4x128xi32, #tpu.memory_space<vmem>>, vector<16xi32>,
    %shift_right_logical3A_882 = arith.constant 4 : i32
    %shift_right_logical3A_883 = vector.broadcast %shift_right_logical3A_882 : i32 to vector<16xi32>
    %shift_right_logical3A_884 = arith.shrui %get3A_874, %shift_right_logical3A_883 : vector<16xi32>
    %swap3A_885 = arith.constant 3 : i32
    %swap3A_886 = arith.index_cast %swap3A_885 : i32 to index
    %swap3A_887 = arith.constant 48 : index
    %swap3A_888 = tpu.vector_load %arg11[%swap3A_886, %swap3A_887] {strides = array<i32>} : memref<4x128xi32, #tpu.memory_space<vmem>>, vector<16xi32>,
    tpu.vector_store %arg11[%swap3A_886, %swap3A_887], %shift_right_logical3A_884 {strides = array<i32>} : memref<4x128xi32, #tpu.memory_space<vmem>>, vector<16xi32>,
    %and3A_889 = arith.constant 15 : i32
    %and3A_890 = vector.broadcast %and3A_889 : i32 to vector<16xi32>
    %and3A_891 = arith.andi %get3A_870, %and3A_890 : vector<16xi32>
    %swap3A_892 = arith.constant 432 : index
    %swap3A_893 = tpu.vector_load %arg12[%swap3A_892] {strides = array<i32>} : memref<512xi32, #tpu.memory_space<vmem>>, vector<16xi32>,
    tpu.vector_store %arg12[%swap3A_892], %and3A_891 {strides = array<i32>} : memref<512xi32, #tpu.memory_space<vmem>>, vector<16xi32>,
    %and3A_894 = arith.constant 15 : i32
    %and3A_895 = vector.broadcast %and3A_894 : i32 to vector<16xi32>
    %and3A_896 = arith.andi %get3A_874, %and3A_895 : vector<16xi32>
    %swap3A_897 = arith.constant 432 : index
    %swap3A_898 = tpu.vector_load %arg13[%swap3A_897] {strides = array<i32>} : memref<512xi32, #tpu.memory_space<vmem>>, vector<16xi32>,
    tpu.vector_store %arg13[%swap3A_897], %and3A_896 {strides = array<i32>} : memref<512xi32, #tpu.memory_space<vmem>>, vector<16xi32>,
    %get3A_899 = arith.constant 3 : i32
    %get3A_900 = arith.index_cast %get3A_899 : i32 to index
    %get3A_901 = arith.constant 64 : index
    %get3A_902 = tpu.vector_load %arg8[%get3A_900, %get3A_901] {strides = array<i32>} : memref<4x128xi32, #tpu.memory_space<vmem>>, vector<16xi32>,
    %get3A_903 = arith.constant 3 : i32
    %get3A_904 = arith.index_cast %get3A_903 : i32 to index
    %get3A_905 = arith.constant 64 : index
    %get3A_906 = tpu.vector_load %arg9[%get3A_904, %get3A_905] {strides = array<i32>} : memref<4x128xi32, #tpu.memory_space<vmem>>, vector<16xi32>,
    %shift_right_logical3A_907 = arith.constant 4 : i32
    %shift_right_logical3A_908 = vector.broadcast %shift_right_logical3A_907 : i32 to vector<16xi32>
    %shift_right_logical3A_909 = arith.shrui %get3A_902, %shift_right_logical3A_908 : vector<16xi32>
    %swap3A_910 = arith.constant 3 : i32
    %swap3A_911 = arith.index_cast %swap3A_910 : i32 to index
    %swap3A_912 = arith.constant 64 : index
    %swap3A_913 = tpu.vector_load %arg10[%swap3A_911, %swap3A_912] {strides = array<i32>} : memref<4x128xi32, #tpu.memory_space<vmem>>, vector<16xi32>,
    tpu.vector_store %arg10[%swap3A_911, %swap3A_912], %shift_right_logical3A_909 {strides = array<i32>} : memref<4x128xi32, #tpu.memory_space<vmem>>, vector<16xi32>,
    %shift_right_logical3A_914 = arith.constant 4 : i32
    %shift_right_logical3A_915 = vector.broadcast %shift_right_logical3A_914 : i32 to vector<16xi32>
    %shift_right_logical3A_916 = arith.shrui %get3A_906, %shift_right_logical3A_915 : vector<16xi32>
    %swap3A_917 = arith.constant 3 : i32
    %swap3A_918 = arith.index_cast %swap3A_917 : i32 to index
    %swap3A_919 = arith.constant 64 : index
    %swap3A_920 = tpu.vector_load %arg11[%swap3A_918, %swap3A_919] {strides = array<i32>} : memref<4x128xi32, #tpu.memory_space<vmem>>, vector<16xi32>,
    tpu.vector_store %arg11[%swap3A_918, %swap3A_919], %shift_right_logical3A_916 {strides = array<i32>} : memref<4x128xi32, #tpu.memory_space<vmem>>, vector<16xi32>,
    %and3A_921 = arith.constant 15 : i32
    %and3A_922 = vector.broadcast %and3A_921 : i32 to vector<16xi32>
    %and3A_923 = arith.andi %get3A_902, %and3A_922 : vector<16xi32>
    %swap3A_924 = arith.constant 448 : index
    %swap3A_925 = tpu.vector_load %arg12[%swap3A_924] {strides = array<i32>} : memref<512xi32, #tpu.memory_space<vmem>>, vector<16xi32>,
    tpu.vector_store %arg12[%swap3A_924], %and3A_923 {strides = array<i32>} : memref<512xi32, #tpu.memory_space<vmem>>, vector<16xi32>,
    %and3A_926 = arith.constant 15 : i32
    %and3A_927 = vector.broadcast %and3A_926 : i32 to vector<16xi32>
    %and3A_928 = arith.andi %get3A_906, %and3A_927 : vector<16xi32>
    %swap3A_929 = arith.constant 448 : index
    %swap3A_930 = tpu.vector_load %arg13[%swap3A_929] {strides = array<i32>} : memref<512xi32, #tpu.memory_space<vmem>>, vector<16xi32>,
    tpu.vector_store %arg13[%swap3A_929], %and3A_928 {strides = array<i32>} : memref<512xi32, #tpu.memory_space<vmem>>, vector<16xi32>,
    %get3A_931 = arith.constant 3 : i32
    %get3A_932 = arith.index_cast %get3A_931 : i32 to index
    %get3A_933 = arith.constant 80 : index
    %get3A_934 = tpu.vector_load %arg8[%get3A_932, %get3A_933] {strides = array<i32>} : memref<4x128xi32, #tpu.memory_space<vmem>>, vector<16xi32>,
    %get3A_935 = arith.constant 3 : i32
    %get3A_936 = arith.index_cast %get3A_935 : i32 to index
    %get3A_937 = arith.constant 80 : index
    %get3A_938 = tpu.vector_load %arg9[%get3A_936, %get3A_937] {strides = array<i32>} : memref<4x128xi32, #tpu.memory_space<vmem>>, vector<16xi32>,
    %shift_right_logical3A_939 = arith.constant 4 : i32
    %shift_right_logical3A_940 = vector.broadcast %shift_right_logical3A_939 : i32 to vector<16xi32>
    %shift_right_logical3A_941 = arith.shrui %get3A_934, %shift_right_logical3A_940 : vector<16xi32>
    %swap3A_942 = arith.constant 3 : i32
    %swap3A_943 = arith.index_cast %swap3A_942 : i32 to index
    %swap3A_944 = arith.constant 80 : index
    %swap3A_945 = tpu.vector_load %arg10[%swap3A_943, %swap3A_944] {strides = array<i32>} : memref<4x128xi32, #tpu.memory_space<vmem>>, vector<16xi32>,
    tpu.vector_store %arg10[%swap3A_943, %swap3A_944], %shift_right_logical3A_941 {strides = array<i32>} : memref<4x128xi32, #tpu.memory_space<vmem>>, vector<16xi32>,
    %shift_right_logical3A_946 = arith.constant 4 : i32
    %shift_right_logical3A_947 = vector.broadcast %shift_right_logical3A_946 : i32 to vector<16xi32>
    %shift_right_logical3A_948 = arith.shrui %get3A_938, %shift_right_logical3A_947 : vector<16xi32>
    %swap3A_949 = arith.constant 3 : i32
    %swap3A_950 = arith.index_cast %swap3A_949 : i32 to index
    %swap3A_951 = arith.constant 80 : index
    %swap3A_952 = tpu.vector_load %arg11[%swap3A_950, %swap3A_951] {strides = array<i32>} : memref<4x128xi32, #tpu.memory_space<vmem>>, vector<16xi32>,
    tpu.vector_store %arg11[%swap3A_950, %swap3A_951], %shift_right_logical3A_948 {strides = array<i32>} : memref<4x128xi32, #tpu.memory_space<vmem>>, vector<16xi32>,
    %and3A_953 = arith.constant 15 : i32
    %and3A_954 = vector.broadcast %and3A_953 : i32 to vector<16xi32>
    %and3A_955 = arith.andi %get3A_934, %and3A_954 : vector<16xi32>
    %swap3A_956 = arith.constant 464 : index
    %swap3A_957 = tpu.vector_load %arg12[%swap3A_956] {strides = array<i32>} : memref<512xi32, #tpu.memory_space<vmem>>, vector<16xi32>,
    tpu.vector_store %arg12[%swap3A_956], %and3A_955 {strides = array<i32>} : memref<512xi32, #tpu.memory_space<vmem>>, vector<16xi32>,
    %and3A_958 = arith.constant 15 : i32
    %and3A_959 = vector.broadcast %and3A_958 : i32 to vector<16xi32>
    %and3A_960 = arith.andi %get3A_938, %and3A_959 : vector<16xi32>
    %swap3A_961 = arith.constant 464 : index
    %swap3A_962 = tpu.vector_load %arg13[%swap3A_961] {strides = array<i32>} : memref<512xi32, #tpu.memory_space<vmem>>, vector<16xi32>,
    tpu.vector_store %arg13[%swap3A_961], %and3A_960 {strides = array<i32>} : memref<512xi32, #tpu.memory_space<vmem>>, vector<16xi32>,
    %get3A_963 = arith.constant 3 : i32
    %get3A_964 = arith.index_cast %get3A_963 : i32 to index
    %get3A_965 = arith.constant 96 : index
    %get3A_966 = tpu.vector_load %arg8[%get3A_964, %get3A_965] {strides = array<i32>} : memref<4x128xi32, #tpu.memory_space<vmem>>, vector<16xi32>,
    %get3A_967 = arith.constant 3 : i32
    %get3A_968 = arith.index_cast %get3A_967 : i32 to index
    %get3A_969 = arith.constant 96 : index
    %get3A_970 = tpu.vector_load %arg9[%get3A_968, %get3A_969] {strides = array<i32>} : memref<4x128xi32, #tpu.memory_space<vmem>>, vector<16xi32>,
    %shift_right_logical3A_971 = arith.constant 4 : i32
    %shift_right_logical3A_972 = vector.broadcast %shift_right_logical3A_971 : i32 to vector<16xi32>
    %shift_right_logical3A_973 = arith.shrui %get3A_966, %shift_right_logical3A_972 : vector<16xi32>
    %swap3A_974 = arith.constant 3 : i32
    %swap3A_975 = arith.index_cast %swap3A_974 : i32 to index
    %swap3A_976 = arith.constant 96 : index
    %swap3A_977 = tpu.vector_load %arg10[%swap3A_975, %swap3A_976] {strides = array<i32>} : memref<4x128xi32, #tpu.memory_space<vmem>>, vector<16xi32>,
    tpu.vector_store %arg10[%swap3A_975, %swap3A_976], %shift_right_logical3A_973 {strides = array<i32>} : memref<4x128xi32, #tpu.memory_space<vmem>>, vector<16xi32>,
    %shift_right_logical3A_978 = arith.constant 4 : i32
    %shift_right_logical3A_979 = vector.broadcast %shift_right_logical3A_978 : i32 to vector<16xi32>
    %shift_right_logical3A_980 = arith.shrui %get3A_970, %shift_right_logical3A_979 : vector<16xi32>
    %swap3A_981 = arith.constant 3 : i32
    %swap3A_982 = arith.index_cast %swap3A_981 : i32 to index
    %swap3A_983 = arith.constant 96 : index
    %swap3A_984 = tpu.vector_load %arg11[%swap3A_982, %swap3A_983] {strides = array<i32>} : memref<4x128xi32, #tpu.memory_space<vmem>>, vector<16xi32>,
    tpu.vector_store %arg11[%swap3A_982, %swap3A_983], %shift_right_logical3A_980 {strides = array<i32>} : memref<4x128xi32, #tpu.memory_space<vmem>>, vector<16xi32>,
    %and3A_985 = arith.constant 15 : i32
    %and3A_986 = vector.broadcast %and3A_985 : i32 to vector<16xi32>
    %and3A_987 = arith.andi %get3A_966, %and3A_986 : vector<16xi32>
    %swap3A_988 = arith.constant 480 : index
    %swap3A_989 = tpu.vector_load %arg12[%swap3A_988] {strides = array<i32>} : memref<512xi32, #tpu.memory_space<vmem>>, vector<16xi32>,
    tpu.vector_store %arg12[%swap3A_988], %and3A_987 {strides = array<i32>} : memref<512xi32, #tpu.memory_space<vmem>>, vector<16xi32>,
    %and3A_990 = arith.constant 15 : i32
    %and3A_991 = vector.broadcast %and3A_990 : i32 to vector<16xi32>
    %and3A_992 = arith.andi %get3A_970, %and3A_991 : vector<16xi32>
    %swap3A_993 = arith.constant 480 : index
    %swap3A_994 = tpu.vector_load %arg13[%swap3A_993] {strides = array<i32>} : memref<512xi32, #tpu.memory_space<vmem>>, vector<16xi32>,
    tpu.vector_store %arg13[%swap3A_993], %and3A_992 {strides = array<i32>} : memref<512xi32, #tpu.memory_space<vmem>>, vector<16xi32>,
    %get3A_995 = arith.constant 3 : i32
    %get3A_996 = arith.index_cast %get3A_995 : i32 to index
    %get3A_997 = arith.constant 112 : index
    %get3A_998 = tpu.vector_load %arg8[%get3A_996, %get3A_997] {strides = array<i32>} : memref<4x128xi32, #tpu.memory_space<vmem>>, vector<16xi32>,
    %get3A_999 = arith.constant 3 : i32
    %get3A_1000 = arith.index_cast %get3A_999 : i32 to index
    %get3A_1001 = arith.constant 112 : index
    %get3A_1002 = tpu.vector_load %arg9[%get3A_1000, %get3A_1001] {strides = array<i32>} : memref<4x128xi32, #tpu.memory_space<vmem>>, vector<16xi32>,
    %shift_right_logical3A_1003 = arith.constant 4 : i32
    %shift_right_logical3A_1004 = vector.broadcast %shift_right_logical3A_1003 : i32 to vector<16xi32>
    %shift_right_logical3A_1005 = arith.shrui %get3A_998, %shift_right_logical3A_1004 : vector<16xi32>
    %swap3A_1006 = arith.constant 3 : i32
    %swap3A_1007 = arith.index_cast %swap3A_1006 : i32 to index
    %swap3A_1008 = arith.constant 112 : index
    %swap3A_1009 = tpu.vector_load %arg10[%swap3A_1007, %swap3A_1008] {strides = array<i32>} : memref<4x128xi32, #tpu.memory_space<vmem>>, vector<16xi32>,
    tpu.vector_store %arg10[%swap3A_1007, %swap3A_1008], %shift_right_logical3A_1005 {strides = array<i32>} : memref<4x128xi32, #tpu.memory_space<vmem>>, vector<16xi32>,
    %shift_right_logical3A_1010 = arith.constant 4 : i32
    %shift_right_logical3A_1011 = vector.broadcast %shift_right_logical3A_1010 : i32 to vector<16xi32>
    %shift_right_logical3A_1012 = arith.shrui %get3A_1002, %shift_right_logical3A_1011 : vector<16xi32>
    %swap3A_1013 = arith.constant 3 : i32
    %swap3A_1014 = arith.index_cast %swap3A_1013 : i32 to index
    %swap3A_1015 = arith.constant 112 : index
    %swap3A_1016 = tpu.vector_load %arg11[%swap3A_1014, %swap3A_1015] {strides = array<i32>} : memref<4x128xi32, #tpu.memory_space<vmem>>, vector<16xi32>,
    tpu.vector_store %arg11[%swap3A_1014, %swap3A_1015], %shift_right_logical3A_1012 {strides = array<i32>} : memref<4x128xi32, #tpu.memory_space<vmem>>, vector<16xi32>,
    %and3A_1017 = arith.constant 15 : i32
    %and3A_1018 = vector.broadcast %and3A_1017 : i32 to vector<16xi32>
    %and3A_1019 = arith.andi %get3A_998, %and3A_1018 : vector<16xi32>
    %swap3A_1020 = arith.constant 496 : index
    %swap3A_1021 = tpu.vector_load %arg12[%swap3A_1020] {strides = array<i32>} : memref<512xi32, #tpu.memory_space<vmem>>, vector<16xi32>,
    tpu.vector_store %arg12[%swap3A_1020], %and3A_1019 {strides = array<i32>} : memref<512xi32, #tpu.memory_space<vmem>>, vector<16xi32>,
    %and3A_1022 = arith.constant 15 : i32
    %and3A_1023 = vector.broadcast %and3A_1022 : i32 to vector<16xi32>
    %and3A_1024 = arith.andi %get3A_1002, %and3A_1023 : vector<16xi32>
    %swap3A_1025 = arith.constant 496 : index
    %swap3A_1026 = tpu.vector_load %arg13[%swap3A_1025] {strides = array<i32>} : memref<512xi32, #tpu.memory_space<vmem>>, vector<16xi32>,
    tpu.vector_store %arg13[%swap3A_1025], %and3A_1024 {strides = array<i32>} : memref<512xi32, #tpu.memory_space<vmem>>, vector<16xi32>,
    %dma_start3A = arith.constant 0 : i32
    %dma_start3A_1027 = arith.constant 0 : i32
    %dma_start3A_1028 = arith.constant 0 : i32
    %dma_start3A_1029 = tpu.memref_slice %arg14[%dma_start3A_1027, %dma_start3A_1028] : memref<512x32xf32, #tpu.memory_space<vmem>> -> memref<128x32xf32, #tpu.memory_space<vmem>>
    %dma_start3A_1030 = arith.constant 0 : i32
    %dma_start3A_1031 = tpu.memref_slice %arg8[%dma_start3A, %dma_start3A_1030] : memref<4x128xi32, #tpu.memory_space<vmem>> -> memref<1x128xi32, #tpu.memory_space<vmem>>
    %dma_start3A_1032 = tpu.memref_squeeze %dma_start3A_1031 : memref<1x128xi32, #tpu.memory_space<vmem>> -> memref<128xi32, #tpu.memory_space<vmem>>
    %dma_start3A_1033 = arith.constant 0 : i32
    %dma_start3A_1034 = arith.constant 0 : i32
    %dma_start3A_1035 = tpu.memref_slice %arg4[%dma_start3A_1033, %dma_start3A_1034] : memref<1000000x32xf32, #tpu.memory_space<hbm>> -> memref<1000000x32xf32, #tpu.memory_space<hbm>>
    tpu.enqueue_indirect_dma source(%dma_start3A_1035 : memref<1000000x32xf32, #tpu.memory_space<hbm>>) target(%dma_start3A_1029 : memref<128x32xf32, #tpu.memory_space<vmem>>) offsets(%dma_start3A_1032 : memref<128xi32, #tpu.memory_space<vmem>>) semaphore(%arg20 : memref<!tpu.dma_semaphore, #tpu.memory_space<semaphore_mem>>)
    %dma_start3A_1036 = arith.constant 0 : i32
    %dma_start3A_1037 = arith.constant 0 : i32
    %dma_start3A_1038 = arith.constant 0 : i32
    %dma_start3A_1039 = tpu.memref_slice %arg15[%dma_start3A_1037, %dma_start3A_1038] : memref<512x32xf32, #tpu.memory_space<vmem>> -> memref<128x32xf32, #tpu.memory_space<vmem>>
    %dma_start3A_1040 = arith.constant 0 : i32
    %dma_start3A_1041 = tpu.memref_slice %arg9[%dma_start3A_1036, %dma_start3A_1040] : memref<4x128xi32, #tpu.memory_space<vmem>> -> memref<1x128xi32, #tpu.memory_space<vmem>>
    %dma_start3A_1042 = tpu.memref_squeeze %dma_start3A_1041 : memref<1x128xi32, #tpu.memory_space<vmem>> -> memref<128xi32, #tpu.memory_space<vmem>>
    %dma_start3A_1043 = arith.constant 0 : i32
    %dma_start3A_1044 = arith.constant 0 : i32
    %dma_start3A_1045 = tpu.memref_slice %arg4[%dma_start3A_1043, %dma_start3A_1044] : memref<1000000x32xf32, #tpu.memory_space<hbm>> -> memref<1000000x32xf32, #tpu.memory_space<hbm>>
    tpu.enqueue_indirect_dma source(%dma_start3A_1045 : memref<1000000x32xf32, #tpu.memory_space<hbm>>) target(%dma_start3A_1039 : memref<128x32xf32, #tpu.memory_space<vmem>>) offsets(%dma_start3A_1042 : memref<128xi32, #tpu.memory_space<vmem>>) semaphore(%arg20 : memref<!tpu.dma_semaphore, #tpu.memory_space<semaphore_mem>>)
    %dma_start3A_1046 = arith.constant 0 : i32
    %dma_start3A_1047 = arith.constant 0 : i32
    %dma_start3A_1048 = arith.constant 0 : i32
    %dma_start3A_1049 = tpu.memref_slice %arg16[%dma_start3A_1047, %dma_start3A_1048] : memref<512x16xf32, #tpu.memory_space<vmem>> -> memref<128x16xf32, #tpu.memory_space<vmem>>
    %dma_start3A_1050 = arith.constant 0 : i32
    %dma_start3A_1051 = tpu.memref_slice %arg10[%dma_start3A_1046, %dma_start3A_1050] : memref<4x128xi32, #tpu.memory_space<vmem>> -> memref<1x128xi32, #tpu.memory_space<vmem>>
    %dma_start3A_1052 = tpu.memref_squeeze %dma_start3A_1051 : memref<1x128xi32, #tpu.memory_space<vmem>> -> memref<128xi32, #tpu.memory_space<vmem>>
    %dma_start3A_1053 = arith.constant 0 : i32
    %dma_start3A_1054 = arith.constant 0 : i32
    %dma_start3A_1055 = tpu.memref_slice %arg5[%dma_start3A_1053, %dma_start3A_1054] : memref<62500x16xf32, #tpu.memory_space<hbm>> -> memref<62500x16xf32, #tpu.memory_space<hbm>>
    tpu.enqueue_indirect_dma source(%dma_start3A_1055 : memref<62500x16xf32, #tpu.memory_space<hbm>>) target(%dma_start3A_1049 : memref<128x16xf32, #tpu.memory_space<vmem>>) offsets(%dma_start3A_1052 : memref<128xi32, #tpu.memory_space<vmem>>) semaphore(%arg20 : memref<!tpu.dma_semaphore, #tpu.memory_space<semaphore_mem>>)
    %dma_start3A_1056 = arith.constant 0 : i32
    %dma_start3A_1057 = arith.constant 0 : i32
    %dma_start3A_1058 = arith.constant 0 : i32
    %dma_start3A_1059 = tpu.memref_slice %arg17[%dma_start3A_1057, %dma_start3A_1058] : memref<512x16xf32, #tpu.memory_space<vmem>> -> memref<128x16xf32, #tpu.memory_space<vmem>>
    %dma_start3A_1060 = arith.constant 0 : i32
    %dma_start3A_1061 = tpu.memref_slice %arg11[%dma_start3A_1056, %dma_start3A_1060] : memref<4x128xi32, #tpu.memory_space<vmem>> -> memref<1x128xi32, #tpu.memory_space<vmem>>
    %dma_start3A_1062 = tpu.memref_squeeze %dma_start3A_1061 : memref<1x128xi32, #tpu.memory_space<vmem>> -> memref<128xi32, #tpu.memory_space<vmem>>
    %dma_start3A_1063 = arith.constant 0 : i32
    %dma_start3A_1064 = arith.constant 0 : i32
    %dma_start3A_1065 = tpu.memref_slice %arg5[%dma_start3A_1063, %dma_start3A_1064] : memref<62500x16xf32, #tpu.memory_space<hbm>> -> memref<62500x16xf32, #tpu.memory_space<hbm>>
    tpu.enqueue_indirect_dma source(%dma_start3A_1065 : memref<62500x16xf32, #tpu.memory_space<hbm>>) target(%dma_start3A_1059 : memref<128x16xf32, #tpu.memory_space<vmem>>) offsets(%dma_start3A_1062 : memref<128xi32, #tpu.memory_space<vmem>>) semaphore(%arg20 : memref<!tpu.dma_semaphore, #tpu.memory_space<semaphore_mem>>)
    %dma_start3A_1066 = arith.constant 1 : i32
    %dma_start3A_1067 = arith.constant 128 : i32
    %dma_start3A_1068 = arith.constant 0 : i32
    %dma_start3A_1069 = tpu.memref_slice %arg14[%dma_start3A_1067, %dma_start3A_1068] : memref<512x32xf32, #tpu.memory_space<vmem>> -> memref<128x32xf32, #tpu.memory_space<vmem>>
    %dma_start3A_1070 = arith.constant 0 : i32
    %dma_start3A_1071 = tpu.memref_slice %arg8[%dma_start3A_1066, %dma_start3A_1070] : memref<4x128xi32, #tpu.memory_space<vmem>> -> memref<1x128xi32, #tpu.memory_space<vmem>>
    %dma_start3A_1072 = tpu.memref_squeeze %dma_start3A_1071 : memref<1x128xi32, #tpu.memory_space<vmem>> -> memref<128xi32, #tpu.memory_space<vmem>>
    %dma_start3A_1073 = arith.constant 0 : i32
    %dma_start3A_1074 = arith.constant 0 : i32
    %dma_start3A_1075 = tpu.memref_slice %arg4[%dma_start3A_1073, %dma_start3A_1074] : memref<1000000x32xf32, #tpu.memory_space<hbm>> -> memref<1000000x32xf32, #tpu.memory_space<hbm>>
    tpu.enqueue_indirect_dma source(%dma_start3A_1075 : memref<1000000x32xf32, #tpu.memory_space<hbm>>) target(%dma_start3A_1069 : memref<128x32xf32, #tpu.memory_space<vmem>>) offsets(%dma_start3A_1072 : memref<128xi32, #tpu.memory_space<vmem>>) semaphore(%arg20 : memref<!tpu.dma_semaphore, #tpu.memory_space<semaphore_mem>>)
    %dma_start3A_1076 = arith.constant 1 : i32
    %dma_start3A_1077 = arith.constant 128 : i32
    %dma_start3A_1078 = arith.constant 0 : i32
    %dma_start3A_1079 = tpu.memref_slice %arg15[%dma_start3A_1077, %dma_start3A_1078] : memref<512x32xf32, #tpu.memory_space<vmem>> -> memref<128x32xf32, #tpu.memory_space<vmem>>
    %dma_start3A_1080 = arith.constant 0 : i32
    %dma_start3A_1081 = tpu.memref_slice %arg9[%dma_start3A_1076, %dma_start3A_1080] : memref<4x128xi32, #tpu.memory_space<vmem>> -> memref<1x128xi32, #tpu.memory_space<vmem>>
    %dma_start3A_1082 = tpu.memref_squeeze %dma_start3A_1081 : memref<1x128xi32, #tpu.memory_space<vmem>> -> memref<128xi32, #tpu.memory_space<vmem>>
    %dma_start3A_1083 = arith.constant 0 : i32
    %dma_start3A_1084 = arith.constant 0 : i32
    %dma_start3A_1085 = tpu.memref_slice %arg4[%dma_start3A_1083, %dma_start3A_1084] : memref<1000000x32xf32, #tpu.memory_space<hbm>> -> memref<1000000x32xf32, #tpu.memory_space<hbm>>
    tpu.enqueue_indirect_dma source(%dma_start3A_1085 : memref<1000000x32xf32, #tpu.memory_space<hbm>>) target(%dma_start3A_1079 : memref<128x32xf32, #tpu.memory_space<vmem>>) offsets(%dma_start3A_1082 : memref<128xi32, #tpu.memory_space<vmem>>) semaphore(%arg20 : memref<!tpu.dma_semaphore, #tpu.memory_space<semaphore_mem>>)
    %dma_start3A_1086 = arith.constant 1 : i32
    %dma_start3A_1087 = arith.constant 128 : i32
    %dma_start3A_1088 = arith.constant 0 : i32
    %dma_start3A_1089 = tpu.memref_slice %arg16[%dma_start3A_1087, %dma_start3A_1088] : memref<512x16xf32, #tpu.memory_space<vmem>> -> memref<128x16xf32, #tpu.memory_space<vmem>>
    %dma_start3A_1090 = arith.constant 0 : i32
    %dma_start3A_1091 = tpu.memref_slice %arg10[%dma_start3A_1086, %dma_start3A_1090] : memref<4x128xi32, #tpu.memory_space<vmem>> -> memref<1x128xi32, #tpu.memory_space<vmem>>
    %dma_start3A_1092 = tpu.memref_squeeze %dma_start3A_1091 : memref<1x128xi32, #tpu.memory_space<vmem>> -> memref<128xi32, #tpu.memory_space<vmem>>
    %dma_start3A_1093 = arith.constant 0 : i32
    %dma_start3A_1094 = arith.constant 0 : i32
    %dma_start3A_1095 = tpu.memref_slice %arg5[%dma_start3A_1093, %dma_start3A_1094] : memref<62500x16xf32, #tpu.memory_space<hbm>> -> memref<62500x16xf32, #tpu.memory_space<hbm>>
    tpu.enqueue_indirect_dma source(%dma_start3A_1095 : memref<62500x16xf32, #tpu.memory_space<hbm>>) target(%dma_start3A_1089 : memref<128x16xf32, #tpu.memory_space<vmem>>) offsets(%dma_start3A_1092 : memref<128xi32, #tpu.memory_space<vmem>>) semaphore(%arg20 : memref<!tpu.dma_semaphore, #tpu.memory_space<semaphore_mem>>)
    %dma_start3A_1096 = arith.constant 1 : i32
    %dma_start3A_1097 = arith.constant 128 : i32
    %dma_start3A_1098 = arith.constant 0 : i32
    %dma_start3A_1099 = tpu.memref_slice %arg17[%dma_start3A_1097, %dma_start3A_1098] : memref<512x16xf32, #tpu.memory_space<vmem>> -> memref<128x16xf32, #tpu.memory_space<vmem>>
    %dma_start3A_1100 = arith.constant 0 : i32
    %dma_start3A_1101 = tpu.memref_slice %arg11[%dma_start3A_1096, %dma_start3A_1100] : memref<4x128xi32, #tpu.memory_space<vmem>> -> memref<1x128xi32, #tpu.memory_space<vmem>>
    %dma_start3A_1102 = tpu.memref_squeeze %dma_start3A_1101 : memref<1x128xi32, #tpu.memory_space<vmem>> -> memref<128xi32, #tpu.memory_space<vmem>>
    %dma_start3A_1103 = arith.constant 0 : i32
    %dma_start3A_1104 = arith.constant 0 : i32
    %dma_start3A_1105 = tpu.memref_slice %arg5[%dma_start3A_1103, %dma_start3A_1104] : memref<62500x16xf32, #tpu.memory_space<hbm>> -> memref<62500x16xf32, #tpu.memory_space<hbm>>
    tpu.enqueue_indirect_dma source(%dma_start3A_1105 : memref<62500x16xf32, #tpu.memory_space<hbm>>) target(%dma_start3A_1099 : memref<128x16xf32, #tpu.memory_space<vmem>>) offsets(%dma_start3A_1102 : memref<128xi32, #tpu.memory_space<vmem>>) semaphore(%arg20 : memref<!tpu.dma_semaphore, #tpu.memory_space<semaphore_mem>>)
    %dma_start3A_1106 = arith.constant 2 : i32
    %dma_start3A_1107 = arith.constant 256 : i32
    %dma_start3A_1108 = arith.constant 0 : i32
    %dma_start3A_1109 = tpu.memref_slice %arg14[%dma_start3A_1107, %dma_start3A_1108] : memref<512x32xf32, #tpu.memory_space<vmem>> -> memref<128x32xf32, #tpu.memory_space<vmem>>
    %dma_start3A_1110 = arith.constant 0 : i32
    %dma_start3A_1111 = tpu.memref_slice %arg8[%dma_start3A_1106, %dma_start3A_1110] : memref<4x128xi32, #tpu.memory_space<vmem>> -> memref<1x128xi32, #tpu.memory_space<vmem>>
    %dma_start3A_1112 = tpu.memref_squeeze %dma_start3A_1111 : memref<1x128xi32, #tpu.memory_space<vmem>> -> memref<128xi32, #tpu.memory_space<vmem>>
    %dma_start3A_1113 = arith.constant 0 : i32
    %dma_start3A_1114 = arith.constant 0 : i32
    %dma_start3A_1115 = tpu.memref_slice %arg4[%dma_start3A_1113, %dma_start3A_1114] : memref<1000000x32xf32, #tpu.memory_space<hbm>> -> memref<1000000x32xf32, #tpu.memory_space<hbm>>
    tpu.enqueue_indirect_dma source(%dma_start3A_1115 : memref<1000000x32xf32, #tpu.memory_space<hbm>>) target(%dma_start3A_1109 : memref<128x32xf32, #tpu.memory_space<vmem>>) offsets(%dma_start3A_1112 : memref<128xi32, #tpu.memory_space<vmem>>) semaphore(%arg20 : memref<!tpu.dma_semaphore, #tpu.memory_space<semaphore_mem>>)
    %dma_start3A_1116 = arith.constant 2 : i32
    %dma_start3A_1117 = arith.constant 256 : i32
    %dma_start3A_1118 = arith.constant 0 : i32
    %dma_start3A_1119 = tpu.memref_slice %arg15[%dma_start3A_1117, %dma_start3A_1118] : memref<512x32xf32, #tpu.memory_space<vmem>> -> memref<128x32xf32, #tpu.memory_space<vmem>>
    %dma_start3A_1120 = arith.constant 0 : i32
    %dma_start3A_1121 = tpu.memref_slice %arg9[%dma_start3A_1116, %dma_start3A_1120] : memref<4x128xi32, #tpu.memory_space<vmem>> -> memref<1x128xi32, #tpu.memory_space<vmem>>
    %dma_start3A_1122 = tpu.memref_squeeze %dma_start3A_1121 : memref<1x128xi32, #tpu.memory_space<vmem>> -> memref<128xi32, #tpu.memory_space<vmem>>
    %dma_start3A_1123 = arith.constant 0 : i32
    %dma_start3A_1124 = arith.constant 0 : i32
    %dma_start3A_1125 = tpu.memref_slice %arg4[%dma_start3A_1123, %dma_start3A_1124] : memref<1000000x32xf32, #tpu.memory_space<hbm>> -> memref<1000000x32xf32, #tpu.memory_space<hbm>>
    tpu.enqueue_indirect_dma source(%dma_start3A_1125 : memref<1000000x32xf32, #tpu.memory_space<hbm>>) target(%dma_start3A_1119 : memref<128x32xf32, #tpu.memory_space<vmem>>) offsets(%dma_start3A_1122 : memref<128xi32, #tpu.memory_space<vmem>>) semaphore(%arg20 : memref<!tpu.dma_semaphore, #tpu.memory_space<semaphore_mem>>)
    %dma_start3A_1126 = arith.constant 2 : i32
    %dma_start3A_1127 = arith.constant 256 : i32
    %dma_start3A_1128 = arith.constant 0 : i32
    %dma_start3A_1129 = tpu.memref_slice %arg16[%dma_start3A_1127, %dma_start3A_1128] : memref<512x16xf32, #tpu.memory_space<vmem>> -> memref<128x16xf32, #tpu.memory_space<vmem>>
    %dma_start3A_1130 = arith.constant 0 : i32
    %dma_start3A_1131 = tpu.memref_slice %arg10[%dma_start3A_1126, %dma_start3A_1130] : memref<4x128xi32, #tpu.memory_space<vmem>> -> memref<1x128xi32, #tpu.memory_space<vmem>>
    %dma_start3A_1132 = tpu.memref_squeeze %dma_start3A_1131 : memref<1x128xi32, #tpu.memory_space<vmem>> -> memref<128xi32, #tpu.memory_space<vmem>>
    %dma_start3A_1133 = arith.constant 0 : i32
    %dma_start3A_1134 = arith.constant 0 : i32
    %dma_start3A_1135 = tpu.memref_slice %arg5[%dma_start3A_1133, %dma_start3A_1134] : memref<62500x16xf32, #tpu.memory_space<hbm>> -> memref<62500x16xf32, #tpu.memory_space<hbm>>
    tpu.enqueue_indirect_dma source(%dma_start3A_1135 : memref<62500x16xf32, #tpu.memory_space<hbm>>) target(%dma_start3A_1129 : memref<128x16xf32, #tpu.memory_space<vmem>>) offsets(%dma_start3A_1132 : memref<128xi32, #tpu.memory_space<vmem>>) semaphore(%arg20 : memref<!tpu.dma_semaphore, #tpu.memory_space<semaphore_mem>>)
    %dma_start3A_1136 = arith.constant 2 : i32
    %dma_start3A_1137 = arith.constant 256 : i32
    %dma_start3A_1138 = arith.constant 0 : i32
    %dma_start3A_1139 = tpu.memref_slice %arg17[%dma_start3A_1137, %dma_start3A_1138] : memref<512x16xf32, #tpu.memory_space<vmem>> -> memref<128x16xf32, #tpu.memory_space<vmem>>
    %dma_start3A_1140 = arith.constant 0 : i32
    %dma_start3A_1141 = tpu.memref_slice %arg11[%dma_start3A_1136, %dma_start3A_1140] : memref<4x128xi32, #tpu.memory_space<vmem>> -> memref<1x128xi32, #tpu.memory_space<vmem>>
    %dma_start3A_1142 = tpu.memref_squeeze %dma_start3A_1141 : memref<1x128xi32, #tpu.memory_space<vmem>> -> memref<128xi32, #tpu.memory_space<vmem>>
    %dma_start3A_1143 = arith.constant 0 : i32
    %dma_start3A_1144 = arith.constant 0 : i32
    %dma_start3A_1145 = tpu.memref_slice %arg5[%dma_start3A_1143, %dma_start3A_1144] : memref<62500x16xf32, #tpu.memory_space<hbm>> -> memref<62500x16xf32, #tpu.memory_space<hbm>>
    tpu.enqueue_indirect_dma source(%dma_start3A_1145 : memref<62500x16xf32, #tpu.memory_space<hbm>>) target(%dma_start3A_1139 : memref<128x16xf32, #tpu.memory_space<vmem>>) offsets(%dma_start3A_1142 : memref<128xi32, #tpu.memory_space<vmem>>) semaphore(%arg20 : memref<!tpu.dma_semaphore, #tpu.memory_space<semaphore_mem>>)
    %dma_start3A_1146 = arith.constant 3 : i32
    %dma_start3A_1147 = arith.constant 384 : i32
    %dma_start3A_1148 = arith.constant 0 : i32
    %dma_start3A_1149 = tpu.memref_slice %arg14[%dma_start3A_1147, %dma_start3A_1148] : memref<512x32xf32, #tpu.memory_space<vmem>> -> memref<128x32xf32, #tpu.memory_space<vmem>>
    %dma_start3A_1150 = arith.constant 0 : i32
    %dma_start3A_1151 = tpu.memref_slice %arg8[%dma_start3A_1146, %dma_start3A_1150] : memref<4x128xi32, #tpu.memory_space<vmem>> -> memref<1x128xi32, #tpu.memory_space<vmem>>
    %dma_start3A_1152 = tpu.memref_squeeze %dma_start3A_1151 : memref<1x128xi32, #tpu.memory_space<vmem>> -> memref<128xi32, #tpu.memory_space<vmem>>
    %dma_start3A_1153 = arith.constant 0 : i32
    %dma_start3A_1154 = arith.constant 0 : i32
    %dma_start3A_1155 = tpu.memref_slice %arg4[%dma_start3A_1153, %dma_start3A_1154] : memref<1000000x32xf32, #tpu.memory_space<hbm>> -> memref<1000000x32xf32, #tpu.memory_space<hbm>>
    tpu.enqueue_indirect_dma source(%dma_start3A_1155 : memref<1000000x32xf32, #tpu.memory_space<hbm>>) target(%dma_start3A_1149 : memref<128x32xf32, #tpu.memory_space<vmem>>) offsets(%dma_start3A_1152 : memref<128xi32, #tpu.memory_space<vmem>>) semaphore(%arg20 : memref<!tpu.dma_semaphore, #tpu.memory_space<semaphore_mem>>)
    %dma_start3A_1156 = arith.constant 3 : i32
    %dma_start3A_1157 = arith.constant 384 : i32
    %dma_start3A_1158 = arith.constant 0 : i32
    %dma_start3A_1159 = tpu.memref_slice %arg15[%dma_start3A_1157, %dma_start3A_1158] : memref<512x32xf32, #tpu.memory_space<vmem>> -> memref<128x32xf32, #tpu.memory_space<vmem>>
    %dma_start3A_1160 = arith.constant 0 : i32
    %dma_start3A_1161 = tpu.memref_slice %arg9[%dma_start3A_1156, %dma_start3A_1160] : memref<4x128xi32, #tpu.memory_space<vmem>> -> memref<1x128xi32, #tpu.memory_space<vmem>>
    %dma_start3A_1162 = tpu.memref_squeeze %dma_start3A_1161 : memref<1x128xi32, #tpu.memory_space<vmem>> -> memref<128xi32, #tpu.memory_space<vmem>>
    %dma_start3A_1163 = arith.constant 0 : i32
    %dma_start3A_1164 = arith.constant 0 : i32
    %dma_start3A_1165 = tpu.memref_slice %arg4[%dma_start3A_1163, %dma_start3A_1164] : memref<1000000x32xf32, #tpu.memory_space<hbm>> -> memref<1000000x32xf32, #tpu.memory_space<hbm>>
    tpu.enqueue_indirect_dma source(%dma_start3A_1165 : memref<1000000x32xf32, #tpu.memory_space<hbm>>) target(%dma_start3A_1159 : memref<128x32xf32, #tpu.memory_space<vmem>>) offsets(%dma_start3A_1162 : memref<128xi32, #tpu.memory_space<vmem>>) semaphore(%arg20 : memref<!tpu.dma_semaphore, #tpu.memory_space<semaphore_mem>>)
    %dma_start3A_1166 = arith.constant 3 : i32
    %dma_start3A_1167 = arith.constant 384 : i32
    %dma_start3A_1168 = arith.constant 0 : i32
    %dma_start3A_1169 = tpu.memref_slice %arg16[%dma_start3A_1167, %dma_start3A_1168] : memref<512x16xf32, #tpu.memory_space<vmem>> -> memref<128x16xf32, #tpu.memory_space<vmem>>
    %dma_start3A_1170 = arith.constant 0 : i32
    %dma_start3A_1171 = tpu.memref_slice %arg10[%dma_start3A_1166, %dma_start3A_1170] : memref<4x128xi32, #tpu.memory_space<vmem>> -> memref<1x128xi32, #tpu.memory_space<vmem>>
    %dma_start3A_1172 = tpu.memref_squeeze %dma_start3A_1171 : memref<1x128xi32, #tpu.memory_space<vmem>> -> memref<128xi32, #tpu.memory_space<vmem>>
    %dma_start3A_1173 = arith.constant 0 : i32
    %dma_start3A_1174 = arith.constant 0 : i32
    %dma_start3A_1175 = tpu.memref_slice %arg5[%dma_start3A_1173, %dma_start3A_1174] : memref<62500x16xf32, #tpu.memory_space<hbm>> -> memref<62500x16xf32, #tpu.memory_space<hbm>>
    tpu.enqueue_indirect_dma source(%dma_start3A_1175 : memref<62500x16xf32, #tpu.memory_space<hbm>>) target(%dma_start3A_1169 : memref<128x16xf32, #tpu.memory_space<vmem>>) offsets(%dma_start3A_1172 : memref<128xi32, #tpu.memory_space<vmem>>) semaphore(%arg20 : memref<!tpu.dma_semaphore, #tpu.memory_space<semaphore_mem>>)
    %dma_start3A_1176 = arith.constant 3 : i32
    %dma_start3A_1177 = arith.constant 384 : i32
    %dma_start3A_1178 = arith.constant 0 : i32
    %dma_start3A_1179 = tpu.memref_slice %arg17[%dma_start3A_1177, %dma_start3A_1178] : memref<512x16xf32, #tpu.memory_space<vmem>> -> memref<128x16xf32, #tpu.memory_space<vmem>>
    %dma_start3A_1180 = arith.constant 0 : i32
    %dma_start3A_1181 = tpu.memref_slice %arg11[%dma_start3A_1176, %dma_start3A_1180] : memref<4x128xi32, #tpu.memory_space<vmem>> -> memref<1x128xi32, #tpu.memory_space<vmem>>
    %dma_start3A_1182 = tpu.memref_squeeze %dma_start3A_1181 : memref<1x128xi32, #tpu.memory_space<vmem>> -> memref<128xi32, #tpu.memory_space<vmem>>
    %dma_start3A_1183 = arith.constant 0 : i32
    %dma_start3A_1184 = arith.constant 0 : i32
    %dma_start3A_1185 = tpu.memref_slice %arg5[%dma_start3A_1183, %dma_start3A_1184] : memref<62500x16xf32, #tpu.memory_space<hbm>> -> memref<62500x16xf32, #tpu.memory_space<hbm>>
    tpu.enqueue_indirect_dma source(%dma_start3A_1185 : memref<62500x16xf32, #tpu.memory_space<hbm>>) target(%dma_start3A_1179 : memref<128x16xf32, #tpu.memory_space<vmem>>) offsets(%dma_start3A_1182 : memref<128xi32, #tpu.memory_space<vmem>>) semaphore(%arg20 : memref<!tpu.dma_semaphore, #tpu.memory_space<semaphore_mem>>)
    "tpu.region"() ({
      %run_scoped3A = tpu.sem_alloc : memref<!tpu.dma_semaphore, #tpu.memory_space<semaphore_mem>>
      tpu.enqueue_dma source(%arg6 : memref<16xf32, #tpu.memory_space<hbm>>) target(%arg18 : memref<16xf32, #tpu.memory_space<vmem>>) target_semaphore(%run_scoped3A : memref<!tpu.dma_semaphore, #tpu.memory_space<semaphore_mem>>)
      tpu.wait_dma2 semaphore(%run_scoped3A : memref<!tpu.dma_semaphore, #tpu.memory_space<semaphore_mem>>) src(%arg6 : memref<16xf32, #tpu.memory_space<hbm>>) dst(%arg18 : memref<16xf32, #tpu.memory_space<vmem>>)
      tpu.yield
    }) : () -> ()
    %dma_wait3A = arith.constant 0 : i32
    %dma_wait3A_1186 = arith.constant 0 : i32
    %dma_wait3A_1187 = arith.constant 0 : i32
    %dma_wait3A_1188 = tpu.memref_slice %arg14[%dma_wait3A_1186, %dma_wait3A_1187] : memref<512x32xf32, #tpu.memory_space<vmem>> -> memref<128x32xf32, #tpu.memory_space<vmem>>
    %dma_wait3A_1189 = arith.constant 0 : i32
    %dma_wait3A_1190 = tpu.memref_slice %arg8[%dma_wait3A, %dma_wait3A_1189] : memref<4x128xi32, #tpu.memory_space<vmem>> -> memref<1x128xi32, #tpu.memory_space<vmem>>
    %dma_wait3A_1191 = tpu.memref_squeeze %dma_wait3A_1190 : memref<1x128xi32, #tpu.memory_space<vmem>> -> memref<128xi32, #tpu.memory_space<vmem>>
    %dma_wait3A_1192 = arith.constant 0 : i32
    %dma_wait3A_1193 = arith.constant 0 : i32
    %dma_wait3A_1194 = tpu.memref_slice %arg4[%dma_wait3A_1192, %dma_wait3A_1193] : memref<1000000x32xf32, #tpu.memory_space<hbm>> -> memref<1000000x32xf32, #tpu.memory_space<hbm>>
    tpu.wait_indirect_dma semaphore(%arg20 : memref<!tpu.dma_semaphore, #tpu.memory_space<semaphore_mem>>) src(%dma_wait3A_1194 : memref<1000000x32xf32, #tpu.memory_space<hbm>>) dst(%dma_wait3A_1188 : memref<128x32xf32, #tpu.memory_space<vmem>>)
    %dma_wait3A_1195 = arith.constant 0 : i32
    %dma_wait3A_1196 = arith.constant 0 : i32
    %dma_wait3A_1197 = arith.constant 0 : i32
    %dma_wait3A_1198 = tpu.memref_slice %arg15[%dma_wait3A_1196, %dma_wait3A_1197] : memref<512x32xf32, #tpu.memory_space<vmem>> -> memref<128x32xf32, #tpu.memory_space<vmem>>
    %dma_wait3A_1199 = arith.constant 0 : i32
    %dma_wait3A_1200 = tpu.memref_slice %arg9[%dma_wait3A_1195, %dma_wait3A_1199] : memref<4x128xi32, #tpu.memory_space<vmem>> -> memref<1x128xi32, #tpu.memory_space<vmem>>
    %dma_wait3A_1201 = tpu.memref_squeeze %dma_wait3A_1200 : memref<1x128xi32, #tpu.memory_space<vmem>> -> memref<128xi32, #tpu.memory_space<vmem>>
    %dma_wait3A_1202 = arith.constant 0 : i32
    %dma_wait3A_1203 = arith.constant 0 : i32
    %dma_wait3A_1204 = tpu.memref_slice %arg4[%dma_wait3A_1202, %dma_wait3A_1203] : memref<1000000x32xf32, #tpu.memory_space<hbm>> -> memref<1000000x32xf32, #tpu.memory_space<hbm>>
    tpu.wait_indirect_dma semaphore(%arg20 : memref<!tpu.dma_semaphore, #tpu.memory_space<semaphore_mem>>) src(%dma_wait3A_1204 : memref<1000000x32xf32, #tpu.memory_space<hbm>>) dst(%dma_wait3A_1198 : memref<128x32xf32, #tpu.memory_space<vmem>>)
    %dma_wait3A_1205 = arith.constant 0 : i32
    %dma_wait3A_1206 = arith.constant 0 : i32
    %dma_wait3A_1207 = arith.constant 0 : i32
    %dma_wait3A_1208 = tpu.memref_slice %arg16[%dma_wait3A_1206, %dma_wait3A_1207] : memref<512x16xf32, #tpu.memory_space<vmem>> -> memref<128x16xf32, #tpu.memory_space<vmem>>
    %dma_wait3A_1209 = arith.constant 0 : i32
    %dma_wait3A_1210 = tpu.memref_slice %arg10[%dma_wait3A_1205, %dma_wait3A_1209] : memref<4x128xi32, #tpu.memory_space<vmem>> -> memref<1x128xi32, #tpu.memory_space<vmem>>
    %dma_wait3A_1211 = tpu.memref_squeeze %dma_wait3A_1210 : memref<1x128xi32, #tpu.memory_space<vmem>> -> memref<128xi32, #tpu.memory_space<vmem>>
    %dma_wait3A_1212 = arith.constant 0 : i32
    %dma_wait3A_1213 = arith.constant 0 : i32
    %dma_wait3A_1214 = tpu.memref_slice %arg5[%dma_wait3A_1212, %dma_wait3A_1213] : memref<62500x16xf32, #tpu.memory_space<hbm>> -> memref<62500x16xf32, #tpu.memory_space<hbm>>
    tpu.wait_indirect_dma semaphore(%arg20 : memref<!tpu.dma_semaphore, #tpu.memory_space<semaphore_mem>>) src(%dma_wait3A_1214 : memref<62500x16xf32, #tpu.memory_space<hbm>>) dst(%dma_wait3A_1208 : memref<128x16xf32, #tpu.memory_space<vmem>>)
    %dma_wait3A_1215 = arith.constant 0 : i32
    %dma_wait3A_1216 = arith.constant 0 : i32
    %dma_wait3A_1217 = arith.constant 0 : i32
    %dma_wait3A_1218 = tpu.memref_slice %arg17[%dma_wait3A_1216, %dma_wait3A_1217] : memref<512x16xf32, #tpu.memory_space<vmem>> -> memref<128x16xf32, #tpu.memory_space<vmem>>
    %dma_wait3A_1219 = arith.constant 0 : i32
    %dma_wait3A_1220 = tpu.memref_slice %arg11[%dma_wait3A_1215, %dma_wait3A_1219] : memref<4x128xi32, #tpu.memory_space<vmem>> -> memref<1x128xi32, #tpu.memory_space<vmem>>
    %dma_wait3A_1221 = tpu.memref_squeeze %dma_wait3A_1220 : memref<1x128xi32, #tpu.memory_space<vmem>> -> memref<128xi32, #tpu.memory_space<vmem>>
    %dma_wait3A_1222 = arith.constant 0 : i32
    %dma_wait3A_1223 = arith.constant 0 : i32
    %dma_wait3A_1224 = tpu.memref_slice %arg5[%dma_wait3A_1222, %dma_wait3A_1223] : memref<62500x16xf32, #tpu.memory_space<hbm>> -> memref<62500x16xf32, #tpu.memory_space<hbm>>
    tpu.wait_indirect_dma semaphore(%arg20 : memref<!tpu.dma_semaphore, #tpu.memory_space<semaphore_mem>>) src(%dma_wait3A_1224 : memref<62500x16xf32, #tpu.memory_space<hbm>>) dst(%dma_wait3A_1218 : memref<128x16xf32, #tpu.memory_space<vmem>>)
    %dma_wait3A_1225 = arith.constant 1 : i32
    %dma_wait3A_1226 = arith.constant 128 : i32
    %dma_wait3A_1227 = arith.constant 0 : i32
    %dma_wait3A_1228 = tpu.memref_slice %arg14[%dma_wait3A_1226, %dma_wait3A_1227] : memref<512x32xf32, #tpu.memory_space<vmem>> -> memref<128x32xf32, #tpu.memory_space<vmem>>
    %dma_wait3A_1229 = arith.constant 0 : i32
    %dma_wait3A_1230 = tpu.memref_slice %arg8[%dma_wait3A_1225, %dma_wait3A_1229] : memref<4x128xi32, #tpu.memory_space<vmem>> -> memref<1x128xi32, #tpu.memory_space<vmem>>
    %dma_wait3A_1231 = tpu.memref_squeeze %dma_wait3A_1230 : memref<1x128xi32, #tpu.memory_space<vmem>> -> memref<128xi32, #tpu.memory_space<vmem>>
    %dma_wait3A_1232 = arith.constant 0 : i32
    %dma_wait3A_1233 = arith.constant 0 : i32
    %dma_wait3A_1234 = tpu.memref_slice %arg4[%dma_wait3A_1232, %dma_wait3A_1233] : memref<1000000x32xf32, #tpu.memory_space<hbm>> -> memref<1000000x32xf32, #tpu.memory_space<hbm>>
    tpu.wait_indirect_dma semaphore(%arg20 : memref<!tpu.dma_semaphore, #tpu.memory_space<semaphore_mem>>) src(%dma_wait3A_1234 : memref<1000000x32xf32, #tpu.memory_space<hbm>>) dst(%dma_wait3A_1228 : memref<128x32xf32, #tpu.memory_space<vmem>>)
    %dma_wait3A_1235 = arith.constant 1 : i32
    %dma_wait3A_1236 = arith.constant 128 : i32
    %dma_wait3A_1237 = arith.constant 0 : i32
    %dma_wait3A_1238 = tpu.memref_slice %arg15[%dma_wait3A_1236, %dma_wait3A_1237] : memref<512x32xf32, #tpu.memory_space<vmem>> -> memref<128x32xf32, #tpu.memory_space<vmem>>
    %dma_wait3A_1239 = arith.constant 0 : i32
    %dma_wait3A_1240 = tpu.memref_slice %arg9[%dma_wait3A_1235, %dma_wait3A_1239] : memref<4x128xi32, #tpu.memory_space<vmem>> -> memref<1x128xi32, #tpu.memory_space<vmem>>
    %dma_wait3A_1241 = tpu.memref_squeeze %dma_wait3A_1240 : memref<1x128xi32, #tpu.memory_space<vmem>> -> memref<128xi32, #tpu.memory_space<vmem>>
    %dma_wait3A_1242 = arith.constant 0 : i32
    %dma_wait3A_1243 = arith.constant 0 : i32
    %dma_wait3A_1244 = tpu.memref_slice %arg4[%dma_wait3A_1242, %dma_wait3A_1243] : memref<1000000x32xf32, #tpu.memory_space<hbm>> -> memref<1000000x32xf32, #tpu.memory_space<hbm>>
    tpu.wait_indirect_dma semaphore(%arg20 : memref<!tpu.dma_semaphore, #tpu.memory_space<semaphore_mem>>) src(%dma_wait3A_1244 : memref<1000000x32xf32, #tpu.memory_space<hbm>>) dst(%dma_wait3A_1238 : memref<128x32xf32, #tpu.memory_space<vmem>>)
    %dma_wait3A_1245 = arith.constant 1 : i32
    %dma_wait3A_1246 = arith.constant 128 : i32
    %dma_wait3A_1247 = arith.constant 0 : i32
    %dma_wait3A_1248 = tpu.memref_slice %arg16[%dma_wait3A_1246, %dma_wait3A_1247] : memref<512x16xf32, #tpu.memory_space<vmem>> -> memref<128x16xf32, #tpu.memory_space<vmem>>
    %dma_wait3A_1249 = arith.constant 0 : i32
    %dma_wait3A_1250 = tpu.memref_slice %arg10[%dma_wait3A_1245, %dma_wait3A_1249] : memref<4x128xi32, #tpu.memory_space<vmem>> -> memref<1x128xi32, #tpu.memory_space<vmem>>
    %dma_wait3A_1251 = tpu.memref_squeeze %dma_wait3A_1250 : memref<1x128xi32, #tpu.memory_space<vmem>> -> memref<128xi32, #tpu.memory_space<vmem>>
    %dma_wait3A_1252 = arith.constant 0 : i32
    %dma_wait3A_1253 = arith.constant 0 : i32
    %dma_wait3A_1254 = tpu.memref_slice %arg5[%dma_wait3A_1252, %dma_wait3A_1253] : memref<62500x16xf32, #tpu.memory_space<hbm>> -> memref<62500x16xf32, #tpu.memory_space<hbm>>
    tpu.wait_indirect_dma semaphore(%arg20 : memref<!tpu.dma_semaphore, #tpu.memory_space<semaphore_mem>>) src(%dma_wait3A_1254 : memref<62500x16xf32, #tpu.memory_space<hbm>>) dst(%dma_wait3A_1248 : memref<128x16xf32, #tpu.memory_space<vmem>>)
    %dma_wait3A_1255 = arith.constant 1 : i32
    %dma_wait3A_1256 = arith.constant 128 : i32
    %dma_wait3A_1257 = arith.constant 0 : i32
    %dma_wait3A_1258 = tpu.memref_slice %arg17[%dma_wait3A_1256, %dma_wait3A_1257] : memref<512x16xf32, #tpu.memory_space<vmem>> -> memref<128x16xf32, #tpu.memory_space<vmem>>
    %dma_wait3A_1259 = arith.constant 0 : i32
    %dma_wait3A_1260 = tpu.memref_slice %arg11[%dma_wait3A_1255, %dma_wait3A_1259] : memref<4x128xi32, #tpu.memory_space<vmem>> -> memref<1x128xi32, #tpu.memory_space<vmem>>
    %dma_wait3A_1261 = tpu.memref_squeeze %dma_wait3A_1260 : memref<1x128xi32, #tpu.memory_space<vmem>> -> memref<128xi32, #tpu.memory_space<vmem>>
    %dma_wait3A_1262 = arith.constant 0 : i32
    %dma_wait3A_1263 = arith.constant 0 : i32
    %dma_wait3A_1264 = tpu.memref_slice %arg5[%dma_wait3A_1262, %dma_wait3A_1263] : memref<62500x16xf32, #tpu.memory_space<hbm>> -> memref<62500x16xf32, #tpu.memory_space<hbm>>
    tpu.wait_indirect_dma semaphore(%arg20 : memref<!tpu.dma_semaphore, #tpu.memory_space<semaphore_mem>>) src(%dma_wait3A_1264 : memref<62500x16xf32, #tpu.memory_space<hbm>>) dst(%dma_wait3A_1258 : memref<128x16xf32, #tpu.memory_space<vmem>>)
    %dma_wait3A_1265 = arith.constant 2 : i32
    %dma_wait3A_1266 = arith.constant 256 : i32
    %dma_wait3A_1267 = arith.constant 0 : i32
    %dma_wait3A_1268 = tpu.memref_slice %arg14[%dma_wait3A_1266, %dma_wait3A_1267] : memref<512x32xf32, #tpu.memory_space<vmem>> -> memref<128x32xf32, #tpu.memory_space<vmem>>
    %dma_wait3A_1269 = arith.constant 0 : i32
    %dma_wait3A_1270 = tpu.memref_slice %arg8[%dma_wait3A_1265, %dma_wait3A_1269] : memref<4x128xi32, #tpu.memory_space<vmem>> -> memref<1x128xi32, #tpu.memory_space<vmem>>
    %dma_wait3A_1271 = tpu.memref_squeeze %dma_wait3A_1270 : memref<1x128xi32, #tpu.memory_space<vmem>> -> memref<128xi32, #tpu.memory_space<vmem>>
    %dma_wait3A_1272 = arith.constant 0 : i32
    %dma_wait3A_1273 = arith.constant 0 : i32
    %dma_wait3A_1274 = tpu.memref_slice %arg4[%dma_wait3A_1272, %dma_wait3A_1273] : memref<1000000x32xf32, #tpu.memory_space<hbm>> -> memref<1000000x32xf32, #tpu.memory_space<hbm>>
    tpu.wait_indirect_dma semaphore(%arg20 : memref<!tpu.dma_semaphore, #tpu.memory_space<semaphore_mem>>) src(%dma_wait3A_1274 : memref<1000000x32xf32, #tpu.memory_space<hbm>>) dst(%dma_wait3A_1268 : memref<128x32xf32, #tpu.memory_space<vmem>>)
    %dma_wait3A_1275 = arith.constant 2 : i32
    %dma_wait3A_1276 = arith.constant 256 : i32
    %dma_wait3A_1277 = arith.constant 0 : i32
    %dma_wait3A_1278 = tpu.memref_slice %arg15[%dma_wait3A_1276, %dma_wait3A_1277] : memref<512x32xf32, #tpu.memory_space<vmem>> -> memref<128x32xf32, #tpu.memory_space<vmem>>
    %dma_wait3A_1279 = arith.constant 0 : i32
    %dma_wait3A_1280 = tpu.memref_slice %arg9[%dma_wait3A_1275, %dma_wait3A_1279] : memref<4x128xi32, #tpu.memory_space<vmem>> -> memref<1x128xi32, #tpu.memory_space<vmem>>
    %dma_wait3A_1281 = tpu.memref_squeeze %dma_wait3A_1280 : memref<1x128xi32, #tpu.memory_space<vmem>> -> memref<128xi32, #tpu.memory_space<vmem>>
    %dma_wait3A_1282 = arith.constant 0 : i32
    %dma_wait3A_1283 = arith.constant 0 : i32
    %dma_wait3A_1284 = tpu.memref_slice %arg4[%dma_wait3A_1282, %dma_wait3A_1283] : memref<1000000x32xf32, #tpu.memory_space<hbm>> -> memref<1000000x32xf32, #tpu.memory_space<hbm>>
    tpu.wait_indirect_dma semaphore(%arg20 : memref<!tpu.dma_semaphore, #tpu.memory_space<semaphore_mem>>) src(%dma_wait3A_1284 : memref<1000000x32xf32, #tpu.memory_space<hbm>>) dst(%dma_wait3A_1278 : memref<128x32xf32, #tpu.memory_space<vmem>>)
    %dma_wait3A_1285 = arith.constant 2 : i32
    %dma_wait3A_1286 = arith.constant 256 : i32
    %dma_wait3A_1287 = arith.constant 0 : i32
    %dma_wait3A_1288 = tpu.memref_slice %arg16[%dma_wait3A_1286, %dma_wait3A_1287] : memref<512x16xf32, #tpu.memory_space<vmem>> -> memref<128x16xf32, #tpu.memory_space<vmem>>
    %dma_wait3A_1289 = arith.constant 0 : i32
    %dma_wait3A_1290 = tpu.memref_slice %arg10[%dma_wait3A_1285, %dma_wait3A_1289] : memref<4x128xi32, #tpu.memory_space<vmem>> -> memref<1x128xi32, #tpu.memory_space<vmem>>
    %dma_wait3A_1291 = tpu.memref_squeeze %dma_wait3A_1290 : memref<1x128xi32, #tpu.memory_space<vmem>> -> memref<128xi32, #tpu.memory_space<vmem>>
    %dma_wait3A_1292 = arith.constant 0 : i32
    %dma_wait3A_1293 = arith.constant 0 : i32
    %dma_wait3A_1294 = tpu.memref_slice %arg5[%dma_wait3A_1292, %dma_wait3A_1293] : memref<62500x16xf32, #tpu.memory_space<hbm>> -> memref<62500x16xf32, #tpu.memory_space<hbm>>
    tpu.wait_indirect_dma semaphore(%arg20 : memref<!tpu.dma_semaphore, #tpu.memory_space<semaphore_mem>>) src(%dma_wait3A_1294 : memref<62500x16xf32, #tpu.memory_space<hbm>>) dst(%dma_wait3A_1288 : memref<128x16xf32, #tpu.memory_space<vmem>>)
    %dma_wait3A_1295 = arith.constant 2 : i32
    %dma_wait3A_1296 = arith.constant 256 : i32
    %dma_wait3A_1297 = arith.constant 0 : i32
    %dma_wait3A_1298 = tpu.memref_slice %arg17[%dma_wait3A_1296, %dma_wait3A_1297] : memref<512x16xf32, #tpu.memory_space<vmem>> -> memref<128x16xf32, #tpu.memory_space<vmem>>
    %dma_wait3A_1299 = arith.constant 0 : i32
    %dma_wait3A_1300 = tpu.memref_slice %arg11[%dma_wait3A_1295, %dma_wait3A_1299] : memref<4x128xi32, #tpu.memory_space<vmem>> -> memref<1x128xi32, #tpu.memory_space<vmem>>
    %dma_wait3A_1301 = tpu.memref_squeeze %dma_wait3A_1300 : memref<1x128xi32, #tpu.memory_space<vmem>> -> memref<128xi32, #tpu.memory_space<vmem>>
    %dma_wait3A_1302 = arith.constant 0 : i32
    %dma_wait3A_1303 = arith.constant 0 : i32
    %dma_wait3A_1304 = tpu.memref_slice %arg5[%dma_wait3A_1302, %dma_wait3A_1303] : memref<62500x16xf32, #tpu.memory_space<hbm>> -> memref<62500x16xf32, #tpu.memory_space<hbm>>
    tpu.wait_indirect_dma semaphore(%arg20 : memref<!tpu.dma_semaphore, #tpu.memory_space<semaphore_mem>>) src(%dma_wait3A_1304 : memref<62500x16xf32, #tpu.memory_space<hbm>>) dst(%dma_wait3A_1298 : memref<128x16xf32, #tpu.memory_space<vmem>>)
    %dma_wait3A_1305 = arith.constant 3 : i32
    %dma_wait3A_1306 = arith.constant 384 : i32
    %dma_wait3A_1307 = arith.constant 0 : i32
    %dma_wait3A_1308 = tpu.memref_slice %arg14[%dma_wait3A_1306, %dma_wait3A_1307] : memref<512x32xf32, #tpu.memory_space<vmem>> -> memref<128x32xf32, #tpu.memory_space<vmem>>
    %dma_wait3A_1309 = arith.constant 0 : i32
    %dma_wait3A_1310 = tpu.memref_slice %arg8[%dma_wait3A_1305, %dma_wait3A_1309] : memref<4x128xi32, #tpu.memory_space<vmem>> -> memref<1x128xi32, #tpu.memory_space<vmem>>
    %dma_wait3A_1311 = tpu.memref_squeeze %dma_wait3A_1310 : memref<1x128xi32, #tpu.memory_space<vmem>> -> memref<128xi32, #tpu.memory_space<vmem>>
    %dma_wait3A_1312 = arith.constant 0 : i32
    %dma_wait3A_1313 = arith.constant 0 : i32
    %dma_wait3A_1314 = tpu.memref_slice %arg4[%dma_wait3A_1312, %dma_wait3A_1313] : memref<1000000x32xf32, #tpu.memory_space<hbm>> -> memref<1000000x32xf32, #tpu.memory_space<hbm>>
    tpu.wait_indirect_dma semaphore(%arg20 : memref<!tpu.dma_semaphore, #tpu.memory_space<semaphore_mem>>) src(%dma_wait3A_1314 : memref<1000000x32xf32, #tpu.memory_space<hbm>>) dst(%dma_wait3A_1308 : memref<128x32xf32, #tpu.memory_space<vmem>>)
    %dma_wait3A_1315 = arith.constant 3 : i32
    %dma_wait3A_1316 = arith.constant 384 : i32
    %dma_wait3A_1317 = arith.constant 0 : i32
    %dma_wait3A_1318 = tpu.memref_slice %arg15[%dma_wait3A_1316, %dma_wait3A_1317] : memref<512x32xf32, #tpu.memory_space<vmem>> -> memref<128x32xf32, #tpu.memory_space<vmem>>
    %dma_wait3A_1319 = arith.constant 0 : i32
    %dma_wait3A_1320 = tpu.memref_slice %arg9[%dma_wait3A_1315, %dma_wait3A_1319] : memref<4x128xi32, #tpu.memory_space<vmem>> -> memref<1x128xi32, #tpu.memory_space<vmem>>
    %dma_wait3A_1321 = tpu.memref_squeeze %dma_wait3A_1320 : memref<1x128xi32, #tpu.memory_space<vmem>> -> memref<128xi32, #tpu.memory_space<vmem>>
    %dma_wait3A_1322 = arith.constant 0 : i32
    %dma_wait3A_1323 = arith.constant 0 : i32
    %dma_wait3A_1324 = tpu.memref_slice %arg4[%dma_wait3A_1322, %dma_wait3A_1323] : memref<1000000x32xf32, #tpu.memory_space<hbm>> -> memref<1000000x32xf32, #tpu.memory_space<hbm>>
    tpu.wait_indirect_dma semaphore(%arg20 : memref<!tpu.dma_semaphore, #tpu.memory_space<semaphore_mem>>) src(%dma_wait3A_1324 : memref<1000000x32xf32, #tpu.memory_space<hbm>>) dst(%dma_wait3A_1318 : memref<128x32xf32, #tpu.memory_space<vmem>>)
    %dma_wait3A_1325 = arith.constant 3 : i32
    %dma_wait3A_1326 = arith.constant 384 : i32
    %dma_wait3A_1327 = arith.constant 0 : i32
    %dma_wait3A_1328 = tpu.memref_slice %arg16[%dma_wait3A_1326, %dma_wait3A_1327] : memref<512x16xf32, #tpu.memory_space<vmem>> -> memref<128x16xf32, #tpu.memory_space<vmem>>
    %dma_wait3A_1329 = arith.constant 0 : i32
    %dma_wait3A_1330 = tpu.memref_slice %arg10[%dma_wait3A_1325, %dma_wait3A_1329] : memref<4x128xi32, #tpu.memory_space<vmem>> -> memref<1x128xi32, #tpu.memory_space<vmem>>
    %dma_wait3A_1331 = tpu.memref_squeeze %dma_wait3A_1330 : memref<1x128xi32, #tpu.memory_space<vmem>> -> memref<128xi32, #tpu.memory_space<vmem>>
    %dma_wait3A_1332 = arith.constant 0 : i32
    %dma_wait3A_1333 = arith.constant 0 : i32
    %dma_wait3A_1334 = tpu.memref_slice %arg5[%dma_wait3A_1332, %dma_wait3A_1333] : memref<62500x16xf32, #tpu.memory_space<hbm>> -> memref<62500x16xf32, #tpu.memory_space<hbm>>
    tpu.wait_indirect_dma semaphore(%arg20 : memref<!tpu.dma_semaphore, #tpu.memory_space<semaphore_mem>>) src(%dma_wait3A_1334 : memref<62500x16xf32, #tpu.memory_space<hbm>>) dst(%dma_wait3A_1328 : memref<128x16xf32, #tpu.memory_space<vmem>>)
    %dma_wait3A_1335 = arith.constant 3 : i32
    %dma_wait3A_1336 = arith.constant 384 : i32
    %dma_wait3A_1337 = arith.constant 0 : i32
    %dma_wait3A_1338 = tpu.memref_slice %arg17[%dma_wait3A_1336, %dma_wait3A_1337] : memref<512x16xf32, #tpu.memory_space<vmem>> -> memref<128x16xf32, #tpu.memory_space<vmem>>
    %dma_wait3A_1339 = arith.constant 0 : i32
    %dma_wait3A_1340 = tpu.memref_slice %arg11[%dma_wait3A_1335, %dma_wait3A_1339] : memref<4x128xi32, #tpu.memory_space<vmem>> -> memref<1x128xi32, #tpu.memory_space<vmem>>
    %dma_wait3A_1341 = tpu.memref_squeeze %dma_wait3A_1340 : memref<1x128xi32, #tpu.memory_space<vmem>> -> memref<128xi32, #tpu.memory_space<vmem>>
    %dma_wait3A_1342 = arith.constant 0 : i32
    %dma_wait3A_1343 = arith.constant 0 : i32
    %dma_wait3A_1344 = tpu.memref_slice %arg5[%dma_wait3A_1342, %dma_wait3A_1343] : memref<62500x16xf32, #tpu.memory_space<hbm>> -> memref<62500x16xf32, #tpu.memory_space<hbm>>
    tpu.wait_indirect_dma semaphore(%arg20 : memref<!tpu.dma_semaphore, #tpu.memory_space<semaphore_mem>>) src(%dma_wait3A_1344 : memref<62500x16xf32, #tpu.memory_space<hbm>>) dst(%dma_wait3A_1338 : memref<128x16xf32, #tpu.memory_space<vmem>>)
    %get3A_1345 = arith.constant 0 : index
    %get3A_1346 = tpu.vector_load %arg18[%get3A_1345] {strides = array<i32>} : memref<16xf32, #tpu.memory_space<vmem>>, vector<16xf32>,
    %iota3A = tpu.iota {dimensions = array<i32: 0>} : vector<16xi32>
    %scan3A = arith.constant 0 : i32
    %scan3A_1347 = arith.constant 32 : i32
    %scan3A_1348 = arith.addi %scan3A, %scan3A_1347 : i32
    %scan3A_1349 = arith.constant 1 : i32
    scf.for %scan3A_1351 = %scan3A to %scan3A_1348 step %scan3A_1349  : i32 {
      %mul3A_1352 = arith.constant 16 : i32
      %mul3A_1353 = arith.muli %scan3A_1351, %mul3A_1352 : i32
      %add3A_1354 = vector.broadcast %mul3A_1353 : i32 to vector<16xi32>
      %add3A_1355 = arith.addi %add3A_1354, %iota3A : vector<16xi32>
      %broadcast_in_dim3A = arith.constant 0.000000e+00 : f32
      %broadcast_in_dim3A_1356 = vector.broadcast %broadcast_in_dim3A : f32 to vector<16xf32>
      %broadcast_in_dim3A_1357 = arith.constant 0 : i32
      %broadcast_in_dim3A_1358 = vector.broadcast %broadcast_in_dim3A_1357 : i32 to vector<16xi32>
      %gather3A = tpu.vector_load_idx %arg14[%add3A_1355, %broadcast_in_dim3A_1358] : memref<512x32xf32, #tpu.memory_space<vmem>>[vector<16xi32>, vector<16xi32>], vector<16xf32>,
      %gather3A_1359 = tpu.vector_load_idx %arg15[%add3A_1355, %broadcast_in_dim3A_1358] : memref<512x32xf32, #tpu.memory_space<vmem>>[vector<16xi32>, vector<16xi32>], vector<16xf32>,
      %sub3A = arith.subf %gather3A, %gather3A_1359 : vector<16xf32>
      %mul3A_1360 = arith.mulf %sub3A, %sub3A : vector<16xf32>
      %add3A_1361 = arith.addf %broadcast_in_dim3A_1356, %mul3A_1360 : vector<16xf32>
      %broadcast_in_dim3A_1362 = arith.constant 1 : i32
      %broadcast_in_dim3A_1363 = vector.broadcast %broadcast_in_dim3A_1362 : i32 to vector<16xi32>
      %gather3A_1364 = tpu.vector_load_idx %arg14[%add3A_1355, %broadcast_in_dim3A_1363] : memref<512x32xf32, #tpu.memory_space<vmem>>[vector<16xi32>, vector<16xi32>], vector<16xf32>,
      %gather3A_1365 = tpu.vector_load_idx %arg15[%add3A_1355, %broadcast_in_dim3A_1363] : memref<512x32xf32, #tpu.memory_space<vmem>>[vector<16xi32>, vector<16xi32>], vector<16xf32>,
      %sub3A_1366 = arith.subf %gather3A_1364, %gather3A_1365 : vector<16xf32>
      %mul3A_1367 = arith.mulf %sub3A_1366, %sub3A_1366 : vector<16xf32>
      %add3A_1368 = arith.addf %add3A_1361, %mul3A_1367 : vector<16xf32>
      %broadcast_in_dim3A_1369 = arith.constant 2 : i32
      %broadcast_in_dim3A_1370 = vector.broadcast %broadcast_in_dim3A_1369 : i32 to vector<16xi32>
      %gather3A_1371 = tpu.vector_load_idx %arg14[%add3A_1355, %broadcast_in_dim3A_1370] : memref<512x32xf32, #tpu.memory_space<vmem>>[vector<16xi32>, vector<16xi32>], vector<16xf32>,
      %gather3A_1372 = tpu.vector_load_idx %arg15[%add3A_1355, %broadcast_in_dim3A_1370] : memref<512x32xf32, #tpu.memory_space<vmem>>[vector<16xi32>, vector<16xi32>], vector<16xf32>,
      %sub3A_1373 = arith.subf %gather3A_1371, %gather3A_1372 : vector<16xf32>
      %mul3A_1374 = arith.mulf %sub3A_1373, %sub3A_1373 : vector<16xf32>
      %add3A_1375 = arith.addf %add3A_1368, %mul3A_1374 : vector<16xf32>
      %broadcast_in_dim3A_1376 = arith.constant 3 : i32
      %broadcast_in_dim3A_1377 = vector.broadcast %broadcast_in_dim3A_1376 : i32 to vector<16xi32>
      %gather3A_1378 = tpu.vector_load_idx %arg14[%add3A_1355, %broadcast_in_dim3A_1377] : memref<512x32xf32, #tpu.memory_space<vmem>>[vector<16xi32>, vector<16xi32>], vector<16xf32>,
      %gather3A_1379 = tpu.vector_load_idx %arg15[%add3A_1355, %broadcast_in_dim3A_1377] : memref<512x32xf32, #tpu.memory_space<vmem>>[vector<16xi32>, vector<16xi32>], vector<16xf32>,
      %sub3A_1380 = arith.subf %gather3A_1378, %gather3A_1379 : vector<16xf32>
      %mul3A_1381 = arith.mulf %sub3A_1380, %sub3A_1380 : vector<16xf32>
      %add3A_1382 = arith.addf %add3A_1375, %mul3A_1381 : vector<16xf32>
      %broadcast_in_dim3A_1383 = arith.constant 4 : i32
      %broadcast_in_dim3A_1384 = vector.broadcast %broadcast_in_dim3A_1383 : i32 to vector<16xi32>
      %gather3A_1385 = tpu.vector_load_idx %arg14[%add3A_1355, %broadcast_in_dim3A_1384] : memref<512x32xf32, #tpu.memory_space<vmem>>[vector<16xi32>, vector<16xi32>], vector<16xf32>,
      %gather3A_1386 = tpu.vector_load_idx %arg15[%add3A_1355, %broadcast_in_dim3A_1384] : memref<512x32xf32, #tpu.memory_space<vmem>>[vector<16xi32>, vector<16xi32>], vector<16xf32>,
      %sub3A_1387 = arith.subf %gather3A_1385, %gather3A_1386 : vector<16xf32>
      %mul3A_1388 = arith.mulf %sub3A_1387, %sub3A_1387 : vector<16xf32>
      %add3A_1389 = arith.addf %add3A_1382, %mul3A_1388 : vector<16xf32>
      %broadcast_in_dim3A_1390 = arith.constant 5 : i32
      %broadcast_in_dim3A_1391 = vector.broadcast %broadcast_in_dim3A_1390 : i32 to vector<16xi32>
      %gather3A_1392 = tpu.vector_load_idx %arg14[%add3A_1355, %broadcast_in_dim3A_1391] : memref<512x32xf32, #tpu.memory_space<vmem>>[vector<16xi32>, vector<16xi32>], vector<16xf32>,
      %gather3A_1393 = tpu.vector_load_idx %arg15[%add3A_1355, %broadcast_in_dim3A_1391] : memref<512x32xf32, #tpu.memory_space<vmem>>[vector<16xi32>, vector<16xi32>], vector<16xf32>,
      %sub3A_1394 = arith.subf %gather3A_1392, %gather3A_1393 : vector<16xf32>
      %mul3A_1395 = arith.mulf %sub3A_1394, %sub3A_1394 : vector<16xf32>
      %add3A_1396 = arith.addf %add3A_1389, %mul3A_1395 : vector<16xf32>
      %broadcast_in_dim3A_1397 = arith.constant 6 : i32
      %broadcast_in_dim3A_1398 = vector.broadcast %broadcast_in_dim3A_1397 : i32 to vector<16xi32>
      %gather3A_1399 = tpu.vector_load_idx %arg14[%add3A_1355, %broadcast_in_dim3A_1398] : memref<512x32xf32, #tpu.memory_space<vmem>>[vector<16xi32>, vector<16xi32>], vector<16xf32>,
      %gather3A_1400 = tpu.vector_load_idx %arg15[%add3A_1355, %broadcast_in_dim3A_1398] : memref<512x32xf32, #tpu.memory_space<vmem>>[vector<16xi32>, vector<16xi32>], vector<16xf32>,
      %sub3A_1401 = arith.subf %gather3A_1399, %gather3A_1400 : vector<16xf32>
      %mul3A_1402 = arith.mulf %sub3A_1401, %sub3A_1401 : vector<16xf32>
      %add3A_1403 = arith.addf %add3A_1396, %mul3A_1402 : vector<16xf32>
      %broadcast_in_dim3A_1404 = arith.constant 7 : i32
      %broadcast_in_dim3A_1405 = vector.broadcast %broadcast_in_dim3A_1404 : i32 to vector<16xi32>
      %gather3A_1406 = tpu.vector_load_idx %arg14[%add3A_1355, %broadcast_in_dim3A_1405] : memref<512x32xf32, #tpu.memory_space<vmem>>[vector<16xi32>, vector<16xi32>], vector<16xf32>,
      %gather3A_1407 = tpu.vector_load_idx %arg15[%add3A_1355, %broadcast_in_dim3A_1405] : memref<512x32xf32, #tpu.memory_space<vmem>>[vector<16xi32>, vector<16xi32>], vector<16xf32>,
      %sub3A_1408 = arith.subf %gather3A_1406, %gather3A_1407 : vector<16xf32>
      %mul3A_1409 = arith.mulf %sub3A_1408, %sub3A_1408 : vector<16xf32>
      %add3A_1410 = arith.addf %add3A_1403, %mul3A_1409 : vector<16xf32>
      %broadcast_in_dim3A_1411 = arith.constant 8 : i32
      %broadcast_in_dim3A_1412 = vector.broadcast %broadcast_in_dim3A_1411 : i32 to vector<16xi32>
      %gather3A_1413 = tpu.vector_load_idx %arg14[%add3A_1355, %broadcast_in_dim3A_1412] : memref<512x32xf32, #tpu.memory_space<vmem>>[vector<16xi32>, vector<16xi32>], vector<16xf32>,
      %gather3A_1414 = tpu.vector_load_idx %arg15[%add3A_1355, %broadcast_in_dim3A_1412] : memref<512x32xf32, #tpu.memory_space<vmem>>[vector<16xi32>, vector<16xi32>], vector<16xf32>,
      %sub3A_1415 = arith.subf %gather3A_1413, %gather3A_1414 : vector<16xf32>
      %mul3A_1416 = arith.mulf %sub3A_1415, %sub3A_1415 : vector<16xf32>
      %add3A_1417 = arith.addf %add3A_1410, %mul3A_1416 : vector<16xf32>
      %broadcast_in_dim3A_1418 = arith.constant 9 : i32
      %broadcast_in_dim3A_1419 = vector.broadcast %broadcast_in_dim3A_1418 : i32 to vector<16xi32>
      %gather3A_1420 = tpu.vector_load_idx %arg14[%add3A_1355, %broadcast_in_dim3A_1419] : memref<512x32xf32, #tpu.memory_space<vmem>>[vector<16xi32>, vector<16xi32>], vector<16xf32>,
      %gather3A_1421 = tpu.vector_load_idx %arg15[%add3A_1355, %broadcast_in_dim3A_1419] : memref<512x32xf32, #tpu.memory_space<vmem>>[vector<16xi32>, vector<16xi32>], vector<16xf32>,
      %sub3A_1422 = arith.subf %gather3A_1420, %gather3A_1421 : vector<16xf32>
      %mul3A_1423 = arith.mulf %sub3A_1422, %sub3A_1422 : vector<16xf32>
      %add3A_1424 = arith.addf %add3A_1417, %mul3A_1423 : vector<16xf32>
      %broadcast_in_dim3A_1425 = arith.constant 10 : i32
      %broadcast_in_dim3A_1426 = vector.broadcast %broadcast_in_dim3A_1425 : i32 to vector<16xi32>
      %gather3A_1427 = tpu.vector_load_idx %arg14[%add3A_1355, %broadcast_in_dim3A_1426] : memref<512x32xf32, #tpu.memory_space<vmem>>[vector<16xi32>, vector<16xi32>], vector<16xf32>,
      %gather3A_1428 = tpu.vector_load_idx %arg15[%add3A_1355, %broadcast_in_dim3A_1426] : memref<512x32xf32, #tpu.memory_space<vmem>>[vector<16xi32>, vector<16xi32>], vector<16xf32>,
      %sub3A_1429 = arith.subf %gather3A_1427, %gather3A_1428 : vector<16xf32>
      %mul3A_1430 = arith.mulf %sub3A_1429, %sub3A_1429 : vector<16xf32>
      %add3A_1431 = arith.addf %add3A_1424, %mul3A_1430 : vector<16xf32>
      %broadcast_in_dim3A_1432 = arith.constant 11 : i32
      %broadcast_in_dim3A_1433 = vector.broadcast %broadcast_in_dim3A_1432 : i32 to vector<16xi32>
      %gather3A_1434 = tpu.vector_load_idx %arg14[%add3A_1355, %broadcast_in_dim3A_1433] : memref<512x32xf32, #tpu.memory_space<vmem>>[vector<16xi32>, vector<16xi32>], vector<16xf32>,
      %gather3A_1435 = tpu.vector_load_idx %arg15[%add3A_1355, %broadcast_in_dim3A_1433] : memref<512x32xf32, #tpu.memory_space<vmem>>[vector<16xi32>, vector<16xi32>], vector<16xf32>,
      %sub3A_1436 = arith.subf %gather3A_1434, %gather3A_1435 : vector<16xf32>
      %mul3A_1437 = arith.mulf %sub3A_1436, %sub3A_1436 : vector<16xf32>
      %add3A_1438 = arith.addf %add3A_1431, %mul3A_1437 : vector<16xf32>
      %broadcast_in_dim3A_1439 = arith.constant 12 : i32
      %broadcast_in_dim3A_1440 = vector.broadcast %broadcast_in_dim3A_1439 : i32 to vector<16xi32>
      %gather3A_1441 = tpu.vector_load_idx %arg14[%add3A_1355, %broadcast_in_dim3A_1440] : memref<512x32xf32, #tpu.memory_space<vmem>>[vector<16xi32>, vector<16xi32>], vector<16xf32>,
      %gather3A_1442 = tpu.vector_load_idx %arg15[%add3A_1355, %broadcast_in_dim3A_1440] : memref<512x32xf32, #tpu.memory_space<vmem>>[vector<16xi32>, vector<16xi32>], vector<16xf32>,
      %sub3A_1443 = arith.subf %gather3A_1441, %gather3A_1442 : vector<16xf32>
      %mul3A_1444 = arith.mulf %sub3A_1443, %sub3A_1443 : vector<16xf32>
      %add3A_1445 = arith.addf %add3A_1438, %mul3A_1444 : vector<16xf32>
      %broadcast_in_dim3A_1446 = arith.constant 13 : i32
      %broadcast_in_dim3A_1447 = vector.broadcast %broadcast_in_dim3A_1446 : i32 to vector<16xi32>
      %gather3A_1448 = tpu.vector_load_idx %arg14[%add3A_1355, %broadcast_in_dim3A_1447] : memref<512x32xf32, #tpu.memory_space<vmem>>[vector<16xi32>, vector<16xi32>], vector<16xf32>,
      %gather3A_1449 = tpu.vector_load_idx %arg15[%add3A_1355, %broadcast_in_dim3A_1447] : memref<512x32xf32, #tpu.memory_space<vmem>>[vector<16xi32>, vector<16xi32>], vector<16xf32>,
      %sub3A_1450 = arith.subf %gather3A_1448, %gather3A_1449 : vector<16xf32>
      %mul3A_1451 = arith.mulf %sub3A_1450, %sub3A_1450 : vector<16xf32>
      %add3A_1452 = arith.addf %add3A_1445, %mul3A_1451 : vector<16xf32>
      %broadcast_in_dim3A_1453 = arith.constant 14 : i32
      %broadcast_in_dim3A_1454 = vector.broadcast %broadcast_in_dim3A_1453 : i32 to vector<16xi32>
      %gather3A_1455 = tpu.vector_load_idx %arg14[%add3A_1355, %broadcast_in_dim3A_1454] : memref<512x32xf32, #tpu.memory_space<vmem>>[vector<16xi32>, vector<16xi32>], vector<16xf32>,
      %gather3A_1456 = tpu.vector_load_idx %arg15[%add3A_1355, %broadcast_in_dim3A_1454] : memref<512x32xf32, #tpu.memory_space<vmem>>[vector<16xi32>, vector<16xi32>], vector<16xf32>,
      %sub3A_1457 = arith.subf %gather3A_1455, %gather3A_1456 : vector<16xf32>
      %mul3A_1458 = arith.mulf %sub3A_1457, %sub3A_1457 : vector<16xf32>
      %add3A_1459 = arith.addf %add3A_1452, %mul3A_1458 : vector<16xf32>
      %broadcast_in_dim3A_1460 = arith.constant 15 : i32
      %broadcast_in_dim3A_1461 = vector.broadcast %broadcast_in_dim3A_1460 : i32 to vector<16xi32>
      %gather3A_1462 = tpu.vector_load_idx %arg14[%add3A_1355, %broadcast_in_dim3A_1461] : memref<512x32xf32, #tpu.memory_space<vmem>>[vector<16xi32>, vector<16xi32>], vector<16xf32>,
      %gather3A_1463 = tpu.vector_load_idx %arg15[%add3A_1355, %broadcast_in_dim3A_1461] : memref<512x32xf32, #tpu.memory_space<vmem>>[vector<16xi32>, vector<16xi32>], vector<16xf32>,
      %sub3A_1464 = arith.subf %gather3A_1462, %gather3A_1463 : vector<16xf32>
      %mul3A_1465 = arith.mulf %sub3A_1464, %sub3A_1464 : vector<16xf32>
      %add3A_1466 = arith.addf %add3A_1459, %mul3A_1465 : vector<16xf32>
      %broadcast_in_dim3A_1467 = arith.constant 16 : i32
      %broadcast_in_dim3A_1468 = vector.broadcast %broadcast_in_dim3A_1467 : i32 to vector<16xi32>
      %gather3A_1469 = tpu.vector_load_idx %arg14[%add3A_1355, %broadcast_in_dim3A_1468] : memref<512x32xf32, #tpu.memory_space<vmem>>[vector<16xi32>, vector<16xi32>], vector<16xf32>,
      %gather3A_1470 = tpu.vector_load_idx %arg15[%add3A_1355, %broadcast_in_dim3A_1468] : memref<512x32xf32, #tpu.memory_space<vmem>>[vector<16xi32>, vector<16xi32>], vector<16xf32>,
      %sub3A_1471 = arith.subf %gather3A_1469, %gather3A_1470 : vector<16xf32>
      %mul3A_1472 = arith.mulf %sub3A_1471, %sub3A_1471 : vector<16xf32>
      %add3A_1473 = arith.addf %add3A_1466, %mul3A_1472 : vector<16xf32>
      %broadcast_in_dim3A_1474 = arith.constant 17 : i32
      %broadcast_in_dim3A_1475 = vector.broadcast %broadcast_in_dim3A_1474 : i32 to vector<16xi32>
      %gather3A_1476 = tpu.vector_load_idx %arg14[%add3A_1355, %broadcast_in_dim3A_1475] : memref<512x32xf32, #tpu.memory_space<vmem>>[vector<16xi32>, vector<16xi32>], vector<16xf32>,
      %gather3A_1477 = tpu.vector_load_idx %arg15[%add3A_1355, %broadcast_in_dim3A_1475] : memref<512x32xf32, #tpu.memory_space<vmem>>[vector<16xi32>, vector<16xi32>], vector<16xf32>,
      %sub3A_1478 = arith.subf %gather3A_1476, %gather3A_1477 : vector<16xf32>
      %mul3A_1479 = arith.mulf %sub3A_1478, %sub3A_1478 : vector<16xf32>
      %add3A_1480 = arith.addf %add3A_1473, %mul3A_1479 : vector<16xf32>
      %broadcast_in_dim3A_1481 = arith.constant 18 : i32
      %broadcast_in_dim3A_1482 = vector.broadcast %broadcast_in_dim3A_1481 : i32 to vector<16xi32>
      %gather3A_1483 = tpu.vector_load_idx %arg14[%add3A_1355, %broadcast_in_dim3A_1482] : memref<512x32xf32, #tpu.memory_space<vmem>>[vector<16xi32>, vector<16xi32>], vector<16xf32>,
      %gather3A_1484 = tpu.vector_load_idx %arg15[%add3A_1355, %broadcast_in_dim3A_1482] : memref<512x32xf32, #tpu.memory_space<vmem>>[vector<16xi32>, vector<16xi32>], vector<16xf32>,
      %sub3A_1485 = arith.subf %gather3A_1483, %gather3A_1484 : vector<16xf32>
      %mul3A_1486 = arith.mulf %sub3A_1485, %sub3A_1485 : vector<16xf32>
      %add3A_1487 = arith.addf %add3A_1480, %mul3A_1486 : vector<16xf32>
      %broadcast_in_dim3A_1488 = arith.constant 19 : i32
      %broadcast_in_dim3A_1489 = vector.broadcast %broadcast_in_dim3A_1488 : i32 to vector<16xi32>
      %gather3A_1490 = tpu.vector_load_idx %arg14[%add3A_1355, %broadcast_in_dim3A_1489] : memref<512x32xf32, #tpu.memory_space<vmem>>[vector<16xi32>, vector<16xi32>], vector<16xf32>,
      %gather3A_1491 = tpu.vector_load_idx %arg15[%add3A_1355, %broadcast_in_dim3A_1489] : memref<512x32xf32, #tpu.memory_space<vmem>>[vector<16xi32>, vector<16xi32>], vector<16xf32>,
      %sub3A_1492 = arith.subf %gather3A_1490, %gather3A_1491 : vector<16xf32>
      %mul3A_1493 = arith.mulf %sub3A_1492, %sub3A_1492 : vector<16xf32>
      %add3A_1494 = arith.addf %add3A_1487, %mul3A_1493 : vector<16xf32>
      %broadcast_in_dim3A_1495 = arith.constant 20 : i32
      %broadcast_in_dim3A_1496 = vector.broadcast %broadcast_in_dim3A_1495 : i32 to vector<16xi32>
      %gather3A_1497 = tpu.vector_load_idx %arg14[%add3A_1355, %broadcast_in_dim3A_1496] : memref<512x32xf32, #tpu.memory_space<vmem>>[vector<16xi32>, vector<16xi32>], vector<16xf32>,
      %gather3A_1498 = tpu.vector_load_idx %arg15[%add3A_1355, %broadcast_in_dim3A_1496] : memref<512x32xf32, #tpu.memory_space<vmem>>[vector<16xi32>, vector<16xi32>], vector<16xf32>,
      %sub3A_1499 = arith.subf %gather3A_1497, %gather3A_1498 : vector<16xf32>
      %mul3A_1500 = arith.mulf %sub3A_1499, %sub3A_1499 : vector<16xf32>
      %add3A_1501 = arith.addf %add3A_1494, %mul3A_1500 : vector<16xf32>
      %broadcast_in_dim3A_1502 = arith.constant 21 : i32
      %broadcast_in_dim3A_1503 = vector.broadcast %broadcast_in_dim3A_1502 : i32 to vector<16xi32>
      %gather3A_1504 = tpu.vector_load_idx %arg14[%add3A_1355, %broadcast_in_dim3A_1503] : memref<512x32xf32, #tpu.memory_space<vmem>>[vector<16xi32>, vector<16xi32>], vector<16xf32>,
      %gather3A_1505 = tpu.vector_load_idx %arg15[%add3A_1355, %broadcast_in_dim3A_1503] : memref<512x32xf32, #tpu.memory_space<vmem>>[vector<16xi32>, vector<16xi32>], vector<16xf32>,
      %sub3A_1506 = arith.subf %gather3A_1504, %gather3A_1505 : vector<16xf32>
      %mul3A_1507 = arith.mulf %sub3A_1506, %sub3A_1506 : vector<16xf32>
      %add3A_1508 = arith.addf %add3A_1501, %mul3A_1507 : vector<16xf32>
      %broadcast_in_dim3A_1509 = arith.constant 22 : i32
      %broadcast_in_dim3A_1510 = vector.broadcast %broadcast_in_dim3A_1509 : i32 to vector<16xi32>
      %gather3A_1511 = tpu.vector_load_idx %arg14[%add3A_1355, %broadcast_in_dim3A_1510] : memref<512x32xf32, #tpu.memory_space<vmem>>[vector<16xi32>, vector<16xi32>], vector<16xf32>,
      %gather3A_1512 = tpu.vector_load_idx %arg15[%add3A_1355, %broadcast_in_dim3A_1510] : memref<512x32xf32, #tpu.memory_space<vmem>>[vector<16xi32>, vector<16xi32>], vector<16xf32>,
      %sub3A_1513 = arith.subf %gather3A_1511, %gather3A_1512 : vector<16xf32>
      %mul3A_1514 = arith.mulf %sub3A_1513, %sub3A_1513 : vector<16xf32>
      %add3A_1515 = arith.addf %add3A_1508, %mul3A_1514 : vector<16xf32>
      %broadcast_in_dim3A_1516 = arith.constant 23 : i32
      %broadcast_in_dim3A_1517 = vector.broadcast %broadcast_in_dim3A_1516 : i32 to vector<16xi32>
      %gather3A_1518 = tpu.vector_load_idx %arg14[%add3A_1355, %broadcast_in_dim3A_1517] : memref<512x32xf32, #tpu.memory_space<vmem>>[vector<16xi32>, vector<16xi32>], vector<16xf32>,
      %gather3A_1519 = tpu.vector_load_idx %arg15[%add3A_1355, %broadcast_in_dim3A_1517] : memref<512x32xf32, #tpu.memory_space<vmem>>[vector<16xi32>, vector<16xi32>], vector<16xf32>,
      %sub3A_1520 = arith.subf %gather3A_1518, %gather3A_1519 : vector<16xf32>
      %mul3A_1521 = arith.mulf %sub3A_1520, %sub3A_1520 : vector<16xf32>
      %add3A_1522 = arith.addf %add3A_1515, %mul3A_1521 : vector<16xf32>
      %broadcast_in_dim3A_1523 = arith.constant 24 : i32
      %broadcast_in_dim3A_1524 = vector.broadcast %broadcast_in_dim3A_1523 : i32 to vector<16xi32>
      %gather3A_1525 = tpu.vector_load_idx %arg14[%add3A_1355, %broadcast_in_dim3A_1524] : memref<512x32xf32, #tpu.memory_space<vmem>>[vector<16xi32>, vector<16xi32>], vector<16xf32>,
      %gather3A_1526 = tpu.vector_load_idx %arg15[%add3A_1355, %broadcast_in_dim3A_1524] : memref<512x32xf32, #tpu.memory_space<vmem>>[vector<16xi32>, vector<16xi32>], vector<16xf32>,
      %sub3A_1527 = arith.subf %gather3A_1525, %gather3A_1526 : vector<16xf32>
      %mul3A_1528 = arith.mulf %sub3A_1527, %sub3A_1527 : vector<16xf32>
      %add3A_1529 = arith.addf %add3A_1522, %mul3A_1528 : vector<16xf32>
      %broadcast_in_dim3A_1530 = arith.constant 25 : i32
      %broadcast_in_dim3A_1531 = vector.broadcast %broadcast_in_dim3A_1530 : i32 to vector<16xi32>
      %gather3A_1532 = tpu.vector_load_idx %arg14[%add3A_1355, %broadcast_in_dim3A_1531] : memref<512x32xf32, #tpu.memory_space<vmem>>[vector<16xi32>, vector<16xi32>], vector<16xf32>,
      %gather3A_1533 = tpu.vector_load_idx %arg15[%add3A_1355, %broadcast_in_dim3A_1531] : memref<512x32xf32, #tpu.memory_space<vmem>>[vector<16xi32>, vector<16xi32>], vector<16xf32>,
      %sub3A_1534 = arith.subf %gather3A_1532, %gather3A_1533 : vector<16xf32>
      %mul3A_1535 = arith.mulf %sub3A_1534, %sub3A_1534 : vector<16xf32>
      %add3A_1536 = arith.addf %add3A_1529, %mul3A_1535 : vector<16xf32>
      %broadcast_in_dim3A_1537 = arith.constant 26 : i32
      %broadcast_in_dim3A_1538 = vector.broadcast %broadcast_in_dim3A_1537 : i32 to vector<16xi32>
      %gather3A_1539 = tpu.vector_load_idx %arg14[%add3A_1355, %broadcast_in_dim3A_1538] : memref<512x32xf32, #tpu.memory_space<vmem>>[vector<16xi32>, vector<16xi32>], vector<16xf32>,
      %gather3A_1540 = tpu.vector_load_idx %arg15[%add3A_1355, %broadcast_in_dim3A_1538] : memref<512x32xf32, #tpu.memory_space<vmem>>[vector<16xi32>, vector<16xi32>], vector<16xf32>,
      %sub3A_1541 = arith.subf %gather3A_1539, %gather3A_1540 : vector<16xf32>
      %mul3A_1542 = arith.mulf %sub3A_1541, %sub3A_1541 : vector<16xf32>
      %add3A_1543 = arith.addf %add3A_1536, %mul3A_1542 : vector<16xf32>
      %broadcast_in_dim3A_1544 = arith.constant 27 : i32
      %broadcast_in_dim3A_1545 = vector.broadcast %broadcast_in_dim3A_1544 : i32 to vector<16xi32>
      %gather3A_1546 = tpu.vector_load_idx %arg14[%add3A_1355, %broadcast_in_dim3A_1545] : memref<512x32xf32, #tpu.memory_space<vmem>>[vector<16xi32>, vector<16xi32>], vector<16xf32>,
      %gather3A_1547 = tpu.vector_load_idx %arg15[%add3A_1355, %broadcast_in_dim3A_1545] : memref<512x32xf32, #tpu.memory_space<vmem>>[vector<16xi32>, vector<16xi32>], vector<16xf32>,
      %sub3A_1548 = arith.subf %gather3A_1546, %gather3A_1547 : vector<16xf32>
      %mul3A_1549 = arith.mulf %sub3A_1548, %sub3A_1548 : vector<16xf32>
      %add3A_1550 = arith.addf %add3A_1543, %mul3A_1549 : vector<16xf32>
      %broadcast_in_dim3A_1551 = arith.constant 28 : i32
      %broadcast_in_dim3A_1552 = vector.broadcast %broadcast_in_dim3A_1551 : i32 to vector<16xi32>
      %gather3A_1553 = tpu.vector_load_idx %arg14[%add3A_1355, %broadcast_in_dim3A_1552] : memref<512x32xf32, #tpu.memory_space<vmem>>[vector<16xi32>, vector<16xi32>], vector<16xf32>,
      %gather3A_1554 = tpu.vector_load_idx %arg15[%add3A_1355, %broadcast_in_dim3A_1552] : memref<512x32xf32, #tpu.memory_space<vmem>>[vector<16xi32>, vector<16xi32>], vector<16xf32>,
      %sub3A_1555 = arith.subf %gather3A_1553, %gather3A_1554 : vector<16xf32>
      %mul3A_1556 = arith.mulf %sub3A_1555, %sub3A_1555 : vector<16xf32>
      %add3A_1557 = arith.addf %add3A_1550, %mul3A_1556 : vector<16xf32>
      %broadcast_in_dim3A_1558 = arith.constant 29 : i32
      %broadcast_in_dim3A_1559 = vector.broadcast %broadcast_in_dim3A_1558 : i32 to vector<16xi32>
      %gather3A_1560 = tpu.vector_load_idx %arg14[%add3A_1355, %broadcast_in_dim3A_1559] : memref<512x32xf32, #tpu.memory_space<vmem>>[vector<16xi32>, vector<16xi32>], vector<16xf32>,
      %gather3A_1561 = tpu.vector_load_idx %arg15[%add3A_1355, %broadcast_in_dim3A_1559] : memref<512x32xf32, #tpu.memory_space<vmem>>[vector<16xi32>, vector<16xi32>], vector<16xf32>,
      %sub3A_1562 = arith.subf %gather3A_1560, %gather3A_1561 : vector<16xf32>
      %mul3A_1563 = arith.mulf %sub3A_1562, %sub3A_1562 : vector<16xf32>
      %add3A_1564 = arith.addf %add3A_1557, %mul3A_1563 : vector<16xf32>
      %broadcast_in_dim3A_1565 = arith.constant 30 : i32
      %broadcast_in_dim3A_1566 = vector.broadcast %broadcast_in_dim3A_1565 : i32 to vector<16xi32>
      %gather3A_1567 = tpu.vector_load_idx %arg14[%add3A_1355, %broadcast_in_dim3A_1566] : memref<512x32xf32, #tpu.memory_space<vmem>>[vector<16xi32>, vector<16xi32>], vector<16xf32>,
      %gather3A_1568 = tpu.vector_load_idx %arg15[%add3A_1355, %broadcast_in_dim3A_1566] : memref<512x32xf32, #tpu.memory_space<vmem>>[vector<16xi32>, vector<16xi32>], vector<16xf32>,
      %sub3A_1569 = arith.subf %gather3A_1567, %gather3A_1568 : vector<16xf32>
      %mul3A_1570 = arith.mulf %sub3A_1569, %sub3A_1569 : vector<16xf32>
      %add3A_1571 = arith.addf %add3A_1564, %mul3A_1570 : vector<16xf32>
      %broadcast_in_dim3A_1572 = arith.constant 31 : i32
      %broadcast_in_dim3A_1573 = vector.broadcast %broadcast_in_dim3A_1572 : i32 to vector<16xi32>
      %gather3A_1574 = tpu.vector_load_idx %arg14[%add3A_1355, %broadcast_in_dim3A_1573] : memref<512x32xf32, #tpu.memory_space<vmem>>[vector<16xi32>, vector<16xi32>], vector<16xf32>,
      %gather3A_1575 = tpu.vector_load_idx %arg15[%add3A_1355, %broadcast_in_dim3A_1573] : memref<512x32xf32, #tpu.memory_space<vmem>>[vector<16xi32>, vector<16xi32>], vector<16xf32>,
      %sub3A_1576 = arith.subf %gather3A_1574, %gather3A_1575 : vector<16xf32>
      %mul3A_1577 = arith.mulf %sub3A_1576, %sub3A_1576 : vector<16xf32>
      %add3A_1578 = arith.addf %add3A_1571, %mul3A_1577 : vector<16xf32>
      %mul3A_1579 = arith.constant 16 : i32
      %mul3A_1580 = arith.muli %scan3A_1351, %mul3A_1579 : i32
      %get3A_1581 = arith.index_cast %mul3A_1580 : i32 to index
      %get3A_1582 = tpu.vector_load %arg12[%get3A_1581] {strides = array<i32>} : memref<512xi32, #tpu.memory_space<vmem>>, vector<16xi32>,
      %gather3A_1583 = tpu.vector_load_idx %arg16[%add3A_1355, %get3A_1582] : memref<512x16xf32, #tpu.memory_space<vmem>>[vector<16xi32>, vector<16xi32>], vector<16xf32>,
      %get3A_1584 = arith.index_cast %mul3A_1580 : i32 to index
      %get3A_1585 = tpu.vector_load %arg13[%get3A_1584] {strides = array<i32>} : memref<512xi32, #tpu.memory_space<vmem>>, vector<16xi32>,
      %gather3A_1586 = tpu.vector_load_idx %arg17[%add3A_1355, %get3A_1585] : memref<512x16xf32, #tpu.memory_space<vmem>>[vector<16xi32>, vector<16xi32>], vector<16xf32>,
      %max3A = arith.constant 1.000000e-35 : f32
      %max3A_1587 = vector.broadcast %max3A : f32 to vector<16xf32>
      %max3A_1588 = arith.maximumf %add3A_1578, %max3A_1587 : vector<16xf32>
      %bitcast_convert_type3A = tpu.bitcast %max3A_1588 : vector<16xf32> -> vector<16xi32>
      %shift_right_arithmetic3A = arith.constant 1 : i32
      %shift_right_arithmetic3A_1589 = vector.broadcast %shift_right_arithmetic3A : i32 to vector<16xi32>
      %shift_right_arithmetic3A_1590 = arith.shrsi %bitcast_convert_type3A, %shift_right_arithmetic3A_1589 : vector<16xi32>
      %sub3A_1591 = arith.constant 1597463007 : i32
      %sub3A_1592 = vector.broadcast %sub3A_1591 : i32 to vector<16xi32>
      %sub3A_1593 = arith.subi %sub3A_1592, %shift_right_arithmetic3A_1590 : vector<16xi32>
      %bitcast_convert_type3A_1594 = tpu.bitcast %sub3A_1593 : vector<16xi32> -> vector<16xf32>
      %mul3A_1595 = arith.constant 5.000000e-01 : f32
      %mul3A_1596 = vector.broadcast %mul3A_1595 : f32 to vector<16xf32>
      %mul3A_1597 = arith.mulf %mul3A_1596, %max3A_1588 : vector<16xf32>
      %mul3A_1598 = arith.mulf %mul3A_1597, %bitcast_convert_type3A_1594 : vector<16xf32>
      %mul3A_1599 = arith.mulf %mul3A_1598, %bitcast_convert_type3A_1594 : vector<16xf32>
      %sub3A_1600 = arith.constant 1.500000e+00 : f32
      %sub3A_1601 = vector.broadcast %sub3A_1600 : f32 to vector<16xf32>
      %sub3A_1602 = arith.subf %sub3A_1601, %mul3A_1599 : vector<16xf32>
      %mul3A_1603 = arith.mulf %bitcast_convert_type3A_1594, %sub3A_1602 : vector<16xf32>
      %mul3A_1604 = arith.constant 5.000000e-01 : f32
      %mul3A_1605 = vector.broadcast %mul3A_1604 : f32 to vector<16xf32>
      %mul3A_1606 = arith.mulf %mul3A_1605, %max3A_1588 : vector<16xf32>
      %mul3A_1607 = arith.mulf %mul3A_1606, %mul3A_1603 : vector<16xf32>
      %mul3A_1608 = arith.mulf %mul3A_1607, %mul3A_1603 : vector<16xf32>
      %sub3A_1609 = arith.constant 1.500000e+00 : f32
      %sub3A_1610 = vector.broadcast %sub3A_1609 : f32 to vector<16xf32>
      %sub3A_1611 = arith.subf %sub3A_1610, %mul3A_1608 : vector<16xf32>
      %mul3A_1612 = arith.mulf %mul3A_1603, %sub3A_1611 : vector<16xf32>
      %mul3A_1613 = arith.constant 5.000000e-01 : f32
      %mul3A_1614 = vector.broadcast %mul3A_1613 : f32 to vector<16xf32>
      %mul3A_1615 = arith.mulf %mul3A_1614, %max3A_1588 : vector<16xf32>
      %mul3A_1616 = arith.mulf %mul3A_1615, %mul3A_1612 : vector<16xf32>
      %mul3A_1617 = arith.mulf %mul3A_1616, %mul3A_1612 : vector<16xf32>
      %sub3A_1618 = arith.constant 1.500000e+00 : f32
      %sub3A_1619 = vector.broadcast %sub3A_1618 : f32 to vector<16xf32>
      %sub3A_1620 = arith.subf %sub3A_1619, %mul3A_1617 : vector<16xf32>
      %mul3A_1621 = arith.mulf %mul3A_1612, %sub3A_1620 : vector<16xf32>
      %mul3A_1622 = arith.mulf %max3A_1588, %mul3A_1621 : vector<16xf32>
      %add3A_1623 = arith.addf %gather3A_1583, %gather3A_1586 : vector<16xf32>
      %mul3A_1624 = arith.mulf %get3A_1346, %mul3A_1622 : vector<16xf32>
      %sub3A_1625 = arith.subf %add3A_1623, %mul3A_1624 : vector<16xf32>
      %swap3A_1626 = arith.index_cast %mul3A_1580 : i32 to index
      %swap3A_1627 = tpu.vector_load %arg19[%swap3A_1626] {strides = array<i32>} : memref<512xf32, #tpu.memory_space<vmem>>, vector<16xf32>,
      tpu.vector_store %arg19[%swap3A_1626], %sub3A_1625 {strides = array<i32>} : memref<512xf32, #tpu.memory_space<vmem>>, vector<16xf32>,
    }
    %scan3A_1350 = arith.constant 32 : i32
    "tpu.region"() ({
      %run_scoped3A = tpu.sem_alloc : memref<!tpu.dma_semaphore, #tpu.memory_space<semaphore_mem>>
      %dma_start3A_1351 = tpu.memref_slice %arg7[%mul3A_2] : memref<16384xf32, #tpu.memory_space<hbm>> -> memref<512xf32, #tpu.memory_space<hbm>>
      %dma_start3A_1352 = tpu.memref_slice %arg7[%mul3A_2] : memref<16384xf32, #tpu.memory_space<hbm>> -> memref<512xf32, #tpu.memory_space<hbm>>
      tpu.enqueue_dma source(%arg19 : memref<512xf32, #tpu.memory_space<vmem>>) target(%dma_start3A_1352 : memref<512xf32, #tpu.memory_space<hbm>>) target_semaphore(%run_scoped3A : memref<!tpu.dma_semaphore, #tpu.memory_space<semaphore_mem>>)
      %dma_wait3A_1353 = tpu.memref_slice %arg7[%mul3A_2] : memref<16384xf32, #tpu.memory_space<hbm>> -> memref<512xf32, #tpu.memory_space<hbm>>
      %dma_wait3A_1354 = tpu.memref_slice %arg7[%mul3A_2] : memref<16384xf32, #tpu.memory_space<hbm>> -> memref<512xf32, #tpu.memory_space<hbm>>
      tpu.wait_dma2 semaphore(%run_scoped3A : memref<!tpu.dma_semaphore, #tpu.memory_space<semaphore_mem>>) src(%arg19 : memref<512xf32, #tpu.memory_space<vmem>>) dst(%dma_wait3A_1354 : memref<512xf32, #tpu.memory_space<hbm>>)
      tpu.yield
    }) : () -> ()
    return
  }
}

</mosaic_0001>

<sc_bundles>
// kernel: _run.3.cloned.1.call-start
scs
__scs_entry_jumppad:
0x0: {  	(pc) =	sbr.rel $0x88, $3  }
0x1: {  	(tag) =	ssettag $0x0;
	lr =	simm.s32 $0x1  }
0x2: {  	[smem:$0x3F9C] =	sst lr;
	_ =	strace $0xD0000000  }
0x3: {  	_ = 	snop  }
0x4: {  	_ = 	snop  }
0x5: {  	_ = 	snop  }
0x6: {  	_ = 	snop  }
0x7: {  	_ = 	snop  }
__scs_overlays_trampoline_lowered:
0x8: {  	[smem:$0x3FAB] =	sst s0  }
0x9: {  	[smem:$0x3FAC] =	sst s1  }
0xa: {  	[smem:$0x3FAD] =	sst s2  }
0xb: {  	[smem:$0x3FAE] =	sst s3  }
0xc: {  	[smem:$0x3FAF] =	sst s4  }
0xd: {  	[smem:$0x3FB0] =	sst s5  }
0xe: {  	[smem:$0x3FB1] =	sst s6  }
0xf: {  	[smem:$0x3FB2] =	sst s7  }
0x10: {  	[smem:$0x3FB3] =	sst s8  }
0x11: {  	[smem:$0x3FB4] =	sst s9;
	s0 =	simm.s32 @!p0 $0x0  }
0x12: {  	s1 =	sld [smem:$0x3F9A];
	s0 =	simm.s32 @p0 $0x1  }
0x13: {  	[smem:$0x3FB5] =	sst s0;
	s0 =	simm.s32 @!p1 $0x0  }
0x14: {  	s2 =	sld [smem:$0x3F99];
	s0 =	simm.s32 @p1 $0x1  }
0x15: {  	[smem:$0x3FB6] =	sst s0;
	s0 =	simm.s32 @!p2 $0x0  }
0x16: {  	s3 =	sld [smem:$0x3FDB];
	s0 =	simm.s32 @p2 $0x1  }
0x17: {  	s4 =	simm.s32 $0x1BF5;
	[smem:$0x3FB8] =	sst s0  }
0x18: {  	s0 =	sld [smem:$0x3F9B];
	_ =	swait.ge [sflag:s4], $0x0  }
0x19: {  	s7 =	sld [smem:$0x3F9C]  }
0x1a: {  	s8 =	sadd.s32 $0xFFFFE003, lr  }
0x1b: {  	s9 =	sadd.s32 $0xFFFFFEF7, lr;
	s5 =	simm.s32 $0xFFFFFFFF;
	p2 =	slt.u32 s8, $0xFFFFF086  }
0x1c: {  	p1 =	slt.u32 s9, $0xF7A;
	s5 =	simm.s32 @!p2 $0x0  }
0x1d: {  	s5 =	simm.s32 @p1 $0x1;
	p0 =	seq.s32 s7, s2  }
0x1e: {  	s7 =	smul.u32 @!p0 $0xF7A, s2;
	p2 =	seq.s32 @!p0 s5, $0x0  }
0x1f: {  	s9 =	smul.u32 $0xF7A, s1;
	s8 =	simm.s32 @!p0 $0x1BF5;
	p2 =	por !p2, p0  }
0x20: {  	[sflag:s8] =	ssyncset.s32 @!p0 $0xFFFFF086;
	s6 =	sadd.s32 @!p0 s3, s7;
	s7 =	simm.s32 @!p0 $0x108  }
0x21: {  	s3 =	sadd.s32 s3, s9;
	s6 =	sadd.s32 @!p0 $0x88, s6;
	s7 =	simm.s32 @p2 $0x1082  }
0x22: {  	[simem:s7], [sflag:s8] =	dma.local @!p0 [hbm:s6], $0xF7A  }
0x23: {  	s9 =	sor.u32 $0xD0000000, s2;
	s6 =	simm.s32 $0x108;
	_ =	swait.ge @!p0 [sflag:s8], $0x0  }
0x24: {  	s3 =	sadd.s32 $0x88, s3;
	s6 =	simm.s32 @!p1 $0x1082;
	[sflag:s4] =	ssyncset.s32 $0xFFFFF086  }
0x25: {  	[simem:s6], [sflag:s4] =	dma.local [hbm:s3], $0xF7A  }
0x26: {  	[smem:$0x3F9C] =	sst s1;
	(tag) =	ssettag s2;
	_ =	strace s9  }
0x27: {  	s1 =	sld [smem:$0x3FAC]  }
0x28: {  	s2 =	sld [smem:$0x3FAD]  }
0x29: {  	s4 =	sld [smem:$0x3FAF]  }
0x2a: {  	p0 =	seq.s32 s5, $0x0;
	s5 =	sld [smem:$0x3FB0]  }
0x2b: {  	s6 =	sld [smem:$0x3FB1]  }
0x2c: {  	s7 =	sld [smem:$0x3FB2]  }
0x2d: {  	s3 =	simm.s32 $0x108;
	s8 =	sld [smem:$0x3FB3]  }
0x2e: {  	s3 =	simm.s32 @!p0 $0x1082;
	s9 =	sld [smem:$0x3FB4]  }
0x2f: {  	lr =	sadd.s32 s0, s3;
	s0 =	sld [smem:$0x3FAB]  }
0x30: {  	s3 =	sld [smem:$0x3FAE]  }
0x31: {  	[smem:$0x3FB7] =	sst s10  }
0x32: {  	s10 =	sld [smem:$0x3FB5];
	_ =	sdelay $0x3  }
0x33: {  	p0 =	seq.s32 s10, $0x1;
	s10 =	sld [smem:$0x3FB7];
	_ =	sdelay $0x3  }
0x34: {  	[smem:$0x3FB7] =	sst s10  }
0x35: {  	s10 =	sld [smem:$0x3FB6];
	_ =	sdelay $0x3  }
0x36: {  	p1 =	seq.s32 s10, $0x1;
	s10 =	sld [smem:$0x3FB7];
	_ =	sdelay $0x3  }
0x37: {  	[smem:$0x3FB7] =	sst s10  }
0x38: {  	s10 =	sld [smem:$0x3FB8]  }
0x39: {  	_ = 	snop;
	(pc) =	sbr.ind lr, $3  }
0x3a: {  	_ = 	snop  }
0x3b: {  	_ = 	snop  }
0x3c: {  	p2 =	seq.s32 s10, $0x1;
	s10 =	sld [smem:$0x3FB7]  }
0x3d: {  	_ =	shalt  }
0x3e: {  	_ =	shalt  }
0x3f: {  	_ =	shalt  }
0x40: {  	_ =	shalt  }
0x41: {  	_ =	shalt  }
0x42: {  	_ =	shalt  }
0x43: {  	_ =	shalt  }
0x44: {  	_ =	shalt  }
0x45: {  	_ =	shalt  }
0x46: {  	_ =	shalt  }
0x47: {  	_ =	shalt  }
0x48: {  	_ =	shalt  }
0x49: {  	_ =	shalt  }
0x4a: {  	_ =	shalt  }
0x4b: {  	_ =	shalt  }
0x4c: {  	_ =	shalt  }
0x4d: {  	_ =	shalt  }
0x4e: {  	_ =	shalt  }
0x4f: {  	_ =	shalt  }
0x50: {  	_ =	shalt  }
0x51: {  	_ =	shalt  }
0x52: {  	_ =	shalt  }
0x53: {  	_ =	shalt  }
0x54: {  	_ =	shalt  }
0x55: {  	_ =	shalt  }
0x56: {  	_ =	shalt  }
0x57: {  	_ =	shalt  }
0x58: {  	_ =	shalt  }
0x59: {  	_ =	shalt  }
0x5a: {  	_ =	shalt  }
0x5b: {  	_ =	shalt  }
0x5c: {  	_ =	shalt  }
0x5d: {  	_ =	shalt  }
0x5e: {  	_ =	shalt  }
0x5f: {  	_ =	shalt  }
0x60: {  	_ =	shalt  }
0x61: {  	_ =	shalt  }
0x62: {  	_ =	shalt  }
0x63: {  	_ =	shalt  }
0x64: {  	_ =	shalt  }
0x65: {  	_ =	shalt  }
0x66: {  	_ =	shalt  }
0x67: {  	_ =	shalt  }
0x68: {  	_ =	shalt  }
0x69: {  	_ =	shalt  }
0x6a: {  	_ =	shalt  }
0x6b: {  	_ =	shalt  }
0x6c: {  	_ =	shalt  }
0x6d: {  	_ =	shalt  }
0x6e: {  	_ =	shalt  }
0x6f: {  	_ =	shalt  }
0x70: {  	_ =	shalt  }
0x71: {  	_ =	shalt  }
0x72: {  	_ =	shalt  }
0x73: {  	_ =	shalt  }
0x74: {  	_ =	shalt  }
0x75: {  	_ =	shalt  }
0x76: {  	_ =	shalt  }
0x77: {  	_ =	shalt  }
0x78: {  	_ =	shalt  }
0x79: {  	_ =	shalt  }
0x7a: {  	_ =	shalt  }
0x7b: {  	_ =	shalt  }
0x7c: {  	_ =	shalt  }
0x7d: {  	_ =	shalt  }
0x7e: {  	_ =	shalt  }
0x7f: {  	_ =	shalt  }
0x80: {  	_ =	shalt  }
0x81: {  	_ =	shalt  }
0x82: {  	_ =	shalt  }
0x83: {  	_ =	shalt  }
0x84: {  	_ =	shalt  }
0x85: {  	_ =	shalt  }
0x86: {  	_ =	shalt  }
0x87: {  	_ =	shalt  }
.Lfunc_end0:
.L_simem_size_0:
called_computation_lowered:
.L_overlay_start_0:
0x88: {  	s2 =	sld [smem:$0x3FD9]  }
0x89: {  	s3 =	sld [smem:$0x3FFE];
	_ =	sdelay $0x1  }
0x8a: {  	s1 =	srdreg.scid  }
0x8b: {  	s0 =	sand.u32 $0x1, s1  }
0x8c: {  	s17 =	sshll.u32 s0, $0xA;
	s2 =	sadd.s32 s3, s2  }
0x8d: {  	s2 =	sadd.s32 s2, s17  }
0x8e: {  	[smem:$0x3FC3] =	sst s2  }
0x8f: {  	_ = 	snop  }
0x90: {  	s2 =	sld [smem:$0x3FC9]  }
0x91: {  	s18 =	sld [smem:$0x3FC8]  }
0x92: {  	s4 =	sld [smem:$0x3FC5]  }
0x93: {  	s5 =	sld [smem:$0x3FD0];
	(tm) =	ssettm $0x1  }
0x94: {  	s6 =	sld [smem:$0x3FFB];
	_ =	sdelay $0x3  }
0x95: {  	_ =	strace s6  }
0x96: {  	s6 =	sld [smem:$0x3FFC];
	_ =	sdelay $0x3  }
0x97: {  	_ =	strace s6  }
0x98: {  	s6 =	sld [smem:$0x3FFD];
	_ =	sdelay $0x3  }
0x99: {  	_ =	strace s6  }
0x9a: {  	_ =	strace $0x8FFFFFFF  }
0x9b: {  	s19 =	sld [smem:$0x3FDB];
	_ =	sdelay $0x1  }
0x9c: {  	s7 =	simm.s32 $_scs_section_size  }
0x9d: {  	s8 =	simm.s32 $_size__tile_overlayer_lowered;
	s9 =	simm.s32 $_tile_overlayer_lowered  }
0x9e: {  	s22 =	simm.s32 $0x1BFF;
	s21 =	sshll.u32 s9, $0x1;
	s6 =	sadd.s32 s7, s19  }
0x9f: {  	s10 =	simm.s32 $0x0;
	s20 =	sshll.u32 s8, $0x1;
	s8 =	sadd.s32 s21, s6  }
0xa0: {  	[timem:s10], [sflag:s22] =	dma.local [hbm:s8], s20  }
0xa1: {  	_ =	swait.ge [sflag:s22], s20  }
0xa2: {  	s7 =	ssub.s32 $0x0, s20;
	[sflag:s22] =	ssyncset.done $0x0  }
0xa3: {  	[sflag:s22] =	ssyncadd.s32 s7;
	_ =	sdelay $0x1  }
0xa4: {  	s23 =	simm.s32 $0x1B8B  }
0xa5: {  	_ =	swait.ge [sflag:s23], $0x1  }
0xa6: {  	[sflag:s23] =	ssyncset.done $0x0  }
0xa7: {  	s25 =	simm.s32 $0x1B8E;
	s24 =	sld [smem:$0x3FFE];
	[sflag:s23] =	ssyncadd.s32 $0xFFFFFFFF  }
0xa8: {  	s26 =	simm.s32 $execute0_lowered;
	[smem:$0x3FD2] =	sst s25  }
0xa9: {  	s8 =	sshll.u32 s26, $0x1;
	_ =	strace $0x80000046;
	[dreg:$0x1] =	wrdreg $0xFFFFFFFF  }
0xaa: {  	s28 =	simm.s32 $_size_execute0_lowered;
	s6 =	sadd.s32 s6, s8;
	[dreg:$0x0] =	wrdreg $0x0  }
0xab: {  	s8 =	sshll.u32 s28, $0x1;
	[dreg:$0x2] =	wrdreg s6  }
0xac: {  	[dreg:$0x3] =	wrdreg s8  }
0xad: {  	[dreg:$0x4] =	wrdreg $0xC0  }
0xae: {  	_ =	task [dreg:s10], $0x5FFFF  }
0xaf: {  	[dreg:$0x1] =	wrdreg $0xFFFFFFFF  }
0xb0: {  	[dreg:$0x0] =	wrdreg $0x60  }
0xb1: {  	[dreg:$0x2] =	wrdreg s2  }
0xb2: {  	[dreg:$0x3] =	wrdreg s18  }
0xb3: {  	[dreg:$0x4] =	wrdreg s24  }
0xb4: {  	[dreg:$0x5] =	wrdreg s4  }
0xb5: {  	[dreg:$0x6] =	wrdreg s5  }
0xb6: {  	[dreg:$0x7] =	wrdreg $0x9  }
0xb7: {  	_ =	task.clear_ibuf [dreg:s10], $0x8FFFF;
	_ =	strace $0x90000046  }
0xb8: {  	s29 =	simm.s32 $0x9;
	_ =	strace $0x80000048  }
0xb9: {  	_ =	swait.ge [sflag:s29], $0x1  }
0xba: {  	[sflag:s29] =	ssyncadd.s32 $0xFFFFFFFF  }
0xbb: {  	_ =	strace $0x90000048  }
0xbc: {  	_ =	sfence  }
0xbd: {  	s30 =	sld [smem:$0x0];
	_ =	sdelay $0x2  }
0xbe: {  	s31 =	sshll.u32 s1, $0xD;
	s1 =	sshrl.u32 s1, $0x2  }
0xbf: {  	s3 =	sand.u32 $0x4000, s31;
	s1 =	sadd.s32 s1, s30  }
0xc0: {  	s0 =	sor.u32 s3, s0;
	s1 =	sshll.u32 s1, $0x11  }
0xc1: {  	s0 =	sor.u32 s1, s0  }
0xc2: {  	s0 =	sadd.s32 $0x8F2B, s0  }
0xc3: {  	[sflag:s0] =	ssyncadd.remote.s32 $0x1  }
0xc4: {  	_ =	sfence.sel $0xFFFF  }
0xc5: {  	[dreg:$0x0] =	wrdreg $0xFFFFFFFF;
	(pc) =	sbr.abs _section_cstart, $3  }
0xc6: {  	[dreg:$0x1] =	wrdreg $0xFFFFFFFF  }
0xc7: {  	_ =	task.clear_ibuf [dreg:s10], $0x2FFFF;
	_ =	strace $0x9FFFFFFF  }
0xc8: {  	(tm) =	ssettm $0x7FFFFFFF  }
0xc9: {  	_ =	shalt  }
tec
execute0_lowered:
.L_overlay_start_1:
0x0: {  	(tag) =	ssettag $0x1  }
0x1: {  	s0 =	rddreg [dreg:$0x0]  }
0x2: {  	s1 =	rddreg [dreg:$0x1]  }
0x3: {  	s2 =	rddreg [dreg:$0x2]  }
0x4: {  	s8 =	rddreg [dreg:$0x4];
	s3 =	simm.s32 $0x0;
	s4 =	srdreg.scid  }
0x5: {  	s5 =	stileid.u32;
	s11 =	simm.s32 $0x200;
	s12 =	simm.s32 $0x80  }
0x6: {  	s13 =	simm.s32 $0xC00;
	s14 =	simm.s32 $0x4C00;
	s16 =	simm.s32 $0x8C00  }
0x7: {  	s18 =	simm.s32 $0xAC00;
	s15 =	simm.s32 $0x180;
	s17 =	simm.s32 $0x3C00  }
0x8: {  	s19 =	simm.s32 $0x380;
	s20 =	simm.s32 $0x7C00;
	s21 =	simm.s32 $0x580  }
0x9: {  	s22 =	simm.s32 $0xA400;
	s23 =	simm.s32 $0x780;
	s24 =	simm.s32 $0xC400  }
0xa: {  	s25 =	simm.s32 $0xCC00;
	s26 =	simm.s32 $0x1;
	s28 =	simm.s32 $0xCC10  }
0xb: {  	s29 =	simm.s32 $0x0;
	[smem:$0x7FF] =	sst s3;
	s4 =	sand.u32 $0x1, s4  }
0xc: {  	s5 =	sshll.u32 s5, $0x7;
	_ =	strace $0x80000047;
	s6 =	ssub.s32 $0x2, s4  }
0xd: {  	s7 =	sshll.u32 s4, $0x6;
	s4 =	sadd.s32 $0xF42800, s2;
	s9 =	sshrl.u32 s6, $0x1  }
0xe: {  	s10 =	sor.u32 s7, s5;
	s5 =	sadd.s32 $0x400, s2;
	s31 =	ssub.s32 s6, s9  }
0xf: {  	s6 =	sadd.s32 s0, s10;
	s7 =	sadd.s32 s1, s10;
	s8 =	sadd.s32 s8, s10  }
0x10: {  	v0 =	vlaneseq.u32;
	s10 =	simm.s32 $0x2;
	s1 =	simm.s32 $0xBC00;
	s9 =	smax.u32 s31, $0x1  }
.LBB2_1:
0x11: {  	[tilespmem:s3], [sflag:$0x2] =	stream.linear.gather [hbm4b:s6+s3], $0x200, $0x38;
	[tilespmem:$0xCE10] =	vst v63  }
0x12: {  	_ =	swait.ge [sflag:s10], $0x200  }
0x13: {  	[sflag:s10] =	ssyncset.done $0x0  }
0x14: {  	[sflag:s10] =	ssyncadd.s32 $0xFFFFFE00  }
0x15: {  	[tilespmem:s11], [sflag:$0x2] =	stream.linear.gather [hbm4b:s7+s3], $0x200, $0x38;
	[tilespmem:$0xCE10] =	vst v63  }
0x16: {  	_ =	swait.ge [sflag:s10], $0x200  }
0x17: {  	[sflag:s10] =	ssyncset.done $0x0  }
0x18: {  	[sflag:s10] =	ssyncadd.s32 $0xFFFFFE00  }
0x19: {  	v1 =	vld [tilespmem:$0x0];
	_ =	sdelay $0x1  }
0x1a: {  	v2 =	vld [tilespmem:$0x200];
	_ =	sdelay $0x1  }
0x1b: {  	v3 =	vld [tilespmem:$0x10]  }
0x1c: {  	v5 =	vld [tilespmem:$0x210];
	v4 =	vshrl.u32 v1, $0x4  }
0x1d: {  	v1 =	vand.u32 $0xF, v1;
	[tilespmem:$0x400] =	vst v4  }
0x1e: {  	v4 =	vshrl.u32 v2, $0x4;
	[tilespmem:$0x800] =	vst v1  }
0x1f: {  	v1 =	vand.u32 $0xF, v2;
	v2 =	vld [tilespmem:$0x20];
	[tilespmem:$0x600] =	vst v4  }
0x20: {  	[tilespmem:$0xA00] =	vst v1;
	v1 =	vshrl.u32 v3, $0x4;
	v4 =	vld [tilespmem:$0x220]  }
0x21: {  	[tilespmem:$0x410] =	vst v1;
	v1 =	vshrl.u32 v5, $0x4  }
0x22: {  	[tilespmem:$0x610] =	vst v1;
	v1 =	vand.u32 $0xF, v3  }
0x23: {  	v3 =	vld [tilespmem:$0x30];
	[tilespmem:$0x810] =	vst v1;
	v1 =	vand.u32 $0xF, v5  }
0x24: {  	v5 =	vld [tilespmem:$0x230];
	[tilespmem:$0xA10] =	vst v1;
	v1 =	vshrl.u32 v2, $0x4  }
0x25: {  	[tilespmem:$0x420] =	vst v1;
	v1 =	vshrl.u32 v4, $0x4  }
0x26: {  	[tilespmem:$0x620] =	vst v1;
	v1 =	vand.u32 $0xF, v2  }
0x27: {  	v2 =	vld [tilespmem:$0x40];
	[tilespmem:$0x820] =	vst v1;
	v1 =	vand.u32 $0xF, v4  }
0x28: {  	v4 =	vld [tilespmem:$0x240];
	[tilespmem:$0xA20] =	vst v1;
	v1 =	vshrl.u32 v3, $0x4  }
0x29: {  	[tilespmem:$0x430] =	vst v1;
	v1 =	vshrl.u32 v5, $0x4  }
0x2a: {  	[tilespmem:$0x630] =	vst v1;
	v1 =	vand.u32 $0xF, v3  }
0x2b: {  	v3 =	vld [tilespmem:$0x50];
	[tilespmem:$0x830] =	vst v1;
	v1 =	vand.u32 $0xF, v5  }
0x2c: {  	v5 =	vld [tilespmem:$0x250];
	[tilespmem:$0xA30] =	vst v1;
	v1 =	vshrl.u32 v2, $0x4  }
0x2d: {  	[tilespmem:$0x440] =	vst v1;
	v1 =	vshrl.u32 v4, $0x4  }
0x2e: {  	[tilespmem:$0x640] =	vst v1;
	v1 =	vand.u32 $0xF, v2  }
0x2f: {  	v2 =	vld [tilespmem:$0x60];
	[tilespmem:$0x840] =	vst v1;
	v1 =	vand.u32 $0xF, v4  }
0x30: {  	v4 =	vld [tilespmem:$0x260];
	[tilespmem:$0xA40] =	vst v1;
	v1 =	vshrl.u32 v3, $0x4  }
0x31: {  	[tilespmem:$0x450] =	vst v1;
	v1 =	vshrl.u32 v5, $0x4  }
0x32: {  	[tilespmem:$0x650] =	vst v1;
	v1 =	vand.u32 $0xF, v3  }
0x33: {  	v3 =	vld [tilespmem:$0x70];
	[tilespmem:$0x850] =	vst v1;
	v1 =	vand.u32 $0xF, v5  }
0x34: {  	v5 =	vld [tilespmem:$0x270];
	[tilespmem:$0xA50] =	vst v1;
	v1 =	vshrl.u32 v2, $0x4  }
0x35: {  	[tilespmem:$0x460] =	vst v1;
	v1 =	vshrl.u32 v4, $0x4  }
0x36: {  	[tilespmem:$0x660] =	vst v1;
	v1 =	vand.u32 $0xF, v2  }
0x37: {  	v2 =	vld [tilespmem:$0x80];
	[tilespmem:$0x860] =	vst v1;
	v1 =	vand.u32 $0xF, v4  }
0x38: {  	v4 =	vld [tilespmem:$0x280];
	[tilespmem:$0xA60] =	vst v1;
	v1 =	vshrl.u32 v3, $0x4  }
0x39: {  	[tilespmem:$0x470] =	vst v1;
	v1 =	vshrl.u32 v5, $0x4  }
0x3a: {  	[tilespmem:$0x670] =	vst v1;
	v1 =	vand.u32 $0xF, v3  }
0x3b: {  	v3 =	vld [tilespmem:$0x90];
	[tilespmem:$0x870] =	vst v1;
	v1 =	vand.u32 $0xF, v5  }
0x3c: {  	v5 =	vld [tilespmem:$0x290];
	[tilespmem:$0xA70] =	vst v1;
	v1 =	vshrl.u32 v2, $0x4  }
0x3d: {  	[tilespmem:$0x480] =	vst v1;
	v1 =	vshrl.u32 v4, $0x4  }
0x3e: {  	[tilespmem:$0x680] =	vst v1;
	v1 =	vand.u32 $0xF, v2  }
0x3f: {  	v2 =	vld [tilespmem:$0xA0];
	[tilespmem:$0x880] =	vst v1;
	v1 =	vand.u32 $0xF, v4  }
0x40: {  	v4 =	vld [tilespmem:$0x2A0];
	[tilespmem:$0xA80] =	vst v1;
	v1 =	vshrl.u32 v3, $0x4  }
0x41: {  	[tilespmem:$0x490] =	vst v1;
	v1 =	vshrl.u32 v5, $0x4  }
0x42: {  	[tilespmem:$0x690] =	vst v1;
	v1 =	vand.u32 $0xF, v3  }
0x43: {  	v3 =	vld [tilespmem:$0xB0];
	[tilespmem:$0x890] =	vst v1;
	v1 =	vand.u32 $0xF, v5  }
0x44: {  	v5 =	vld [tilespmem:$0x2B0];
	[tilespmem:$0xA90] =	vst v1;
	v1 =	vshrl.u32 v2, $0x4  }
0x45: {  	[tilespmem:$0x4A0] =	vst v1;
	v1 =	vshrl.u32 v4, $0x4  }
0x46: {  	[tilespmem:$0x6A0] =	vst v1;
	v1 =	vand.u32 $0xF, v2  }
0x47: {  	v2 =	vld [tilespmem:$0xC0];
	[tilespmem:$0x8A0] =	vst v1;
	v1 =	vand.u32 $0xF, v4  }
0x48: {  	v4 =	vld [tilespmem:$0x2C0];
	[tilespmem:$0xAA0] =	vst v1;
	v1 =	vshrl.u32 v3, $0x4  }
0x49: {  	[tilespmem:$0x4B0] =	vst v1;
	v1 =	vshrl.u32 v5, $0x4  }
0x4a: {  	[tilespmem:$0x6B0] =	vst v1;
	v1 =	vand.u32 $0xF, v3  }
0x4b: {  	v3 =	vld [tilespmem:$0xD0];
	[tilespmem:$0x8B0] =	vst v1;
	v1 =	vand.u32 $0xF, v5  }
0x4c: {  	v5 =	vld [tilespmem:$0x2D0];
	[tilespmem:$0xAB0] =	vst v1;
	v1 =	vshrl.u32 v2, $0x4  }
0x4d: {  	[tilespmem:$0x4C0] =	vst v1;
	v1 =	vshrl.u32 v4, $0x4  }
0x4e: {  	[tilespmem:$0x6C0] =	vst v1;
	v1 =	vand.u32 $0xF, v2  }
0x4f: {  	v2 =	vld [tilespmem:$0xE0];
	[tilespmem:$0x8C0] =	vst v1;
	v1 =	vand.u32 $0xF, v4  }
0x50: {  	v4 =	vld [tilespmem:$0x2E0];
	[tilespmem:$0xAC0] =	vst v1;
	v1 =	vshrl.u32 v3, $0x4  }
0x51: {  	[tilespmem:$0x4D0] =	vst v1;
	v1 =	vshrl.u32 v5, $0x4  }
0x52: {  	[tilespmem:$0x6D0] =	vst v1;
	v1 =	vand.u32 $0xF, v3  }
0x53: {  	v3 =	vld [tilespmem:$0xF0];
	[tilespmem:$0x8D0] =	vst v1;
	v1 =	vand.u32 $0xF, v5  }
0x54: {  	v5 =	vld [tilespmem:$0x2F0];
	[tilespmem:$0xAD0] =	vst v1;
	v1 =	vshrl.u32 v2, $0x4  }
0x55: {  	[tilespmem:$0x4E0] =	vst v1;
	v1 =	vshrl.u32 v4, $0x4  }
0x56: {  	[tilespmem:$0x6E0] =	vst v1;
	v1 =	vand.u32 $0xF, v2  }
0x57: {  	v2 =	vld [tilespmem:$0x100];
	[tilespmem:$0x8E0] =	vst v1;
	v1 =	vand.u32 $0xF, v4  }
0x58: {  	v4 =	vld [tilespmem:$0x300];
	[tilespmem:$0xAE0] =	vst v1;
	v1 =	vshrl.u32 v3, $0x4  }
0x59: {  	[tilespmem:$0x4F0] =	vst v1;
	v1 =	vshrl.u32 v5, $0x4  }
0x5a: {  	[tilespmem:$0x6F0] =	vst v1;
	v1 =	vand.u32 $0xF, v3  }
0x5b: {  	v3 =	vld [tilespmem:$0x110];
	[tilespmem:$0x8F0] =	vst v1;
	v1 =	vand.u32 $0xF, v5  }
0x5c: {  	v5 =	vld [tilespmem:$0x310];
	[tilespmem:$0xAF0] =	vst v1;
	v1 =	vshrl.u32 v2, $0x4  }
0x5d: {  	[tilespmem:$0x500] =	vst v1;
	v1 =	vshrl.u32 v4, $0x4  }
0x5e: {  	[tilespmem:$0x700] =	vst v1;
	v1 =	vand.u32 $0xF, v2  }
0x5f: {  	v2 =	vld [tilespmem:$0x120];
	[tilespmem:$0x900] =	vst v1;
	v1 =	vand.u32 $0xF, v4  }
0x60: {  	v4 =	vld [tilespmem:$0x320];
	[tilespmem:$0xB00] =	vst v1;
	v1 =	vshrl.u32 v3, $0x4  }
0x61: {  	[tilespmem:$0x510] =	vst v1;
	v1 =	vshrl.u32 v5, $0x4  }
0x62: {  	[tilespmem:$0x710] =	vst v1;
	v1 =	vand.u32 $0xF, v3  }
0x63: {  	v3 =	vld [tilespmem:$0x130];
	[tilespmem:$0x910] =	vst v1;
	v1 =	vand.u32 $0xF, v5  }
0x64: {  	v5 =	vld [tilespmem:$0x330];
	[tilespmem:$0xB10] =	vst v1;
	v1 =	vshrl.u32 v2, $0x4  }
0x65: {  	[tilespmem:$0x520] =	vst v1;
	v1 =	vshrl.u32 v4, $0x4  }
0x66: {  	[tilespmem:$0x720] =	vst v1;
	v1 =	vand.u32 $0xF, v2  }
0x67: {  	v2 =	vld [tilespmem:$0x140];
	[tilespmem:$0x920] =	vst v1;
	v1 =	vand.u32 $0xF, v4  }
0x68: {  	v4 =	vld [tilespmem:$0x340];
	[tilespmem:$0xB20] =	vst v1;
	v1 =	vshrl.u32 v3, $0x4  }
0x69: {  	[tilespmem:$0x530] =	vst v1;
	v1 =	vshrl.u32 v5, $0x4  }
0x6a: {  	[tilespmem:$0x730] =	vst v1;
	v1 =	vand.u32 $0xF, v3  }
0x6b: {  	v3 =	vld [tilespmem:$0x150];
	[tilespmem:$0x930] =	vst v1;
	v1 =	vand.u32 $0xF, v5  }
0x6c: {  	v5 =	vld [tilespmem:$0x350];
	[tilespmem:$0xB30] =	vst v1;
	v1 =	vshrl.u32 v2, $0x4  }
0x6d: {  	[tilespmem:$0x540] =	vst v1;
	v1 =	vshrl.u32 v4, $0x4  }
0x6e: {  	[tilespmem:$0x740] =	vst v1;
	v1 =	vand.u32 $0xF, v2  }
0x6f: {  	v2 =	vld [tilespmem:$0x160];
	[tilespmem:$0x940] =	vst v1;
	v1 =	vand.u32 $0xF, v4  }
0x70: {  	v4 =	vld [tilespmem:$0x360];
	[tilespmem:$0xB40] =	vst v1;
	v1 =	vshrl.u32 v3, $0x4  }
0x71: {  	[tilespmem:$0x550] =	vst v1;
	v1 =	vshrl.u32 v5, $0x4  }
0x72: {  	[tilespmem:$0x750] =	vst v1;
	v1 =	vand.u32 $0xF, v3  }
0x73: {  	v3 =	vld [tilespmem:$0x170];
	[tilespmem:$0x950] =	vst v1;
	v1 =	vand.u32 $0xF, v5  }
0x74: {  	v5 =	vld [tilespmem:$0x370];
	[tilespmem:$0xB50] =	vst v1;
	v1 =	vshrl.u32 v2, $0x4  }
0x75: {  	[tilespmem:$0x560] =	vst v1;
	v1 =	vshrl.u32 v4, $0x4  }
0x76: {  	[tilespmem:$0x760] =	vst v1;
	v1 =	vand.u32 $0xF, v2  }
0x77: {  	v2 =	vld [tilespmem:$0x180];
	[tilespmem:$0x960] =	vst v1;
	v1 =	vand.u32 $0xF, v4  }
0x78: {  	v4 =	vld [tilespmem:$0x380];
	[tilespmem:$0xB60] =	vst v1;
	v1 =	vshrl.u32 v3, $0x4  }
0x79: {  	[tilespmem:$0x570] =	vst v1;
	v1 =	vshrl.u32 v5, $0x4  }
0x7a: {  	[tilespmem:$0x770] =	vst v1;
	v1 =	vand.u32 $0xF, v3  }
0x7b: {  	v3 =	vld [tilespmem:$0x190];
	[tilespmem:$0x970] =	vst v1;
	v1 =	vand.u32 $0xF, v5  }
0x7c: {  	v5 =	vld [tilespmem:$0x390];
	[tilespmem:$0xB70] =	vst v1;
	v1 =	vshrl.u32 v2, $0x4  }
0x7d: {  	[tilespmem:$0x580] =	vst v1;
	v1 =	vshrl.u32 v4, $0x4  }
0x7e: {  	[tilespmem:$0x780] =	vst v1;
	v1 =	vand.u32 $0xF, v2  }
0x7f: {  	v2 =	vld [tilespmem:$0x1A0];
	[tilespmem:$0x980] =	vst v1;
	v1 =	vand.u32 $0xF, v4  }
0x80: {  	v4 =	vld [tilespmem:$0x3A0];
	[tilespmem:$0xB80] =	vst v1;
	v1 =	vshrl.u32 v3, $0x4  }
0x81: {  	[tilespmem:$0x590] =	vst v1;
	v1 =	vshrl.u32 v5, $0x4  }
0x82: {  	[tilespmem:$0x790] =	vst v1;
	v1 =	vand.u32 $0xF, v3  }
0x83: {  	v3 =	vld [tilespmem:$0x1B0];
	[tilespmem:$0x990] =	vst v1;
	v1 =	vand.u32 $0xF, v5  }
0x84: {  	v5 =	vld [tilespmem:$0x3B0];
	[tilespmem:$0xB90] =	vst v1;
	v1 =	vshrl.u32 v2, $0x4  }
0x85: {  	[tilespmem:$0x5A0] =	vst v1;
	v1 =	vshrl.u32 v4, $0x4  }
0x86: {  	[tilespmem:$0x7A0] =	vst v1;
	v1 =	vand.u32 $0xF, v2  }
0x87: {  	v2 =	vld [tilespmem:$0x1C0];
	[tilespmem:$0x9A0] =	vst v1;
	v1 =	vand.u32 $0xF, v4  }
0x88: {  	v4 =	vld [tilespmem:$0x3C0];
	[tilespmem:$0xBA0] =	vst v1;
	v1 =	vshrl.u32 v3, $0x4  }
0x89: {  	[tilespmem:$0x5B0] =	vst v1;
	v1 =	vshrl.u32 v5, $0x4  }
0x8a: {  	[tilespmem:$0x7B0] =	vst v1;
	v1 =	vand.u32 $0xF, v3  }
0x8b: {  	v3 =	vld [tilespmem:$0x1D0];
	[tilespmem:$0x9B0] =	vst v1;
	v1 =	vand.u32 $0xF, v5  }
0x8c: {  	v5 =	vld [tilespmem:$0x3D0];
	[tilespmem:$0xBB0] =	vst v1;
	v1 =	vshrl.u32 v2, $0x4  }
0x8d: {  	[tilespmem:$0x5C0] =	vst v1;
	v1 =	vshrl.u32 v4, $0x4  }
0x8e: {  	[tilespmem:$0x7C0] =	vst v1;
	v1 =	vand.u32 $0xF, v2  }
0x8f: {  	v2 =	vld [tilespmem:$0x1E0];
	[tilespmem:$0x9C0] =	vst v1;
	v1 =	vand.u32 $0xF, v4  }
0x90: {  	v4 =	vld [tilespmem:$0x3E0];
	[tilespmem:$0xBC0] =	vst v1;
	v1 =	vshrl.u32 v3, $0x4  }
0x91: {  	[tilespmem:$0x5D0] =	vst v1;
	v1 =	vshrl.u32 v5, $0x4  }
0x92: {  	[tilespmem:$0x7D0] =	vst v1;
	v1 =	vand.u32 $0xF, v3  }
0x93: {  	v3 =	vld [tilespmem:$0x1F0];
	[tilespmem:$0x9D0] =	vst v1;
	v1 =	vand.u32 $0xF, v5  }
0x94: {  	v5 =	vld [tilespmem:$0x3F0];
	[tilespmem:$0xBD0] =	vst v1;
	v1 =	vshrl.u32 v2, $0x4  }
0x95: {  	[tilespmem:$0x5E0] =	vst v1;
	v1 =	vshrl.u32 v4, $0x4  }
0x96: {  	[tilespmem:$0x7E0] =	vst v1;
	v1 =	vand.u32 $0xF, v2  }
0x97: {  	[tilespmem:$0x9E0] =	vst v1;
	v1 =	vand.u32 $0xF, v4  }
0x98: {  	[tilespmem:$0xBE0] =	vst v1;
	v1 =	vshrl.u32 v3, $0x4  }
0x99: {  	[tilespmem:$0x5F0] =	vst v1;
	v1 =	vshrl.u32 v5, $0x4  }
0x9a: {  	[tilespmem:$0x7F0] =	vst v1;
	v1 =	vand.u32 $0xF, v3  }
0x9b: {  	[tilespmem:$0x9F0] =	vst v1;
	v1 =	vand.u32 $0xF, v5  }
0x9c: {  	[tilespmem:$0xBF0] =	vst v1  }
0x9d: {  	[tilespmem:s13], [sflag:$0x1] =	stream.indirect.gather [hbm4b:s4+s12], $0x20, s3, s12, $0xb8;
	[tilespmem:$0xCE10] =	vst v63  }
0x9e: {  	_ = 	snop  }
0x9f: {  	[tilespmem:s14], [sflag:$0x1] =	stream.indirect.gather [hbm4b:s4+s12], $0x20, s11, s12, $0xb8;
	[tilespmem:$0xCE10] =	vst v63  }
0xa0: {  	s0 =	simm.s32 $0x400  }
0xa1: {  	[tilespmem:s16], [sflag:$0x1] =	stream.indirect.gather [hbm4b:s5+s12], $0x10, s0, s12, $0xb8;
	[tilespmem:$0xCE10] =	vst v63  }
0xa2: {  	s2 =	simm.s32 $0x600  }
0xa3: {  	[tilespmem:s18], [sflag:$0x1] =	stream.indirect.gather [hbm4b:s5+s12], $0x10, s2, s12, $0xb8;
	[tilespmem:$0xCE10] =	vst v63  }
0xa4: {  	s2 =	simm.s32 $0x1C00  }
0xa5: {  	[tilespmem:s2], [sflag:$0x1] =	stream.indirect.gather [hbm4b:s4+s12], $0x20, s12, s12, $0xb8;
	[tilespmem:$0xCE10] =	vst v63  }
0xa6: {  	s0 =	simm.s32 $0x280;
	s2 =	simm.s32 $0x5C00  }
0xa7: {  	[tilespmem:s2], [sflag:$0x1] =	stream.indirect.gather [hbm4b:s4+s12], $0x20, s0, s12, $0xb8;
	[tilespmem:$0xCE10] =	vst v63  }
0xa8: {  	s0 =	simm.s32 $0x480;
	s2 =	simm.s32 $0x9400  }
0xa9: {  	[tilespmem:s2], [sflag:$0x1] =	stream.indirect.gather [hbm4b:s5+s12], $0x10, s0, s12, $0xb8;
	[tilespmem:$0xCE10] =	vst v63  }
0xaa: {  	s0 =	simm.s32 $0x680;
	s2 =	simm.s32 $0xB400  }
0xab: {  	[tilespmem:s2], [sflag:$0x1] =	stream.indirect.gather [hbm4b:s5+s12], $0x10, s0, s12, $0xb8;
	[tilespmem:$0xCE10] =	vst v63  }
0xac: {  	s0 =	simm.s32 $0x100;
	s2 =	simm.s32 $0x2C00  }
0xad: {  	[tilespmem:s2], [sflag:$0x1] =	stream.indirect.gather [hbm4b:s4+s12], $0x20, s0, s12, $0xb8;
	[tilespmem:$0xCE10] =	vst v63  }
0xae: {  	s0 =	simm.s32 $0x300;
	s2 =	simm.s32 $0x6C00  }
0xaf: {  	[tilespmem:s2], [sflag:$0x1] =	stream.indirect.gather [hbm4b:s4+s12], $0x20, s0, s12, $0xb8;
	[tilespmem:$0xCE10] =	vst v63  }
0xb0: {  	s0 =	simm.s32 $0x500;
	s2 =	simm.s32 $0x9C00  }
0xb1: {  	[tilespmem:s2], [sflag:$0x1] =	stream.indirect.gather [hbm4b:s5+s12], $0x10, s0, s12, $0xb8;
	[tilespmem:$0xCE10] =	vst v63  }
0xb2: {  	s2 =	simm.s32 $0x700  }
0xb3: {  	[tilespmem:s1], [sflag:$0x1] =	stream.indirect.gather [hbm4b:s5+s12], $0x10, s2, s12, $0xb8;
	[tilespmem:$0xCE10] =	vst v63  }
0xb4: {  	_ = 	snop  }
0xb5: {  	[tilespmem:s17], [sflag:$0x1] =	stream.indirect.gather [hbm4b:s4+s12], $0x20, s15, s12, $0xb8;
	[tilespmem:$0xCE10] =	vst v63  }
0xb6: {  	_ = 	snop  }
0xb7: {  	[tilespmem:s20], [sflag:$0x1] =	stream.indirect.gather [hbm4b:s4+s12], $0x20, s19, s12, $0xb8;
	[tilespmem:$0xCE10] =	vst v63  }
0xb8: {  	_ = 	snop  }
0xb9: {  	[tilespmem:s22], [sflag:$0x1] =	stream.indirect.gather [hbm4b:s5+s12], $0x10, s21, s12, $0xb8;
	[tilespmem:$0xCE10] =	vst v63  }
0xba: {  	_ = 	snop  }
0xbb: {  	[tilespmem:s24], [sflag:$0x1] =	stream.indirect.gather [hbm4b:s5+s12], $0x10, s23, s12, $0xb8;
	[tilespmem:$0xCE10] =	vst v63  }
0xbc: {  	s2 =	rddreg [dreg:$0x3]  }
0xbd: {  	[tilespmem:s25], [sflag:$0x2] =	stream.linear.gather [hbm4b:s2+s3], $0x10, $0x38;
	[tilespmem:$0xCE10] =	vst v63  }
0xbe: {  	_ =	swait.ge [sflag:s10], $0x10  }
0xbf: {  	[sflag:s10] =	ssyncset.done $0x0  }
0xc0: {  	[sflag:s10] =	ssyncadd.s32 $0xFFFFFFF0  }
0xc1: {  	_ =	swait.ge [sflag:s26], $0x1000  }
0xc2: {  	[sflag:s26] =	ssyncset.done $0x0  }
0xc3: {  	[sflag:s26] =	ssyncadd.s32 $0xFFFFF000  }
0xc4: {  	_ =	swait.ge [sflag:s26], $0x1000  }
0xc5: {  	[sflag:s26] =	ssyncset.done $0x0  }
0xc6: {  	[sflag:s26] =	ssyncadd.s32 $0xFFFFF000  }
0xc7: {  	_ =	swait.ge [sflag:s26], $0x800  }
0xc8: {  	[sflag:s26] =	ssyncset.done $0x0  }
0xc9: {  	[sflag:s26] =	ssyncadd.s32 $0xFFFFF800  }
0xca: {  	_ =	swait.ge [sflag:s26], $0x800  }
0xcb: {  	[sflag:s26] =	ssyncset.done $0x0  }
0xcc: {  	[sflag:s26] =	ssyncadd.s32 $0xFFFFF800  }
0xcd: {  	_ =	swait.ge [sflag:s26], $0x1000  }
0xce: {  	[sflag:s26] =	ssyncset.done $0x0  }
0xcf: {  	[sflag:s26] =	ssyncadd.s32 $0xFFFFF000  }
0xd0: {  	_ =	swait.ge [sflag:s26], $0x1000  }
0xd1: {  	[sflag:s26] =	ssyncset.done $0x0  }
0xd2: {  	[sflag:s26] =	ssyncadd.s32 $0xFFFFF000  }
0xd3: {  	_ =	swait.ge [sflag:s26], $0x800  }
0xd4: {  	[sflag:s26] =	ssyncset.done $0x0  }
0xd5: {  	[sflag:s26] =	ssyncadd.s32 $0xFFFFF800  }
0xd6: {  	_ =	swait.ge [sflag:s26], $0x800  }
0xd7: {  	[sflag:s26] =	ssyncset.done $0x0  }
0xd8: {  	[sflag:s26] =	ssyncadd.s32 $0xFFFFF800  }
0xd9: {  	_ =	swait.ge [sflag:s26], $0x1000  }
0xda: {  	[sflag:s26] =	ssyncset.done $0x0  }
0xdb: {  	[sflag:s26] =	ssyncadd.s32 $0xFFFFF000  }
0xdc: {  	_ =	swait.ge [sflag:s26], $0x1000  }
0xdd: {  	[sflag:s26] =	ssyncset.done $0x0  }
0xde: {  	[sflag:s26] =	ssyncadd.s32 $0xFFFFF000  }
0xdf: {  	_ =	swait.ge [sflag:s26], $0x800  }
0xe0: {  	[sflag:s26] =	ssyncset.done $0x0  }
0xe1: {  	[sflag:s26] =	ssyncadd.s32 $0xFFFFF800  }
0xe2: {  	_ =	swait.ge [sflag:s26], $0x800  }
0xe3: {  	[sflag:s26] =	ssyncset.done $0x0  }
0xe4: {  	[sflag:s26] =	ssyncadd.s32 $0xFFFFF800  }
0xe5: {  	_ =	swait.ge [sflag:s26], $0x1000  }
0xe6: {  	[sflag:s26] =	ssyncset.done $0x0  }
0xe7: {  	[sflag:s26] =	ssyncadd.s32 $0xFFFFF000  }
0xe8: {  	_ =	swait.ge [sflag:s26], $0x1000  }
0xe9: {  	[sflag:s26] =	ssyncset.done $0x0  }
0xea: {  	v1 =	vor.u32 s3, v0;
	[sflag:s26] =	ssyncadd.s32 $0xFFFFF000  }
0xeb: {  	v2 =	vshll.u32 v1, $0x5;
	_ =	swait.ge [sflag:s26], $0x800  }
0xec: {  	v3 =	vor.u32 $0x1, v2;
	[sflag:s26] =	ssyncset.done $0x0  }
0xed: {  	[sflag:s26] =	ssyncadd.s32 $0xFFFFF800  }
0xee: {  	_ =	swait.ge [sflag:s26], $0x800  }
0xef: {  	[sflag:s26] =	ssyncset.done $0x0  }
0xf0: {  	v4 =	vor.u32 $0x2, v2;
	[sflag:s26] =	ssyncadd.s32 $0xFFFFF800  }
0xf1: {  	v5 =	vld.idx.msk [tilespmem:v3+s14+$0x0], $0xffff  }
0xf2: {  	v6 =	vor.u32 $0x3, v2;
	v3 =	vld.idx.msk [tilespmem:v3+s13+$0x0], $0xffff  }
0xf3: {  	v7 =	vld.idx.msk [tilespmem:v2+s14+$0x0], $0xffff  }
0xf4: {  	v9 =	vor.u32 $0x4, v2;
	v8 =	vld.idx.msk [tilespmem:v2+s13+$0x0], $0xffff  }
0xf5: {  	v10 =	vld.idx.msk [tilespmem:v4+s14+$0x0], $0xffff  }
0xf6: {  	v11 =	vor.u32 $0x5, v2;
	v4 =	vld.idx.msk [tilespmem:v4+s13+$0x0], $0xffff  }
0xf7: {  	v12 =	vld.idx.msk [tilespmem:v6+s14+$0x0], $0xffff  }
0xf8: {  	v13 =	vor.u32 $0x6, v2;
	v6 =	vld.idx.msk [tilespmem:v6+s13+$0x0], $0xffff  }
0xf9: {  	v14 =	vld.idx.msk [tilespmem:v9+s14+$0x0], $0xffff;
	v7 =	vsub.f32 v8, v7;
	v3 =	vsub.f32 v3, v5  }
0xfa: {  	v5 =	vld.idx.msk [tilespmem:v9+s13+$0x0], $0xffff;
	v8 =	vor.u32 $0x7, v2  }
0xfb: {  	v62 =	vld.idx.msk [tilespmem:v11+s14+$0x0], $0xffff;
	v4 =	vsub.f32 v4, v10;
	v7 =	vmul.f32 v7, v7;
	v3 =	vmul.f32 v3, v3  }
0xfc: {  	v63 =	vor.u32 $0x8, v2;
	v11 =	vld.idx.msk [tilespmem:v11+s13+$0x0], $0xffff  }
0xfd: {  	v15 =	vld.idx.msk [tilespmem:v13+s14+$0x0], $0xffff;
	v6 =	vsub.f32 v6, v12;
	v4 =	vmul.f32 v4, v4;
	v3 =	vadd.f32 v3, v7  }
0xfe: {  	v17 =	vld.idx.msk [tilespmem:v13+s13+$0x0], $0xffff;
	v7 =	vor.u32 $0x9, v2  }
0xff: {  	v18 =	vld.idx.msk [tilespmem:v8+s14+$0x0], $0xffff;
	v5 =	vsub.f32 v5, v14;
	v3 =	vadd.f32 v4, v3;
	v4 =	vmul.f32 v6, v6  }
0x100: {  	v8 =	vld.idx.msk [tilespmem:v8+s13+$0x0], $0xffff;
	v6 =	vor.u32 $0xA, v2  }
0x101: {  	v19 =	vld.idx.msk [tilespmem:v63+s14+$0x0], $0xffff;
	v3 =	vadd.f32 v4, v3;
	v4 =	vmul.f32 v5, v5;
	v5 =	vsub.f32 v11, v62  }
0x102: {  	v20 =	vor.u32 $0xB, v2;
	v10 =	vld.idx.msk [tilespmem:v63+s13+$0x0], $0xffff  }
0x103: {  	v21 =	vld.idx.msk [tilespmem:v7+s14+$0x0], $0xffff;
	v3 =	vadd.f32 v4, v3;
	v4 =	vmul.f32 v5, v5;
	v5 =	vsub.f32 v17, v15  }
0x104: {  	v22 =	vor.u32 $0xC, v2;
	v7 =	vld.idx.msk [tilespmem:v7+s13+$0x0], $0xffff  }
0x105: {  	v23 =	vld.idx.msk [tilespmem:v6+s14+$0x0], $0xffff;
	v3 =	vadd.f32 v4, v3;
	v4 =	vmul.f32 v5, v5;
	v5 =	vsub.f32 v8, v18  }
0x106: {  	v6 =	vld.idx.msk [tilespmem:v6+s13+$0x0], $0xffff;
	v8 =	vor.u32 $0xD, v2  }
0x107: {  	v24 =	vld.idx.msk [tilespmem:v20+s14+$0x0], $0xffff;
	v3 =	vadd.f32 v4, v3;
	v4 =	vmul.f32 v5, v5;
	v5 =	vsub.f32 v10, v19  }
0x108: {  	v25 =	vor.u32 $0xE, v2;
	v9 =	vld.idx.msk [tilespmem:v20+s13+$0x0], $0xffff  }
0x109: {  	v26 =	vld.idx.msk [tilespmem:v22+s14+$0x0], $0xffff;
	v3 =	vadd.f32 v4, v3;
	v4 =	vmul.f32 v5, v5;
	v5 =	vsub.f32 v7, v21  }
0x10a: {  	v27 =	vld.idx.msk [tilespmem:v22+s13+$0x0], $0xffff;
	v7 =	vor.u32 $0xF, v2  }
0x10b: {  	v28 =	vld.idx.msk [tilespmem:v8+s14+$0x0], $0xffff;
	v3 =	vadd.f32 v4, v3;
	v4 =	vmul.f32 v5, v5;
	v5 =	vsub.f32 v6, v23  }
0x10c: {  	v8 =	vld.idx.msk [tilespmem:v8+s13+$0x0], $0xffff;
	v6 =	vor.u32 $0x10, v2  }
0x10d: {  	v29 =	vld.idx.msk [tilespmem:v25+s14+$0x0], $0xffff;
	v3 =	vadd.f32 v4, v3;
	v4 =	vmul.f32 v5, v5;
	v5 =	vsub.f32 v9, v24  }
0x10e: {  	v30 =	vor.u32 $0x11, v2;
	v10 =	vld.idx.msk [tilespmem:v25+s13+$0x0], $0xffff  }
0x10f: {  	v31 =	vld.idx.msk [tilespmem:v7+s14+$0x0], $0xffff;
	v3 =	vadd.f32 v4, v3;
	v4 =	vmul.f32 v5, v5;
	v5 =	vsub.f32 v27, v26  }
0x110: {  	v32 =	vor.u32 $0x12, v2;
	v7 =	vld.idx.msk [tilespmem:v7+s13+$0x0], $0xffff  }
0x111: {  	v33 =	vld.idx.msk [tilespmem:v6+s14+$0x0], $0xffff;
	v3 =	vadd.f32 v4, v3;
	v4 =	vmul.f32 v5, v5;
	v5 =	vsub.f32 v8, v28  }
0x112: {  	v6 =	vld.idx.msk [tilespmem:v6+s13+$0x0], $0xffff;
	v8 =	vor.u32 $0x13, v2  }
0x113: {  	v34 =	vld.idx.msk [tilespmem:v30+s14+$0x0], $0xffff;
	v3 =	vadd.f32 v4, v3;
	v4 =	vmul.f32 v5, v5;
	v5 =	vsub.f32 v10, v29  }
0x114: {  	v35 =	vor.u32 $0x14, v2;
	v9 =	vld.idx.msk [tilespmem:v30+s13+$0x0], $0xffff  }
0x115: {  	v36 =	vld.idx.msk [tilespmem:v32+s14+$0x0], $0xffff;
	v3 =	vadd.f32 v4, v3;
	v4 =	vmul.f32 v5, v5;
	v5 =	vsub.f32 v7, v31  }
0x116: {  	v11 =	vld.idx.msk [tilespmem:v32+s13+$0x0], $0xffff;
	v7 =	vor.u32 $0x15, v2  }
0x117: {  	v37 =	vld.idx.msk [tilespmem:v8+s14+$0x0], $0xffff;
	v3 =	vadd.f32 v4, v3;
	v4 =	vmul.f32 v5, v5;
	v5 =	vsub.f32 v6, v33  }
0x118: {  	v8 =	vld.idx.msk [tilespmem:v8+s13+$0x0], $0xffff;
	v6 =	vor.u32 $0x16, v2  }
0x119: {  	v38 =	vld.idx.msk [tilespmem:v35+s14+$0x0], $0xffff;
	v3 =	vadd.f32 v4, v3;
	v4 =	vmul.f32 v5, v5;
	v5 =	vsub.f32 v9, v34  }
0x11a: {  	v39 =	vor.u32 $0x17, v2;
	v10 =	vld.idx.msk [tilespmem:v35+s13+$0x0], $0xffff  }
0x11b: {  	v40 =	vld.idx.msk [tilespmem:v7+s14+$0x0], $0xffff;
	v3 =	vadd.f32 v4, v3;
	v4 =	vmul.f32 v5, v5;
	v5 =	vsub.f32 v11, v36  }
0x11c: {  	v41 =	vor.u32 $0x18, v2;
	v7 =	vld.idx.msk [tilespmem:v7+s13+$0x0], $0xffff  }
0x11d: {  	v42 =	vld.idx.msk [tilespmem:v6+s14+$0x0], $0xffff;
	v3 =	vadd.f32 v4, v3;
	v4 =	vmul.f32 v5, v5;
	v5 =	vsub.f32 v8, v37  }
0x11e: {  	v6 =	vld.idx.msk [tilespmem:v6+s13+$0x0], $0xffff;
	v8 =	vor.u32 $0x19, v2  }
0x11f: {  	v43 =	vld.idx.msk [tilespmem:v39+s14+$0x0], $0xffff;
	v3 =	vadd.f32 v4, v3;
	v4 =	vmul.f32 v5, v5;
	v5 =	vsub.f32 v10, v38  }
0x120: {  	v44 =	vor.u32 $0x1A, v2;
	v9 =	vld.idx.msk [tilespmem:v39+s13+$0x0], $0xffff  }
0x121: {  	v45 =	vld.idx.msk [tilespmem:v41+s14+$0x0], $0xffff;
	v3 =	vadd.f32 v4, v3;
	v4 =	vmul.f32 v5, v5;
	v5 =	vsub.f32 v7, v40  }
0x122: {  	v11 =	vld.idx.msk [tilespmem:v41+s13+$0x0], $0xffff;
	v7 =	vor.u32 $0x1B, v2  }
0x123: {  	v46 =	vld.idx.msk [tilespmem:v8+s14+$0x0], $0xffff;
	v3 =	vadd.f32 v4, v3;
	v4 =	vmul.f32 v5, v5;
	v5 =	vsub.f32 v6, v42  }
0x124: {  	v8 =	vld.idx.msk [tilespmem:v8+s13+$0x0], $0xffff;
	v6 =	vor.u32 $0x1C, v2  }
0x125: {  	v47 =	vld.idx.msk [tilespmem:v44+s14+$0x0], $0xffff;
	v3 =	vadd.f32 v4, v3;
	v4 =	vmul.f32 v5, v5;
	v5 =	vsub.f32 v9, v43  }
0x126: {  	v48 =	vor.u32 $0x1D, v2;
	v10 =	vld.idx.msk [tilespmem:v44+s13+$0x0], $0xffff  }
0x127: {  	v49 =	vld.idx.msk [tilespmem:v7+s14+$0x0], $0xffff;
	v3 =	vadd.f32 v4, v3;
	v4 =	vmul.f32 v5, v5;
	v5 =	vsub.f32 v11, v45  }
0x128: {  	v50 =	vor.u32 $0x1E, v2;
	v7 =	vld.idx.msk [tilespmem:v7+s13+$0x0], $0xffff  }
0x129: {  	v51 =	vld.idx.msk [tilespmem:v6+s14+$0x0], $0xffff;
	v3 =	vadd.f32 v4, v3;
	v4 =	vmul.f32 v5, v5;
	v5 =	vsub.f32 v8, v46  }
0x12a: {  	v2 =	vor.u32 $0x1F, v2;
	v6 =	vld.idx.msk [tilespmem:v6+s13+$0x0], $0xffff  }
0x12b: {  	v9 =	vld.idx.msk [tilespmem:v48+s13+$0x0], $0xffff;
	v3 =	vadd.f32 v4, v3;
	v4 =	vmul.f32 v5, v5;
	v5 =	vsub.f32 v10, v47  }
0x12c: {  	v8 =	vld.idx.msk [tilespmem:v48+s14+$0x0], $0xffff  }
0x12d: {  	v52 =	vld.idx.msk [tilespmem:v50+s14+$0x0], $0xffff;
	v3 =	vadd.f32 v4, v3;
	v4 =	vmul.f32 v5, v5;
	v5 =	vsub.f32 v7, v49  }
0x12e: {  	v7 =	vld.idx.msk [tilespmem:v50+s13+$0x0], $0xffff  }
0x12f: {  	v53 =	vld.idx.msk [tilespmem:v2+s14+$0x0], $0xffff;
	v3 =	vadd.f32 v4, v3;
	v4 =	vmul.f32 v5, v5;
	v5 =	vsub.f32 v6, v51  }
0x130: {  	v2 =	vld.idx.msk [tilespmem:v2+s13+$0x0], $0xffff  }
0x131: {  	v3 =	vadd.f32 v4, v3;
	v4 =	vmul.f32 v5, v5;
	v5 =	vsub.f32 v9, v8;
	_ =	sdelay $0x1  }
0x132: {  	v3 =	vadd.f32 v4, v3;
	v4 =	vmul.f32 v5, v5;
	v5 =	vsub.f32 v7, v52;
	_ =	sdelay $0x1  }
0x133: {  	v2 =	vsub.f32 v2, v53;
	v3 =	vadd.f32 v4, v3;
	v4 =	vmul.f32 v5, v5;
	_ =	sdelay $0x1  }
0x134: {  	v2 =	vmul.f32 v2, v2;
	v3 =	vadd.f32 v4, v3;
	_ =	sdelay $0x1  }
0x135: {  	v2 =	vadd.f32 v2, v3;
	_ =	sdelay $0x1  }
0x136: {  	v3 =	vmax.f32 v2, $1.000000020e-35  }
0x137: {  	v2 =	vshra.s32 v3, $0x1;
	v4 =	vmul.f32 $5.000000000e-01, v3  }
0x138: {  	v2 =	vsub.s32 $0x5F3759DF, v2  }
0x139: {  	v5 =	vmul.f32 v2, v4;
	_ =	sdelay $0x1  }
0x13a: {  	v5 =	vmul.f32 v2, v5;
	_ =	sdelay $0x1  }
0x13b: {  	v5 =	vsub.f32 $1.500000000e+00, v5;
	_ =	sdelay $0x1  }
0x13c: {  	s2 =	simm.s32 $0xA00;
	v2 =	vmul.f32 v2, v5  }
0x13d: {  	s0 =	simm.s32 $0x800;
	v7 =	vld [tilespmem:s2+$0x0]  }
0x13e: {  	v5 =	vld [tilespmem:s0+$0x0];
	v6 =	vmul.f32 v2, v4;
	_ =	sdelay $0x1  }
0x13f: {  	v6 =	vmul.f32 v6, v2;
	_ =	sdelay $0x1  }
0x140: {  	v6 =	vsub.f32 $1.500000000e+00, v6  }
0x141: {  	v1 =	vshll.u32 v1, $0x4;
	v54 =	vand.u32 $0xFFFFFFF8, v7;
	v8 =	vand.u32 $0xFFFFFFF8, v5  }
0x142: {  	v5 =	vand.u32 $0x7, v5;
	v8 =	vadd.s32 v1, v8;
	v2 =	vmul.f32 v6, v2  }
0x143: {  	v1 =	vadd.s32 v1, v54;
	v5 =	vor.u32 v5, v8;
	v6 =	vand.u32 $0x7, v7  }
0x144: {  	v6 =	vor.u32 v6, v1;
	v1 =	vmul.f32 v2, v4;
	_ =	sdelay $0x1  }
0x145: {  	v4 =	vmul.f32 v1, v2  }
0x146: {  	v1 =	vld [tilespmem:$0xCC00]  }
0x147: {  	v5 =	vld.idx.msk [tilespmem:v5+s16+$0x0], $0xffff;
	v4 =	vsub.f32 $1.500000000e+00, v4  }
0x148: {  	v6 =	vld.idx.msk [tilespmem:v6+s18+$0x0], $0xffff  }
0x149: {  	v4 =	vmul.f32 v4, v2  }
0x14a: {  	s2 =	simm.s32 $0x10  }
0x14b: {  	v2 =	vor.u32 s2, v0;
	v4 =	vmul.f32 v4, v3  }
0x14c: {  	v3 =	vshll.u32 v2, $0x5  }
0x14d: {  	v7 =	vor.u32 $0x1, v3;
	v5 =	vadd.f32 v6, v5;
	v4 =	vmul.f32 v4, v1;
	_ =	sdelay $0x1  }
0x14e: {  	v4 =	vsub.f32 v5, v4;
	_ =	sdelay $0x1  }
0x14f: {  	v5 =	vor.u32 $0x2, v3;
	[tilespmem:s28+$0x0] =	vst v4  }
0x150: {  	v4 =	vld.idx.msk [tilespmem:v7+s14+$0x0], $0xffff  }
0x151: {  	v6 =	vld.idx.msk [tilespmem:v7+s13+$0x0], $0xffff;
	v7 =	vor.u32 $0x3, v3  }
0x152: {  	v8 =	vld.idx.msk [tilespmem:v3+s14+$0x0], $0xffff  }
0x153: {  	v56 =	vor.u32 $0x4, v3;
	v55 =	vld.idx.msk [tilespmem:v3+s13+$0x0], $0xffff  }
0x154: {  	v57 =	vld.idx.msk [tilespmem:v5+s14+$0x0], $0xffff  }
0x155: {  	v58 =	vor.u32 $0x5, v3;
	v5 =	vld.idx.msk [tilespmem:v5+s13+$0x0], $0xffff  }
0x156: {  	v59 =	vld.idx.msk [tilespmem:v7+s14+$0x0], $0xffff  }
0x157: {  	v60 =	vor.u32 $0x6, v3;
	v7 =	vld.idx.msk [tilespmem:v7+s13+$0x0], $0xffff  }
0x158: {  	v61 =	vld.idx.msk [tilespmem:v56+s14+$0x0], $0xffff;
	v8 =	vsub.f32 v55, v8;
	v4 =	vsub.f32 v6, v4  }
0x159: {  	v62 =	vor.u32 $0x7, v3;
	v6 =	vld.idx.msk [tilespmem:v56+s13+$0x0], $0xffff  }
0x15a: {  	v63 =	vld.idx.msk [tilespmem:v58+s14+$0x0], $0xffff;
	v8 =	vmul.f32 v8, v8;
	v4 =	vmul.f32 v4, v4;
	v5 =	vsub.f32 v5, v57  }
0x15b: {  	v20 =	vor.u32 $0x8, v3;
	v12 =	vld.idx.msk [tilespmem:v58+s13+$0x0], $0xffff  }
0x15c: {  	v16 =	vld.idx.msk [tilespmem:v60+s14+$0x0], $0xffff;
	v4 =	vadd.f32 v4, v8;
	v5 =	vmul.f32 v5, v5;
	v7 =	vsub.f32 v7, v59  }
0x15d: {  	v21 =	vld.idx.msk [tilespmem:v60+s13+$0x0], $0xffff;
	v8 =	vor.u32 $0x9, v3  }
0x15e: {  	v22 =	vld.idx.msk [tilespmem:v62+s14+$0x0], $0xffff;
	v6 =	vsub.f32 v6, v61;
	v4 =	vadd.f32 v5, v4;
	v5 =	vmul.f32 v7, v7  }
0x15f: {  	v9 =	vld.idx.msk [tilespmem:v62+s13+$0x0], $0xffff;
	v7 =	vor.u32 $0xA, v3  }
0x160: {  	v23 =	vld.idx.msk [tilespmem:v20+s14+$0x0], $0xffff;
	v4 =	vadd.f32 v5, v4;
	v5 =	vmul.f32 v6, v6;
	v6 =	vsub.f32 v12, v63  }
0x161: {  	v24 =	vor.u32 $0xB, v3;
	v11 =	vld.idx.msk [tilespmem:v20+s13+$0x0], $0xffff  }
0x162: {  	v25 =	vld.idx.msk [tilespmem:v8+s14+$0x0], $0xffff;
	v4 =	vadd.f32 v5, v4;
	v5 =	vmul.f32 v6, v6;
	v6 =	vsub.f32 v21, v16  }
0x163: {  	v26 =	vor.u32 $0xC, v3;
	v8 =	vld.idx.msk [tilespmem:v8+s13+$0x0], $0xffff  }
0x164: {  	v27 =	vld.idx.msk [tilespmem:v7+s14+$0x0], $0xffff;
	v4 =	vadd.f32 v5, v4;
	v5 =	vmul.f32 v6, v6;
	v6 =	vsub.f32 v9, v22  }
0x165: {  	v28 =	vor.u32 $0xD, v3;
	v7 =	vld.idx.msk [tilespmem:v7+s13+$0x0], $0xffff  }
0x166: {  	v29 =	vld.idx.msk [tilespmem:v24+s14+$0x0], $0xffff;
	v4 =	vadd.f32 v5, v4;
	v5 =	vmul.f32 v6, v6;
	v6 =	vsub.f32 v11, v23  }
0x167: {  	v30 =	vor.u32 $0xE, v3;
	v10 =	vld.idx.msk [tilespmem:v24+s13+$0x0], $0xffff  }
0x168: {  	v31 =	vld.idx.msk [tilespmem:v26+s14+$0x0], $0xffff;
	v4 =	vadd.f32 v5, v4;
	v5 =	vmul.f32 v6, v6;
	v6 =	vsub.f32 v8, v25  }
0x169: {  	v32 =	vld.idx.msk [tilespmem:v26+s13+$0x0], $0xffff;
	v8 =	vor.u32 $0xF, v3  }
0x16a: {  	v33 =	vld.idx.msk [tilespmem:v28+s14+$0x0], $0xffff;
	v4 =	vadd.f32 v5, v4;
	v5 =	vmul.f32 v6, v6;
	v6 =	vsub.f32 v7, v27  }
0x16b: {  	v9 =	vld.idx.msk [tilespmem:v28+s13+$0x0], $0xffff;
	v7 =	vor.u32 $0x10, v3  }
0x16c: {  	v34 =	vld.idx.msk [tilespmem:v30+s14+$0x0], $0xffff;
	v4 =	vadd.f32 v5, v4;
	v5 =	vmul.f32 v6, v6;
	v6 =	vsub.f32 v10, v29  }
0x16d: {  	v35 =	vor.u32 $0x11, v3;
	v11 =	vld.idx.msk [tilespmem:v30+s13+$0x0], $0xffff  }
0x16e: {  	v36 =	vld.idx.msk [tilespmem:v8+s14+$0x0], $0xffff;
	v4 =	vadd.f32 v5, v4;
	v5 =	vmul.f32 v6, v6;
	v6 =	vsub.f32 v32, v31  }
0x16f: {  	v37 =	vor.u32 $0x12, v3;
	v8 =	vld.idx.msk [tilespmem:v8+s13+$0x0], $0xffff  }
0x170: {  	v38 =	vld.idx.msk [tilespmem:v7+s14+$0x0], $0xffff;
	v4 =	vadd.f32 v5, v4;
	v5 =	vmul.f32 v6, v6;
	v6 =	vsub.f32 v9, v33  }
0x171: {  	v39 =	vor.u32 $0x13, v3;
	v7 =	vld.idx.msk [tilespmem:v7+s13+$0x0], $0xffff  }
0x172: {  	v40 =	vld.idx.msk [tilespmem:v35+s14+$0x0], $0xffff;
	v4 =	vadd.f32 v5, v4;
	v5 =	vmul.f32 v6, v6;
	v6 =	vsub.f32 v11, v34  }
0x173: {  	v41 =	vor.u32 $0x14, v3;
	v10 =	vld.idx.msk [tilespmem:v35+s13+$0x0], $0xffff  }
0x174: {  	v42 =	vld.idx.msk [tilespmem:v37+s14+$0x0], $0xffff;
	v4 =	vadd.f32 v5, v4;
	v5 =	vmul.f32 v6, v6;
	v6 =	vsub.f32 v8, v36  }
0x175: {  	v12 =	vld.idx.msk [tilespmem:v37+s13+$0x0], $0xffff;
	v8 =	vor.u32 $0x15, v3  }
0x176: {  	v43 =	vld.idx.msk [tilespmem:v39+s14+$0x0], $0xffff;
	v4 =	vadd.f32 v5, v4;
	v5 =	vmul.f32 v6, v6;
	v6 =	vsub.f32 v7, v38  }
0x177: {  	v9 =	vld.idx.msk [tilespmem:v39+s13+$0x0], $0xffff;
	v7 =	vor.u32 $0x16, v3  }
0x178: {  	v44 =	vld.idx.msk [tilespmem:v41+s14+$0x0], $0xffff;
	v4 =	vadd.f32 v5, v4;
	v5 =	vmul.f32 v6, v6;
	v6 =	vsub.f32 v10, v40  }
0x179: {  	v45 =	vor.u32 $0x17, v3;
	v11 =	vld.idx.msk [tilespmem:v41+s13+$0x0], $0xffff  }
0x17a: {  	v46 =	vld.idx.msk [tilespmem:v8+s14+$0x0], $0xffff;
	v4 =	vadd.f32 v5, v4;
	v5 =	vmul.f32 v6, v6;
	v6 =	vsub.f32 v12, v42  }
0x17b: {  	v47 =	vor.u32 $0x18, v3;
	v8 =	vld.idx.msk [tilespmem:v8+s13+$0x0], $0xffff  }
0x17c: {  	v48 =	vld.idx.msk [tilespmem:v7+s14+$0x0], $0xffff;
	v4 =	vadd.f32 v5, v4;
	v5 =	vmul.f32 v6, v6;
	v6 =	vsub.f32 v9, v43  }
0x17d: {  	v49 =	vor.u32 $0x19, v3;
	v7 =	vld.idx.msk [tilespmem:v7+s13+$0x0], $0xffff  }
0x17e: {  	v50 =	vld.idx.msk [tilespmem:v45+s14+$0x0], $0xffff;
	v4 =	vadd.f32 v5, v4;
	v5 =	vmul.f32 v6, v6;
	v6 =	vsub.f32 v11, v44  }
0x17f: {  	v51 =	vor.u32 $0x1A, v3;
	v10 =	vld.idx.msk [tilespmem:v45+s13+$0x0], $0xffff  }
0x180: {  	v52 =	vld.idx.msk [tilespmem:v47+s14+$0x0], $0xffff;
	v4 =	vadd.f32 v5, v4;
	v5 =	vmul.f32 v6, v6;
	v6 =	vsub.f32 v8, v46  }
0x181: {  	v12 =	vld.idx.msk [tilespmem:v47+s13+$0x0], $0xffff;
	v8 =	vor.u32 $0x1B, v3  }
0x182: {  	v53 =	vld.idx.msk [tilespmem:v49+s14+$0x0], $0xffff;
	v4 =	vadd.f32 v5, v4;
	v5 =	vmul.f32 v6, v6;
	v6 =	vsub.f32 v7, v48  }
0x183: {  	v9 =	vld.idx.msk [tilespmem:v49+s13+$0x0], $0xffff;
	v7 =	vor.u32 $0x1C, v3  }
0x184: {  	v54 =	vld.idx.msk [tilespmem:v51+s14+$0x0], $0xffff;
	v4 =	vadd.f32 v5, v4;
	v5 =	vmul.f32 v6, v6;
	v6 =	vsub.f32 v10, v50  }
0x185: {  	v55 =	vor.u32 $0x1D, v3;
	v11 =	vld.idx.msk [tilespmem:v51+s13+$0x0], $0xffff  }
0x186: {  	v56 =	vld.idx.msk [tilespmem:v8+s14+$0x0], $0xffff;
	v4 =	vadd.f32 v5, v4;
	v5 =	vmul.f32 v6, v6;
	v6 =	vsub.f32 v12, v52  }
0x187: {  	v57 =	vor.u32 $0x1E, v3;
	v8 =	vld.idx.msk [tilespmem:v8+s13+$0x0], $0xffff  }
0x188: {  	v58 =	vld.idx.msk [tilespmem:v7+s14+$0x0], $0xffff;
	v4 =	vadd.f32 v5, v4;
	v5 =	vmul.f32 v6, v6;
	v6 =	vsub.f32 v9, v53  }
0x189: {  	v3 =	vor.u32 $0x1F, v3;
	v7 =	vld.idx.msk [tilespmem:v7+s13+$0x0], $0xffff  }
0x18a: {  	v59 =	vld.idx.msk [tilespmem:v55+s14+$0x0], $0xffff;
	v4 =	vadd.f32 v5, v4;
	v5 =	vmul.f32 v6, v6;
	v6 =	vsub.f32 v11, v54  }
0x18b: {  	v10 =	vld.idx.msk [tilespmem:v55+s13+$0x0], $0xffff  }
0x18c: {  	v60 =	vld.idx.msk [tilespmem:v57+s14+$0x0], $0xffff;
	v4 =	vadd.f32 v5, v4;
	v5 =	vmul.f32 v6, v6;
	v6 =	vsub.f32 v8, v56  }
0x18d: {  	v8 =	vld.idx.msk [tilespmem:v57+s13+$0x0], $0xffff  }
0x18e: {  	v61 =	vld.idx.msk [tilespmem:v3+s14+$0x0], $0xffff;
	v4 =	vadd.f32 v5, v4;
	v5 =	vmul.f32 v6, v6;
	v6 =	vsub.f32 v7, v58  }
0x18f: {  	v3 =	vld.idx.msk [tilespmem:v3+s13+$0x0], $0xffff  }
0x190: {  	v4 =	vadd.f32 v5, v4;
	v5 =	vmul.f32 v6, v6;
	v6 =	vsub.f32 v10, v59;
	_ =	sdelay $0x1  }
0x191: {  	v4 =	vadd.f32 v5, v4;
	v5 =	vmul.f32 v6, v6;
	v6 =	vsub.f32 v8, v60;
	_ =	sdelay $0x1  }
0x192: {  	v3 =	vsub.f32 v3, v61;
	v4 =	vadd.f32 v5, v4;
	v5 =	vmul.f32 v6, v6;
	_ =	sdelay $0x1  }
0x193: {  	v3 =	vmul.f32 v3, v3;
	v4 =	vadd.f32 v5, v4;
	_ =	sdelay $0x1  }
0x194: {  	v3 =	vadd.f32 v3, v4;
	_ =	sdelay $0x1  }
0x195: {  	v3 =	vmax.f32 v3, $1.000000020e-35  }
0x196: {  	v4 =	vshra.s32 v3, $0x1;
	v5 =	vmul.f32 $5.000000000e-01, v3  }
0x197: {  	v4 =	vsub.s32 $0x5F3759DF, v4  }
0x198: {  	v6 =	vmul.f32 v4, v5;
	_ =	sdelay $0x1  }
0x199: {  	v6 =	vmul.f32 v4, v6;
	_ =	sdelay $0x1  }
0x19a: {  	v6 =	vsub.f32 $1.500000000e+00, v6;
	_ =	sdelay $0x1  }
0x19b: {  	s31 =	simm.s32 $0xA10;
	v4 =	vmul.f32 v4, v6  }
0x19c: {  	s30 =	simm.s32 $0x810;
	v8 =	vld [tilespmem:s31+$0x0]  }
0x19d: {  	v6 =	vld [tilespmem:s30+$0x0];
	v7 =	vmul.f32 v4, v5;
	_ =	sdelay $0x1  }
0x19e: {  	v7 =	vmul.f32 v7, v4;
	_ =	sdelay $0x1  }
0x19f: {  	v7 =	vsub.f32 $1.500000000e+00, v7  }
0x1a0: {  	v2 =	vshll.u32 v2, $0x4;
	v63 =	vand.u32 $0xFFFFFFF8, v8;
	v62 =	vand.u32 $0xFFFFFFF8, v6  }
0x1a1: {  	v6 =	vand.u32 $0x7, v6;
	v9 =	vadd.s32 v2, v62;
	v4 =	vmul.f32 v7, v4  }
0x1a2: {  	v2 =	vadd.s32 v2, v63;
	v6 =	vor.u32 v6, v9;
	v7 =	vand.u32 $0x7, v8  }
0x1a3: {  	v2 =	vor.u32 v7, v2;
	v5 =	vmul.f32 v4, v5;
	_ =	sdelay $0x1  }
0x1a4: {  	v5 =	vmul.f32 v5, v4;
	_ =	sdelay $0x1  }
0x1a5: {  	v6 =	vld.idx.msk [tilespmem:v6+s16+$0x0], $0xffff;
	v5 =	vsub.f32 $1.500000000e+00, v5  }
0x1a6: {  	v7 =	vld.idx.msk [tilespmem:v2+s18+$0x0], $0xffff  }
0x1a7: {  	v4 =	vmul.f32 v5, v4  }
0x1a8: {  	s2 =	simm.s32 $0x20  }
0x1a9: {  	v2 =	vor.u32 s2, v0;
	v8 =	vmul.f32 v4, v3  }
0x1aa: {  	v3 =	vshll.u32 v2, $0x5  }
0x1ab: {  	v4 =	vor.u32 $0x1, v3;
	v5 =	vadd.f32 v7, v6;
	v6 =	vmul.f32 v8, v1  }
0x1ac: {  	s0 =	simm.s32 $0xCC10;
	s2 =	simm.s32 $0x30  }
.LBB2_2:
0x1ad: {  	p0 =	sne.s32 s2, $0x1F0;
	v5 =	vsub.f32 v5, v6  }
0x1ae: {  	s0 =	sadd.s32 $0x10, s0  }
0x1af: {  	v6 =	vor.u32 $0x2, v3;
	[tilespmem:s0+$0x0] =	vst v5  }
0x1b0: {  	v5 =	vld.idx.msk [tilespmem:v4+s14+$0x0], $0xffff  }
0x1b1: {  	v7 =	vor.u32 $0x3, v3;
	v4 =	vld.idx.msk [tilespmem:v4+s13+$0x0], $0xffff  }
0x1b2: {  	v8 =	vld.idx.msk [tilespmem:v3+s14+$0x0], $0xffff  }
0x1b3: {  	v10 =	vor.u32 $0x4, v3;
	v9 =	vld.idx.msk [tilespmem:v3+s13+$0x0], $0xffff  }
0x1b4: {  	v11 =	vld.idx.msk [tilespmem:v6+s14+$0x0], $0xffff  }
0x1b5: {  	v12 =	vor.u32 $0x5, v3;
	v6 =	vld.idx.msk [tilespmem:v6+s13+$0x0], $0xffff  }
0x1b6: {  	v13 =	vld.idx.msk [tilespmem:v7+s14+$0x0], $0xffff  }
0x1b7: {  	v14 =	vor.u32 $0x6, v3;
	v7 =	vld.idx.msk [tilespmem:v7+s13+$0x0], $0xffff  }
0x1b8: {  	v15 =	vld.idx.msk [tilespmem:v10+s14+$0x0], $0xffff  }
0x1b9: {  	v4 =	vsub.f32 v4, v5;
	v8 =	vsub.f32 v9, v8;
	v9 =	vor.u32 $0x7, v3;
	v5 =	vld.idx.msk [tilespmem:v10+s13+$0x0], $0xffff  }
0x1ba: {  	v16 =	vor.u32 $0x8, v3;
	v10 =	vld.idx.msk [tilespmem:v12+s14+$0x0], $0xffff  }
0x1bb: {  	v4 =	vmul.f32 v4, v4;
	v8 =	vmul.f32 v8, v8;
	v6 =	vsub.f32 v6, v11;
	v11 =	vld.idx.msk [tilespmem:v12+s13+$0x0], $0xffff  }
0x1bc: {  	v17 =	vor.u32 $0x9, v3;
	v12 =	vld.idx.msk [tilespmem:v14+s14+$0x0], $0xffff  }
0x1bd: {  	v4 =	vadd.f32 v4, v8;
	v6 =	vmul.f32 v6, v6;
	v7 =	vsub.f32 v7, v13;
	v8 =	vld.idx.msk [tilespmem:v14+s13+$0x0], $0xffff  }
0x1be: {  	v14 =	vor.u32 $0xA, v3;
	v13 =	vld.idx.msk [tilespmem:v9+s14+$0x0], $0xffff  }
0x1bf: {  	v4 =	vadd.f32 v6, v4;
	v6 =	vmul.f32 v7, v7;
	v5 =	vsub.f32 v5, v15;
	v7 =	vld.idx.msk [tilespmem:v9+s13+$0x0], $0xffff  }
0x1c0: {  	v15 =	vor.u32 $0xB, v3;
	v9 =	vld.idx.msk [tilespmem:v16+s14+$0x0], $0xffff  }
0x1c1: {  	v4 =	vadd.f32 v6, v4;
	v5 =	vmul.f32 v5, v5;
	v6 =	vsub.f32 v11, v10;
	v10 =	vld.idx.msk [tilespmem:v16+s13+$0x0], $0xffff  }
0x1c2: {  	v16 =	vor.u32 $0xC, v3;
	v11 =	vld.idx.msk [tilespmem:v17+s14+$0x0], $0xffff  }
0x1c3: {  	v4 =	vadd.f32 v5, v4;
	v5 =	vmul.f32 v6, v6;
	v6 =	vsub.f32 v8, v12;
	v8 =	vld.idx.msk [tilespmem:v17+s13+$0x0], $0xffff  }
0x1c4: {  	v17 =	vor.u32 $0xD, v3;
	v12 =	vld.idx.msk [tilespmem:v14+s14+$0x0], $0xffff  }
0x1c5: {  	v4 =	vadd.f32 v5, v4;
	v5 =	vmul.f32 v6, v6;
	v6 =	vsub.f32 v7, v13;
	v7 =	vld.idx.msk [tilespmem:v14+s13+$0x0], $0xffff  }
0x1c6: {  	v14 =	vor.u32 $0xE, v3;
	v13 =	vld.idx.msk [tilespmem:v15+s14+$0x0], $0xffff  }
0x1c7: {  	v4 =	vadd.f32 v5, v4;
	v5 =	vmul.f32 v6, v6;
	v6 =	vsub.f32 v10, v9;
	v9 =	vld.idx.msk [tilespmem:v15+s13+$0x0], $0xffff  }
0x1c8: {  	v15 =	vor.u32 $0xF, v3;
	v10 =	vld.idx.msk [tilespmem:v16+s14+$0x0], $0xffff  }
0x1c9: {  	v4 =	vadd.f32 v5, v4;
	v5 =	vmul.f32 v6, v6;
	v6 =	vsub.f32 v8, v11;
	v8 =	vld.idx.msk [tilespmem:v16+s13+$0x0], $0xffff  }
0x1ca: {  	v16 =	vor.u32 $0x10, v3;
	v11 =	vld.idx.msk [tilespmem:v17+s14+$0x0], $0xffff  }
0x1cb: {  	v4 =	vadd.f32 v5, v4;
	v5 =	vmul.f32 v6, v6;
	v6 =	vsub.f32 v7, v12;
	v7 =	vld.idx.msk [tilespmem:v17+s13+$0x0], $0xffff  }
0x1cc: {  	v17 =	vor.u32 $0x11, v3;
	v12 =	vld.idx.msk [tilespmem:v14+s14+$0x0], $0xffff  }
0x1cd: {  	v4 =	vadd.f32 v5, v4;
	v5 =	vmul.f32 v6, v6;
	v6 =	vsub.f32 v9, v13;
	v9 =	vld.idx.msk [tilespmem:v14+s13+$0x0], $0xffff  }
0x1ce: {  	v14 =	vor.u32 $0x12, v3;
	v13 =	vld.idx.msk [tilespmem:v15+s14+$0x0], $0xffff  }
0x1cf: {  	v4 =	vadd.f32 v5, v4;
	v5 =	vmul.f32 v6, v6;
	v6 =	vsub.f32 v8, v10;
	v8 =	vld.idx.msk [tilespmem:v15+s13+$0x0], $0xffff  }
0x1d0: {  	v15 =	vor.u32 $0x13, v3;
	v10 =	vld.idx.msk [tilespmem:v16+s14+$0x0], $0xffff  }
0x1d1: {  	v4 =	vadd.f32 v5, v4;
	v5 =	vmul.f32 v6, v6;
	v6 =	vsub.f32 v7, v11;
	v7 =	vld.idx.msk [tilespmem:v16+s13+$0x0], $0xffff  }
0x1d2: {  	v16 =	vor.u32 $0x14, v3;
	v11 =	vld.idx.msk [tilespmem:v17+s14+$0x0], $0xffff  }
0x1d3: {  	v4 =	vadd.f32 v5, v4;
	v5 =	vmul.f32 v6, v6;
	v6 =	vsub.f32 v9, v12;
	v9 =	vld.idx.msk [tilespmem:v17+s13+$0x0], $0xffff  }
0x1d4: {  	v17 =	vor.u32 $0x15, v3;
	v12 =	vld.idx.msk [tilespmem:v14+s14+$0x0], $0xffff  }
0x1d5: {  	v4 =	vadd.f32 v5, v4;
	v5 =	vmul.f32 v6, v6;
	v6 =	vsub.f32 v8, v13;
	v8 =	vld.idx.msk [tilespmem:v14+s13+$0x0], $0xffff  }
0x1d6: {  	v14 =	vor.u32 $0x16, v3;
	v13 =	vld.idx.msk [tilespmem:v15+s14+$0x0], $0xffff  }
0x1d7: {  	v4 =	vadd.f32 v5, v4;
	v5 =	vmul.f32 v6, v6;
	v6 =	vsub.f32 v7, v10;
	v7 =	vld.idx.msk [tilespmem:v15+s13+$0x0], $0xffff  }
0x1d8: {  	v15 =	vor.u32 $0x17, v3;
	v10 =	vld.idx.msk [tilespmem:v16+s14+$0x0], $0xffff  }
0x1d9: {  	v4 =	vadd.f32 v5, v4;
	v5 =	vmul.f32 v6, v6;
	v6 =	vsub.f32 v9, v11;
	v9 =	vld.idx.msk [tilespmem:v16+s13+$0x0], $0xffff  }
0x1da: {  	v16 =	vor.u32 $0x18, v3;
	v11 =	vld.idx.msk [tilespmem:v17+s14+$0x0], $0xffff  }
0x1db: {  	v4 =	vadd.f32 v5, v4;
	v5 =	vmul.f32 v6, v6;
	v6 =	vsub.f32 v8, v12;
	v8 =	vld.idx.msk [tilespmem:v17+s13+$0x0], $0xffff  }
0x1dc: {  	v17 =	vor.u32 $0x19, v3;
	v12 =	vld.idx.msk [tilespmem:v14+s14+$0x0], $0xffff  }
0x1dd: {  	v4 =	vadd.f32 v5, v4;
	v5 =	vmul.f32 v6, v6;
	v6 =	vsub.f32 v7, v13;
	v7 =	vld.idx.msk [tilespmem:v14+s13+$0x0], $0xffff  }
0x1de: {  	v14 =	vor.u32 $0x1A, v3;
	v13 =	vld.idx.msk [tilespmem:v15+s14+$0x0], $0xffff  }
0x1df: {  	v4 =	vadd.f32 v5, v4;
	v5 =	vmul.f32 v6, v6;
	v6 =	vsub.f32 v9, v10;
	v9 =	vld.idx.msk [tilespmem:v15+s13+$0x0], $0xffff  }
0x1e0: {  	v15 =	vor.u32 $0x1B, v3;
	v10 =	vld.idx.msk [tilespmem:v16+s14+$0x0], $0xffff  }
0x1e1: {  	v4 =	vadd.f32 v5, v4;
	v5 =	vmul.f32 v6, v6;
	v6 =	vsub.f32 v8, v11;
	v8 =	vld.idx.msk [tilespmem:v16+s13+$0x0], $0xffff  }
0x1e2: {  	v16 =	vor.u32 $0x1C, v3;
	v11 =	vld.idx.msk [tilespmem:v17+s14+$0x0], $0xffff  }
0x1e3: {  	v4 =	vadd.f32 v5, v4;
	v5 =	vmul.f32 v6, v6;
	v6 =	vsub.f32 v7, v12;
	v7 =	vld.idx.msk [tilespmem:v17+s13+$0x0], $0xffff  }
0x1e4: {  	v17 =	vor.u32 $0x1D, v3;
	v12 =	vld.idx.msk [tilespmem:v14+s14+$0x0], $0xffff  }
0x1e5: {  	v4 =	vadd.f32 v5, v4;
	v5 =	vmul.f32 v6, v6;
	v6 =	vsub.f32 v9, v13;
	v9 =	vld.idx.msk [tilespmem:v14+s13+$0x0], $0xffff  }
0x1e6: {  	v14 =	vor.u32 $0x1E, v3;
	v13 =	vld.idx.msk [tilespmem:v15+s14+$0x0], $0xffff  }
0x1e7: {  	v4 =	vadd.f32 v5, v4;
	v5 =	vmul.f32 v6, v6;
	v6 =	vsub.f32 v8, v10;
	v8 =	vld.idx.msk [tilespmem:v15+s13+$0x0], $0xffff  }
0x1e8: {  	v3 =	vor.u32 $0x1F, v3;
	v10 =	vld.idx.msk [tilespmem:v16+s14+$0x0], $0xffff  }
0x1e9: {  	v4 =	vadd.f32 v5, v4;
	v5 =	vmul.f32 v6, v6;
	v6 =	vsub.f32 v7, v11;
	v7 =	vld.idx.msk [tilespmem:v16+s13+$0x0], $0xffff  }
0x1ea: {  	v11 =	vld.idx.msk [tilespmem:v17+s14+$0x0], $0xffff  }
0x1eb: {  	v4 =	vadd.f32 v5, v4;
	v5 =	vmul.f32 v6, v6;
	v6 =	vsub.f32 v9, v12;
	v9 =	vld.idx.msk [tilespmem:v17+s13+$0x0], $0xffff  }
0x1ec: {  	v12 =	vld.idx.msk [tilespmem:v14+s14+$0x0], $0xffff  }
0x1ed: {  	v4 =	vadd.f32 v5, v4;
	v5 =	vmul.f32 v6, v6;
	v6 =	vsub.f32 v8, v13;
	v8 =	vld.idx.msk [tilespmem:v14+s13+$0x0], $0xffff  }
0x1ee: {  	v13 =	vld.idx.msk [tilespmem:v3+s14+$0x0], $0xffff  }
0x1ef: {  	v4 =	vadd.f32 v5, v4;
	v5 =	vmul.f32 v6, v6;
	v6 =	vsub.f32 v7, v10;
	v3 =	vld.idx.msk [tilespmem:v3+s13+$0x0], $0xffff;
	_ =	sdelay $0x1  }
0x1f0: {  	v4 =	vadd.f32 v5, v4;
	v5 =	vmul.f32 v6, v6;
	v6 =	vsub.f32 v9, v11;
	_ =	sdelay $0x1  }
0x1f1: {  	v4 =	vadd.f32 v5, v4;
	v5 =	vmul.f32 v6, v6;
	v6 =	vsub.f32 v8, v12;
	_ =	sdelay $0x1  }
0x1f2: {  	v4 =	vadd.f32 v5, v4;
	v5 =	vmul.f32 v6, v6;
	v3 =	vsub.f32 v3, v13;
	_ =	sdelay $0x1  }
0x1f3: {  	v4 =	vadd.f32 v5, v4;
	v3 =	vmul.f32 v3, v3;
	_ =	sdelay $0x1  }
0x1f4: {  	v3 =	vadd.f32 v3, v4;
	_ =	sdelay $0x1  }
0x1f5: {  	v3 =	vmax.f32 v3, $1.000000020e-35  }
0x1f6: {  	v4 =	vshra.s32 v3, $0x1;
	v5 =	vmul.f32 $5.000000000e-01, v3  }
0x1f7: {  	v4 =	vsub.s32 $0x5F3759DF, v4  }
0x1f8: {  	v6 =	vmul.f32 v4, v5;
	_ =	sdelay $0x1  }
0x1f9: {  	v6 =	vmul.f32 v4, v6;
	_ =	sdelay $0x1  }
0x1fa: {  	v6 =	vsub.f32 $1.500000000e+00, v6  }
0x1fb: {  	s30 =	sadd.s32 $0x10, s30  }
0x1fc: {  	v4 =	vmul.f32 v4, v6;
	v7 =	vld [tilespmem:s30+$0x0]  }
0x1fd: {  	s31 =	sadd.s32 $0x10, s31  }
0x1fe: {  	v8 =	vmul.f32 v4, v5;
	v6 =	vld [tilespmem:s31+$0x0];
	_ =	sdelay $0x1  }
0x1ff: {  	v8 =	vmul.f32 v8, v4  }
0x200: {  	v2 =	vshll.u32 v2, $0x4;
	v9 =	vand.u32 $0xFFFFFFF8, v7  }
0x201: {  	v7 =	vand.u32 $0x7, v7;
	v8 =	vsub.f32 $1.500000000e+00, v8;
	v9 =	vadd.s32 v2, v9  }
0x202: {  	v7 =	vor.u32 v7, v9;
	v9 =	vand.u32 $0xFFFFFFF8, v6  }
0x203: {  	v6 =	vand.u32 $0x7, v6;
	v4 =	vmul.f32 v8, v4;
	v2 =	vadd.s32 v2, v9  }
0x204: {  	v2 =	vor.u32 v6, v2  }
0x205: {  	v5 =	vmul.f32 v4, v5;
	_ =	sdelay $0x1  }
0x206: {  	v5 =	vmul.f32 v5, v4  }
0x207: {  	v6 =	vld.idx.msk [tilespmem:v7+s16+$0x0], $0xffff  }
0x208: {  	v7 =	vld.idx.msk [tilespmem:v2+s18+$0x0], $0xffff;
	v2 =	vsub.f32 $1.500000000e+00, v5;
	_ =	sdelay $0x1  }
0x209: {  	v4 =	vmul.f32 v2, v4  }
.Ltmp0:
0x20a: {  	(pc) =	sbr.rel @p0 .LBB2_2-.Ltmp0, $4  }
0x20b: {  	v2 =	vor.u32 s2, v0;
	v8 =	vmul.f32 v4, v3  }
0x20c: {  	v3 =	vshll.u32 v2, $0x5  }
0x20d: {  	v4 =	vor.u32 $0x1, v3;
	v5 =	vadd.f32 v7, v6;
	v6 =	vmul.f32 v8, v1  }
0x20e: {  	s2 =	sadd.s32 $0x10, s2  }
0x20f: {  	_ = 	snop  }
0x210: {  	v5 =	vsub.f32 v5, v6  }
0x211: {  	s0 =	sadd.s32 $0x10, s0  }
0x212: {  	v37 =	vor.u32 $0x2, v3;
	[tilespmem:s0+$0x0] =	vst v5  }
0x213: {  	v5 =	vld.idx.msk [tilespmem:v4+s14+$0x0], $0xffff  }
0x214: {  	v7 =	vor.u32 $0x3, v3;
	v38 =	vld.idx.msk [tilespmem:v4+s13+$0x0], $0xffff  }
0x215: {  	v8 =	vld.idx.msk [tilespmem:v3+s14+$0x0], $0xffff  }
0x216: {  	v10 =	vor.u32 $0x4, v3;
	v9 =	vld.idx.msk [tilespmem:v3+s13+$0x0], $0xffff  }
0x217: {  	v11 =	vld.idx.msk [tilespmem:v37+s14+$0x0], $0xffff  }
0x218: {  	v12 =	vor.u32 $0x5, v3;
	v6 =	vld.idx.msk [tilespmem:v37+s13+$0x0], $0xffff  }
0x219: {  	v13 =	vld.idx.msk [tilespmem:v7+s14+$0x0], $0xffff  }
0x21a: {  	v14 =	vor.u32 $0x6, v3;
	v7 =	vld.idx.msk [tilespmem:v7+s13+$0x0], $0xffff  }
0x21b: {  	v15 =	vld.idx.msk [tilespmem:v10+s14+$0x0], $0xffff;
	v8 =	vsub.f32 v9, v8;
	v4 =	vsub.f32 v38, v5  }
0x21c: {  	v40 =	vor.u32 $0x7, v3;
	v39 =	vld.idx.msk [tilespmem:v10+s13+$0x0], $0xffff  }
0x21d: {  	v41 =	vld.idx.msk [tilespmem:v12+s14+$0x0], $0xffff;
	v8 =	vmul.f32 v8, v8;
	v4 =	vmul.f32 v4, v4;
	v6 =	vsub.f32 v6, v11  }
0x21e: {  	v42 =	vor.u32 $0x8, v3;
	v12 =	vld.idx.msk [tilespmem:v12+s13+$0x0], $0xffff  }
0x21f: {  	v16 =	vld.idx.msk [tilespmem:v14+s14+$0x0], $0xffff;
	v7 =	vsub.f32 v7, v13;
	v4 =	vadd.f32 v4, v8;
	v6 =	vmul.f32 v6, v6  }
0x220: {  	v43 =	vor.u32 $0x9, v3;
	v44 =	vld.idx.msk [tilespmem:v14+s13+$0x0], $0xffff  }
0x221: {  	v45 =	vld.idx.msk [tilespmem:v40+s14+$0x0], $0xffff;
	v5 =	vsub.f32 v39, v15;
	v46 =	vmul.f32 v7, v7;
	v4 =	vadd.f32 v6, v4  }
0x222: {  	v47 =	vor.u32 $0xA, v3;
	v9 =	vld.idx.msk [tilespmem:v40+s13+$0x0], $0xffff  }
0x223: {  	v48 =	vld.idx.msk [tilespmem:v42+s14+$0x0], $0xffff;
	v49 =	vsub.f32 v12, v41;
	v5 =	vmul.f32 v5, v5;
	v4 =	vadd.f32 v46, v4  }
0x224: {  	v50 =	vor.u32 $0xB, v3;
	v11 =	vld.idx.msk [tilespmem:v42+s13+$0x0], $0xffff  }
0x225: {  	v51 =	vld.idx.msk [tilespmem:v43+s14+$0x0], $0xffff;
	v53 =	vsub.f32 v44, v16;
	v52 =	vmul.f32 v49, v49;
	v4 =	vadd.f32 v5, v4  }
0x226: {  	v54 =	vor.u32 $0xC, v3;
	v8 =	vld.idx.msk [tilespmem:v43+s13+$0x0], $0xffff  }
0x227: {  	v55 =	vld.idx.msk [tilespmem:v47+s14+$0x0], $0xffff;
	v56 =	vmul.f32 v53, v53;
	v57 =	vsub.f32 v9, v45;
	v4 =	vadd.f32 v52, v4  }
0x228: {  	v58 =	vor.u32 $0xD, v3;
	v7 =	vld.idx.msk [tilespmem:v47+s13+$0x0], $0xffff  }
0x229: {  	v59 =	vld.idx.msk [tilespmem:v50+s14+$0x0], $0xffff;
	v60 =	vmul.f32 v57, v57;
	v61 =	vsub.f32 v11, v48;
	v4 =	vadd.f32 v56, v4  }
0x22a: {  	v62 =	vor.u32 $0xE, v3;
	v10 =	vld.idx.msk [tilespmem:v50+s13+$0x0], $0xffff  }
0x22b: {  	v63 =	vld.idx.msk [tilespmem:v54+s14+$0x0], $0xffff;
	v19 =	vmul.f32 v61, v61;
	v20 =	vsub.f32 v8, v51;
	v4 =	vadd.f32 v60, v4  }
0x22c: {  	v21 =	vor.u32 $0xF, v3;
	v22 =	vld.idx.msk [tilespmem:v54+s13+$0x0], $0xffff  }
0x22d: {  	v23 =	vld.idx.msk [tilespmem:v58+s14+$0x0], $0xffff;
	v25 =	vsub.f32 v7, v55;
	v24 =	vmul.f32 v20, v20;
	v4 =	vadd.f32 v19, v4  }
0x22e: {  	v26 =	vor.u32 $0x10, v3;
	v9 =	vld.idx.msk [tilespmem:v58+s13+$0x0], $0xffff  }
0x22f: {  	v27 =	vld.idx.msk [tilespmem:v62+s14+$0x0], $0xffff;
	v29 =	vsub.f32 v10, v59;
	v28 =	vmul.f32 v25, v25;
	v4 =	vadd.f32 v24, v4  }
0x230: {  	v30 =	vor.u32 $0x11, v3;
	v11 =	vld.idx.msk [tilespmem:v62+s13+$0x0], $0xffff  }
0x231: {  	v31 =	vld.idx.msk [tilespmem:v21+s14+$0x0], $0xffff;
	v33 =	vsub.f32 v22, v63;
	v32 =	vmul.f32 v29, v29;
	v4 =	vadd.f32 v28, v4  }
0x232: {  	v34 =	vor.u32 $0x12, v3;
	v8 =	vld.idx.msk [tilespmem:v21+s13+$0x0], $0xffff  }
0x233: {  	v35 =	vld.idx.msk [tilespmem:v26+s14+$0x0], $0xffff;
	v36 =	vmul.f32 v33, v33;
	v37 =	vsub.f32 v9, v23;
	v4 =	vadd.f32 v32, v4  }
0x234: {  	v38 =	vor.u32 $0x13, v3;
	v7 =	vld.idx.msk [tilespmem:v26+s13+$0x0], $0xffff  }
0x235: {  	v39 =	vld.idx.msk [tilespmem:v30+s14+$0x0], $0xffff;
	v40 =	vmul.f32 v37, v37;
	v41 =	vsub.f32 v11, v27;
	v4 =	vadd.f32 v36, v4  }
0x236: {  	v42 =	vor.u32 $0x14, v3;
	v10 =	vld.idx.msk [tilespmem:v30+s13+$0x0], $0xffff  }
0x237: {  	v12 =	vld.idx.msk [tilespmem:v34+s13+$0x0], $0xffff;
	v44 =	vmul.f32 v41, v41;
	v45 =	vsub.f32 v8, v31;
	v4 =	vadd.f32 v40, v4  }
0x238: {  	v43 =	vld.idx.msk [tilespmem:v34+s14+$0x0], $0xffff;
	v46 =	vor.u32 $0x15, v3  }
0x239: {  	v47 =	vld.idx.msk [tilespmem:v38+s14+$0x0], $0xffff;
	v49 =	vsub.f32 v7, v35;
	v48 =	vmul.f32 v45, v45;
	v4 =	vadd.f32 v44, v4  }
0x23a: {  	v50 =	vor.u32 $0x16, v3;
	v9 =	vld.idx.msk [tilespmem:v38+s13+$0x0], $0xffff  }
0x23b: {  	v53 =	vsub.f32 v10, v39;
	v51 =	vld.idx.msk [tilespmem:v42+s14+$0x0], $0xffff;
	v52 =	vmul.f32 v49, v49;
	v4 =	vadd.f32 v48, v4  }
0x23c: {  	v54 =	vor.u32 $0x17, v3;
	v11 =	vld.idx.msk [tilespmem:v42+s13+$0x0], $0xffff  }
0x23d: {  	v57 =	vsub.f32 v12, v43;
	v55 =	vld.idx.msk [tilespmem:v46+s14+$0x0], $0xffff;
	v56 =	vmul.f32 v53, v53;
	v4 =	vadd.f32 v52, v4  }
0x23e: {  	v58 =	vor.u32 $0x18, v3;
	v8 =	vld.idx.msk [tilespmem:v46+s13+$0x0], $0xffff  }
0x23f: {  	v59 =	vld.idx.msk [tilespmem:v50+s14+$0x0], $0xffff;
	v61 =	vsub.f32 v9, v47;
	v60 =	vmul.f32 v57, v57;
	v4 =	vadd.f32 v56, v4  }
0x240: {  	v62 =	vor.u32 $0x19, v3;
	v7 =	vld.idx.msk [tilespmem:v50+s13+$0x0], $0xffff  }
0x241: {  	v63 =	vld.idx.msk [tilespmem:v54+s14+$0x0], $0xffff;
	v18 =	vmul.f32 v61, v61;
	v19 =	vsub.f32 v11, v51;
	v4 =	vadd.f32 v60, v4  }
0x242: {  	v10 =	vld.idx.msk [tilespmem:v54+s13+$0x0], $0xffff;
	v20 =	vor.u32 $0x1A, v3  }
0x243: {  	v21 =	vld.idx.msk [tilespmem:v58+s14+$0x0], $0xffff;
	v23 =	vsub.f32 v8, v55;
	v22 =	vmul.f32 v19, v19;
	v4 =	vadd.f32 v18, v4  }
0x244: {  	v12 =	vld.idx.msk [tilespmem:v58+s13+$0x0], $0xffff;
	v24 =	vor.u32 $0x1B, v3  }
0x245: {  	v25 =	vld.idx.msk [tilespmem:v62+s14+$0x0], $0xffff;
	v27 =	vsub.f32 v7, v59;
	v26 =	vmul.f32 v23, v23;
	v4 =	vadd.f32 v22, v4  }
0x246: {  	v9 =	vld.idx.msk [tilespmem:v62+s13+$0x0], $0xffff;
	v28 =	vor.u32 $0x1C, v3  }
0x247: {  	v31 =	vsub.f32 v10, v63;
	v29 =	vld.idx.msk [tilespmem:v20+s14+$0x0], $0xffff;
	v30 =	vmul.f32 v27, v27;
	v4 =	vadd.f32 v26, v4  }
0x248: {  	v11 =	vld.idx.msk [tilespmem:v20+s13+$0x0], $0xffff;
	v32 =	vor.u32 $0x1D, v3  }
0x249: {  	v35 =	vsub.f32 v12, v21;
	v34 =	vmul.f32 v31, v31;
	v33 =	vld.idx.msk [tilespmem:v24+s14+$0x0], $0xffff;
	v4 =	vadd.f32 v30, v4  }
0x24a: {  	v8 =	vld.idx.msk [tilespmem:v24+s13+$0x0], $0xffff;
	v36 =	vor.u32 $0x1E, v3  }
0x24b: {  	v38 =	vmul.f32 v35, v35;
	v39 =	vsub.f32 v9, v25;
	v37 =	vld.idx.msk [tilespmem:v28+s14+$0x0], $0xffff;
	v4 =	vadd.f32 v34, v4  }
0x24c: {  	v3 =	vor.u32 $0x1F, v3;
	v7 =	vld.idx.msk [tilespmem:v28+s13+$0x0], $0xffff  }
0x24d: {  	v41 =	vmul.f32 v39, v39;
	v42 =	vsub.f32 v11, v29;
	v40 =	vld.idx.msk [tilespmem:v32+s14+$0x0], $0xffff;
	v4 =	vadd.f32 v38, v4  }
0x24e: {  	v10 =	vld.idx.msk [tilespmem:v32+s13+$0x0], $0xffff  }
0x24f: {  	v44 =	vmul.f32 v42, v42;
	v45 =	vsub.f32 v8, v33;
	v43 =	vld.idx.msk [tilespmem:v36+s14+$0x0], $0xffff;
	v4 =	vadd.f32 v41, v4  }
0x250: {  	v46 =	vld.idx.msk [tilespmem:v36+s13+$0x0], $0xffff  }
0x251: {  	v47 =	vld.idx.msk [tilespmem:v3+s14+$0x0], $0xffff;
	v48 =	vmul.f32 v45, v45;
	v49 =	vsub.f32 v7, v37;
	v4 =	vadd.f32 v44, v4  }
0x252: {  	v3 =	vld.idx.msk [tilespmem:v3+s13+$0x0], $0xffff  }
0x253: {  	v50 =	vmul.f32 v49, v49;
	v51 =	vsub.f32 v10, v40;
	v4 =	vadd.f32 v48, v4;
	_ =	sdelay $0x1  }
0x254: {  	v52 =	vmul.f32 v51, v51;
	v53 =	vsub.f32 v46, v43;
	v4 =	vadd.f32 v50, v4;
	_ =	sdelay $0x1  }
0x255: {  	v3 =	vsub.f32 v3, v47;
	v54 =	vmul.f32 v53, v53;
	v4 =	vadd.f32 v52, v4;
	_ =	sdelay $0x1  }
0x256: {  	v3 =	vmul.f32 v3, v3;
	v4 =	vadd.f32 v54, v4;
	_ =	sdelay $0x1  }
0x257: {  	v3 =	vadd.f32 v3, v4;
	_ =	sdelay $0x1  }
0x258: {  	v3 =	vmax.f32 v3, $1.000000020e-35  }
0x259: {  	v55 =	vshra.s32 v3, $0x1;
	v56 =	vmul.f32 $5.000000000e-01, v3  }
0x25a: {  	v4 =	vsub.s32 $0x5F3759DF, v55  }
0x25b: {  	v57 =	vmul.f32 v4, v56;
	_ =	sdelay $0x1  }
0x25c: {  	v6 =	vmul.f32 v4, v57;
	_ =	sdelay $0x1  }
0x25d: {  	v6 =	vsub.f32 $1.500000000e+00, v6;
	_ =	sdelay $0x1  }
0x25e: {  	s2 =	sadd.s32 $0x10, s30;
	v4 =	vmul.f32 v4, v6  }
0x25f: {  	s31 =	sadd.s32 $0x10, s31;
	v58 =	vld [tilespmem:s2+$0x0]  }
0x260: {  	v60 =	vld [tilespmem:s31+$0x0];
	v59 =	vmul.f32 v4, v56;
	_ =	sdelay $0x1  }
0x261: {  	v7 =	vmul.f32 v59, v4;
	_ =	sdelay $0x1  }
0x262: {  	v2 =	vshll.u32 v2, $0x4;
	v61 =	vand.u32 $0xFFFFFFF8, v58;
	v7 =	vsub.f32 $1.500000000e+00, v7  }
0x263: {  	v9 =	vadd.s32 v2, v61;
	v62 =	vand.u32 $0xFFFFFFF8, v60  }
0x264: {  	v63 =	vand.u32 $0x7, v60;
	v2 =	vadd.s32 v2, v62;
	v4 =	vmul.f32 v7, v4  }
0x265: {  	v2 =	vor.u32 v63, v2;
	v6 =	vand.u32 $0x7, v58  }
0x266: {  	v6 =	vor.u32 v6, v9;
	v5 =	vmul.f32 v4, v56;
	_ =	sdelay $0x1  }
0x267: {  	v5 =	vmul.f32 v5, v4;
	_ =	sdelay $0x1  }
0x268: {  	v2 =	vld.idx.msk [tilespmem:v2+s18+$0x0], $0xffff;
	v5 =	vsub.f32 $1.500000000e+00, v5  }
0x269: {  	v6 =	vld.idx.msk [tilespmem:v6+s16+$0x0], $0xffff  }
0x26a: {  	v4 =	vmul.f32 v5, v4;
	_ =	sdelay $0x1  }
0x26b: {  	v3 =	vmul.f32 v4, v3;
	_ =	sdelay $0x1  }
0x26c: {  	v2 =	vadd.f32 v2, v6;
	v1 =	vmul.f32 v3, v1;
	_ =	sdelay $0x1  }
0x26d: {  	s29 =	sadd.s32 $0x1, s29;
	v1 =	vsub.f32 v2, v1  }
0x26e: {  	p0 =	sne.s32 s29, s9;
	s0 =	sadd.s32 $0x10, s0  }
.Ltmp1:
0x26f: {  	[tilespmem:s0+$0x0] =	vst v1;
	(pc) =	sbr.rel @p0 .LBB2_1-.Ltmp1, $4  }
0x270: {  	[hbm4b:s8+s3] =	stream.linear.scatter [tilespmem:s28], [sflag:$0x2], $0x200, $0x38;
	[tilespmem:$0xCE10] =	vst v63  }
0x271: {  	_ =	swait.ge [sflag:s10], $0x200  }
0x272: {  	[sflag:s10] =	ssyncset.done $0x0  }
0x273: {  	[sflag:s10] =	ssyncadd.s32 $0xFFFFFE00  }
0x274: {  	_ =	sfence.sel $0x180000  }
0x275: {  	[bflag:$0x0] =	sbarrier.arrive $0xFFFF  }
0x276: {  	_ =	strace $0x90000047  }
0x277: {  	s0 =	stileid.u32;
	[bflag:$0x2] =	sbarrier.arrive $0xFFFF  }
0x278: {  	p0 =	sne.s32 s0, $0x0;
	s0 =	rddreg [dreg:$0x5]  }
0x279: {  	s0 =	sadd.s32 @!p0 $0x100000, s0  }
0x27a: {  	[sflag:s0] =	ssyncadd.tile.s32 @!p0 $0x1;
	_ =	shalt  }
.Lfunc_end2:
_tile_overlayer_lowered:
.L_overlay_start_2:
0x27b: {  	(tag) =	ssettag $0x2  }
0x27c: {  	s0 =	rddreg [dreg:$0x0];
	s2 =	stileid.u32  }
0x27d: {  	s1 =	rddreg [dreg:$0x1];
	p0 =	sne.s32 s2, $0x0  }
0x27e: {  	s3 =	rddreg [dreg:$0x2];
	[bflag:$0x3] =	sbarrier.arrive $0xFFFF;
	s2 =	simm.s32 @!p0 $0x1C02  }
0x27f: {  	[timem:s3], [sflag:s2] =	dma.local @!p0 [hbm:s0], s1  }
0x280: {  	s0 =	simm.s32 @!p0 $0x2  }
0x281: {  	_ =	swait.ge @!p0 [sflag:s0], s1  }
0x282: {  	s1 =	ssub.s32 @!p0 $0x0, s1;
	[sflag:s0] =	ssyncset.done @!p0 $0x0  }
0x283: {  	[sflag:s0] =	ssyncadd.s32 @!p0 s1  }
0x284: {  	[bflag:$0x3] =	sbarrier.arrive $0xFFFF  }
0x285: {  	_ =	shalt  }

</sc_bundles>
